<compile_context>
chip_gen: v7x
topology: tpu7x:2x2x1
jax: 0.10.2.dev20260603
libtpu: 0.0.44.dev20260713+nightly
codegen_flags: <defaults>
</compile_context>

<pallas_src>
import jax
import jax.numpy as jnp
from jax import lax
from jax.experimental import pallas as pl
from jax.experimental.pallas import tpu as pltpu
from jax.experimental.pallas import tpu_sc as plsc

N = 10000
E = 160000
DZ = 64

NC = 2
NS = 16
NW = NC * NS

ROWS_PER_W = 313
N_PAD = ROWS_PER_W * NW
NEG = -1.0e30

GCH = 1000
EDGES_PER_W = E // NW

DCH = 8000
NCHUNK = E // DCH
G = 128
FLUSH = 4096
MBUF = FLUSH + DCH + 256


def _zw_body(x_ref, posp_ref, w1a_ref, w1b_ref, b1_ref, z_ref, w_ref):
  pw = jnp.dot(posp_ref[...], w1b_ref[...], preferred_element_type=jnp.float32)
  z_ref[...] = (
      jnp.dot(x_ref[...], w1a_ref[...], preferred_element_type=jnp.float32)
      + pw + b1_ref[...]
  )
  w_ref[...] = pw


def _stage_a(x, posp, w1a, w1bp, b1):
  blk = 1000
  return pl.pallas_call(
      _zw_body,
      grid=(N // blk,),
      in_specs=[
          pl.BlockSpec((blk, 256), lambda i: (i, 0)),
          pl.BlockSpec((blk, 8), lambda i: (i, 0)),
          pl.BlockSpec((256, DZ), lambda i: (0, 0)),
          pl.BlockSpec((8, DZ), lambda i: (0, 0)),
          pl.BlockSpec((1, DZ), lambda i: (0, 0)),
      ],
      out_specs=[
          pl.BlockSpec((blk, DZ), lambda i: (i, 0)),
          pl.BlockSpec((blk, DZ), lambda i: (i, 0)),
      ],
      out_shape=[
          jax.ShapeDtypeStruct((N, DZ), jnp.float32),
          jax.ShapeDtypeStruct((N, DZ), jnp.float32),
      ],
      compiler_params=pltpu.CompilerParams(
          dimension_semantics=("arbitrary",)),
  )(x, posp, w1a, w1bp, b1)


def _gather_body(z_hbm, w_hbm, src_hbm, dst_hbm, zs_hbm, wd_hbm,
                 idx_v, rows_v, sem):
  wid = lax.axis_index("s") * NC + lax.axis_index("c")
  for tbl_hbm, eidx_hbm, out_hbm in ((z_hbm, src_hbm, zs_hbm),
                                     (w_hbm, dst_hbm, wd_hbm)):
    for c in range(EDGES_PER_W // GCH):
      base = wid * EDGES_PER_W + c * GCH
      pltpu.sync_copy(eidx_hbm.at[pl.ds(base, GCH)], idx_v)
      pltpu.async_copy(tbl_hbm.at[idx_v], rows_v, sem).wait()
      pltpu.sync_copy(rows_v, out_hbm.at[pl.ds(base, GCH)])


def _stage_b(z, w, src, dst):
  mesh = plsc.VectorSubcoreMesh(core_axis_name="c", subcore_axis_name="s")
  f = pl.kernel(
      _gather_body,
      out_type=[
          jax.ShapeDtypeStruct((E, DZ), jnp.float32),
          jax.ShapeDtypeStruct((E, DZ), jnp.float32),
      ],
      mesh=mesh,
      scratch_types=[
          pltpu.VMEM((GCH,), jnp.int32),
          pltpu.VMEM((GCH, DZ), jnp.float32),
          pltpu.SemaphoreType.DMA,
      ],
      compiler_params=pltpu.CompilerParams(use_tc_tiling_on_sc=False,
                                          needs_layout_passes=False),
  )
  return f(z, w, src, dst)


def _mlp_body(zs_ref, wd_ref, w2_ref, b2_ref, w3e_ref, b3e_ref, w3o_ref,
              b3o_ref, h3_ref):
  h1 = jnp.maximum(zs_ref[...] - wd_ref[...], 0.0).astype(jnp.bfloat16)
  h2 = jnp.maximum(
      jnp.dot(h1, w2_ref[...], preferred_element_type=jnp.float32)
      + b2_ref[...], 0.0).astype(jnp.bfloat16)
  he = (jnp.dot(h2, w3e_ref[...], preferred_element_type=jnp.float32)
        + b3e_ref[...]).astype(jnp.bfloat16)
  ho = (jnp.dot(h2, w3o_ref[...], preferred_element_type=jnp.float32)
        + b3o_ref[...]).astype(jnp.bfloat16)
  lo = jax.lax.bitcast_convert_type(he, jnp.int16).astype(jnp.int32) & 0xFFFF
  hi = jax.lax.bitcast_convert_type(ho, jnp.int16).astype(jnp.int32)
  h3_ref[...] = lo | (hi << 16)


def _stage_c(zs, wd, w2, b2, w3e, b3e, w3o, b3o):
  blk = 2000
  return pl.pallas_call(
      _mlp_body,
      grid=(E // blk,),
      in_specs=[
          pl.BlockSpec((blk, DZ), lambda i: (i, 0)),
          pl.BlockSpec((blk, DZ), lambda i: (i, 0)),
          pl.BlockSpec((DZ, 128), lambda i: (0, 0)),
          pl.BlockSpec((1, 128), lambda i: (0, 0)),
          pl.BlockSpec((128, 128), lambda i: (0, 0)),
          pl.BlockSpec((1, 128), lambda i: (0, 0)),
          pl.BlockSpec((128, 128), lambda i: (0, 0)),
          pl.BlockSpec((1, 128), lambda i: (0, 0)),
      ],
      out_specs=pl.BlockSpec((blk, 128), lambda i: (i, 0)),
      out_shape=jax.ShapeDtypeStruct((E, 128), jnp.int32),
      compiler_params=pltpu.CompilerParams(
          dimension_semantics=("arbitrary",)),
  )(zs, wd, w2, b2, w3e, b3e, w3o, b3o)


AGG_W = (ROWS_PER_W + 1) * 128


def _segmax_body(h3_hbm, dst_hbm, agg_hbm, aggf, dstbuf, meid, mld,
                 rows_a, rows_b, sem_a, sem_b):
  wid = lax.axis_index("s") * NC + lax.axis_index("c")
  lo = wid * ROWS_PER_W
  hi = lo + ROWS_PER_W
  iota = lax.iota(jnp.int32, 16)
  neg_pair = plsc.bitcast(jnp.full((32,), NEG, jnp.bfloat16), jnp.int32)

  def init_body(i, _):
    aggf[pl.ds(i * 16, 16)] = neg_pair
    return 0
  lax.fori_loop(0, AGG_W // 16, init_body, 0)

  def minit_body(i, _):
    meid[pl.ds(i * 16, 16)] = jnp.zeros((16,), jnp.int32)
    return 0
  lax.fori_loop(0, MBUF // 16, minit_body, 0)

  def issue(g, rows_ref, sem):
    pltpu.async_copy(h3_hbm.at[meid.at[pl.ds(g * G, G)]], rows_ref, sem)

  def drain(rows_ref, sem):
    pltpu.make_async_copy(h3_hbm.at[meid.at[pl.ds(0, G)]], rows_ref,
                          sem).wait()

  def flush(n):
    ng = (n + G - 1) // G

    def process(g, rows_ref):
      gb = g * G

      def row_body(r, _):
        jr = gb + r
        jr_v = jnp.full((16,), jr, jnp.int32)
        ldb = plsc.load_gather(mld, [jr_v])
        ld_safe = jnp.where(jr_v < n, ldb,
                            jnp.full((16,), ROWS_PER_W, jnp.int32))
        base = ld_safe * 128
        for k in range(8):
          idx = base + (k * 16 + iota)
          cur = plsc.bitcast(plsc.load_gather(aggf, [idx]), jnp.bfloat16)
          val = plsc.bitcast(rows_ref[r, pl.ds(k * 16, 16)], jnp.bfloat16)
          mx = plsc.bitcast(jnp.maximum(cur, val), jnp.int32)
          plsc.store_scatter(aggf, [idx], mx)
        return 0
      lax.fori_loop(0, jnp.minimum(G, n - gb), row_body, 0)

    @pl.when(ng > 0)
    def _():
      issue(0, rows_a, sem_a)

    def pair_body(p, _):
      ga = 2 * p
      gb_ = 2 * p + 1

      @pl.when(gb_ < ng)
      def _():
        issue(gb_, rows_b, sem_b)
      drain(rows_a, sem_a)
      process(ga, rows_a)

      @pl.when(gb_ < ng)
      def _():
        @pl.when(gb_ + 1 < ng)
        def _():
          issue(gb_ + 1, rows_a, sem_a)
        drain(rows_b, sem_b)
        process(gb_, rows_b)
      return 0

    lax.fori_loop(0, (ng + 1) // 2, pair_body, 0)

  def do_chunk(c, buf, off_vec):
    cbase = c * DCH

    def comp_body(i, ov):
      d = buf[pl.ds(i * 16, 16)]
      m = (d >= lo) & (d < hi)
      pos = ov + plsc.cumsum(m.astype(jnp.int32)) - 1
      eid = cbase + i * 16 + iota
      plsc.store_scatter(meid, [pos], eid, mask=m)
      plsc.store_scatter(mld, [pos], d - lo, mask=m)
      return ov + plsc.all_reduce_population_count(m)

    off_vec = lax.fori_loop(0, DCH // 16, comp_body, off_vec)
    n = jnp.max(off_vec)
    do_flush = (n >= FLUSH) | (c >= NCHUNK - 1)

    @pl.when(do_flush)
    def _():
      flush(n)

    return jnp.where(jnp.full((16,), do_flush), 0, off_vec)

  def chunk_body(c, off_vec):
    pltpu.sync_copy(dst_hbm.at[pl.ds(c * DCH, DCH)], dstbuf)
    return do_chunk(c, dstbuf, off_vec)

  lax.fori_loop(0, NCHUNK, chunk_body, jnp.zeros((16,), jnp.int32))

  pltpu.sync_copy(aggf.at[pl.ds(0, ROWS_PER_W * 128)],
                  agg_hbm.at[pl.ds(wid * ROWS_PER_W * 128,
                                   ROWS_PER_W * 128)])


def _stage_d(h3, dst):
  mesh = plsc.VectorSubcoreMesh(core_axis_name="c", subcore_axis_name="s")
  f = pl.kernel(
      _segmax_body,
      out_type=jax.ShapeDtypeStruct((N_PAD * 128,), jnp.int32),
      mesh=mesh,
      scratch_types=[
          pltpu.VMEM((AGG_W,), jnp.int32),
          pltpu.VMEM((DCH,), jnp.int32),
          pltpu.VMEM((MBUF,), jnp.int32),
          pltpu.VMEM((MBUF,), jnp.int32),
          pltpu.VMEM((G, 128), jnp.int32),
          pltpu.VMEM((G, 128), jnp.int32),
          pltpu.SemaphoreType.DMA,
          pltpu.SemaphoreType.DMA,
      ],
      compiler_params=pltpu.CompilerParams(needs_layout_passes=False),
  )
  return f(h3, dst)


def _out_body(aggi_ref, wge_ref, wgo_ref, bg_ref, out_ref):
  v = aggi_ref[...]
  ae = jax.lax.bitcast_convert_type(v << 16, jnp.float32)
  ao = jax.lax.bitcast_convert_type(v & jnp.int32(-65536), jnp.float32)
  ae = jnp.where(ae > -1.0e29, ae, 0.0).astype(jnp.bfloat16)
  ao = jnp.where(ao > -1.0e29, ao, 0.0).astype(jnp.bfloat16)
  out_ref[...] = jnp.maximum(
      jnp.dot(ae, wge_ref[...], preferred_element_type=jnp.float32)
      + jnp.dot(ao, wgo_ref[...], preferred_element_type=jnp.float32)
      + bg_ref[...], 0.0)


def _stage_e(aggi, wge, wgo, bg):
  blk = 1000
  return pl.pallas_call(
      _out_body,
      grid=(N // blk,),
      in_specs=[
          pl.BlockSpec((blk, 128), lambda i: (i, 0)),
          pl.BlockSpec((128, 256), lambda i: (0, 0)),
          pl.BlockSpec((128, 256), lambda i: (0, 0)),
          pl.BlockSpec((1, 256), lambda i: (0, 0)),
      ],
      out_specs=pl.BlockSpec((blk, 256), lambda i: (i, 0)),
      out_shape=jax.ShapeDtypeStruct((N, 256), jnp.float32),
      compiler_params=pltpu.CompilerParams(
          dimension_semantics=("arbitrary",)),
  )(aggi, wge, wgo, bg)


def kernel(x, pos, edge_index, W1, b1, W2, b2, W3, b3, Wg, bg):
  src = edge_index[0].astype(jnp.int32)
  dst = edge_index[1].astype(jnp.int32)
  w1a = W1[:256]
  w1bp = jnp.zeros((8, DZ), jnp.float32).at[:3].set(W1[256:])
  posp = jnp.zeros((N, 8), jnp.float32).at[:, :3].set(pos)

  z, w = _stage_a(x, posp, w1a, w1bp, b1.reshape(1, DZ))
  zs, wd = _stage_b(z, w, src, dst)
  w3b = W3.astype(jnp.bfloat16)
  h3 = _stage_c(zs, wd, W2.astype(jnp.bfloat16), b2.reshape(1, 128),
                w3b[:, 0::2], b3[0::2].reshape(1, 128),
                w3b[:, 1::2], b3[1::2].reshape(1, 128))
  agg1d = _stage_d(h3, dst)
  aggi = agg1d.reshape(N_PAD, 128)
  return _stage_e(aggi, Wg[0::2].astype(jnp.bfloat16),
                  Wg[1::2].astype(jnp.bfloat16), bg.reshape(1, 256))

# --- scband reference (transcript-rebuilt; emitter-appended) ---
"""Pipeline reference for scband-point-net-layer-76227079570061 (READ-ONLY COPY).

The authoritative reference and input builder live on the scoring server;
editing this copy changes nothing except your own understanding.
"""

import jax, jax.numpy as jnp
import numpy as np

N = 10000
E = 160000
D_IN = 256
D_OUT = 256


def setup_inputs(seed: int = 0) -> dict:
    key = jax.random.key(seed)
    ks = jax.random.split(key, 12)
    x = jax.random.normal(ks[0], (N, D_IN), dtype=jnp.float32)
    pos = jax.random.normal(ks[1], (N, 3), dtype=jnp.float32)
    edge_index = jax.random.randint(ks[2], (2, E), 0, N).astype(jnp.int64)
    # local_nn: Linear(D_IN+3 -> 64) -> ReLU -> Linear(64 -> 128) -> ReLU -> Linear(128 -> D_OUT)
    W1 = jax.random.normal(ks[3], (D_IN + 3, 64), dtype=jnp.float32) / np.sqrt(D_IN + 3)
    b1 = jnp.zeros((64,), dtype=jnp.float32)
    W2 = jax.random.normal(ks[4], (64, 128), dtype=jnp.float32) / np.sqrt(64)
    b2 = jnp.zeros((128,), dtype=jnp.float32)
    W3 = jax.random.normal(ks[5], (128, D_OUT), dtype=jnp.float32) / np.sqrt(128)
    b3 = jnp.zeros((D_OUT,), dtype=jnp.float32)
    # global_nn: Linear(D_OUT -> D_OUT) -> ReLU
    Wg = jax.random.normal(ks[6], (D_OUT, D_OUT), dtype=jnp.float32) / np.sqrt(D_OUT)
    bg = jnp.zeros((D_OUT,), dtype=jnp.float32)
    return {"x": x, "pos": pos, "edge_index": edge_index,
            "W1": W1, "b1": b1, "W2": W2, "b2": b2, "W3": W3, "b3": b3,
            "Wg": Wg, "bg": bg}


def reference(x, pos, edge_index, W1, b1, W2, b2, W3, b3, Wg, bg):
    # PyG PointNetConv semantics: message = local_nn([x_j, pos_j - pos_i]),
    # aggregate = max over incoming edges per dst node, out = global_nn(agg).
    src = edge_index[0]
    dst = edge_index[1]
    x_j = jnp.take(x, src, axis=0)
    rel_pos = jnp.take(pos, src, axis=0) - jnp.take(pos, dst, axis=0)
    h = jnp.concatenate([x_j, rel_pos], axis=1)
    h = jax.nn.relu(h @ W1 + b1)
    h = jax.nn.relu(h @ W2 + b2)
    h = h @ W3 + b3
    agg = jax.ops.segment_max(h, dst, num_segments=N)
    # nodes with no incoming edges get -inf from segment_max; PyG fills with 0
    agg = jnp.where(jnp.isfinite(agg), agg, 0.0)
    out = jax.nn.relu(agg @ Wg + bg)
    return out

if __name__ == "__main__":
    import jax
    _d = setup_inputs()
    print(jax.jit(kernel)(*tuple(_d.values())))

</pallas_src>

<mosaic_0001>
#map = affine_map<(d0, d1) -> (0, 0)>
#map1 = affine_map<(d0, d1) -> (0)>
module attributes {stable_mosaic.version = 14 : i64} {
  func.func @_segmax_body(%arg0: i32, %arg1: i32, %arg2: memref<160000x128xi32, #tpu.memory_space<hbm>>, %arg3: memref<160000xi32, #tpu.memory_space<hbm>>, %arg4: memref<1282048xi32, #tpu.memory_space<hbm>>, %arg5: memref<40192xi32, #tpu.memory_space<vmem>>, %arg6: memref<8000xi32, #tpu.memory_space<vmem>>, %arg7: memref<12352xi32, #tpu.memory_space<vmem>>, %arg8: memref<12352xi32, #tpu.memory_space<vmem>>, %arg9: memref<128x128xi32, #tpu.memory_space<vmem>>, %arg10: memref<128x128xi32, #tpu.memory_space<vmem>>, %arg11: memref<!tpu.dma_semaphore, #tpu.memory_space<semaphore_mem>>, %arg12: memref<!tpu.dma_semaphore, #tpu.memory_space<semaphore_mem>>) attributes {dimension_semantics = [#tpu.dimension_semantics<core_parallel>, #tpu.dimension_semantics<subcore_parallel>], iteration_bounds = array<i64: 2, 16>, scalar_prefetch = 0 : i64, scratch_operands = 8 : i64, tpu.core_type = #tpu.core_type<sc_vector_subcore>, window_params = [{transform_indices = #map}, {transform_indices = #map1}, {transform_indices = #map1}]} {
    %mul3A = arith.constant 2 : i32
    %mul3A_0 = arith.muli %arg1, %mul3A : i32
    %add3A = arith.addi %mul3A_0, %arg0 : i32
    %mul3A_1 = arith.constant 313 : i32
    %mul3A_2 = arith.muli %add3A, %mul3A_1 : i32
    %add3A_3 = arith.constant 313 : i32
    %add3A_4 = arith.addi %mul3A_2, %add3A_3 : i32
    %iota3A = tpu.iota {dimensions = array<i32: 0>} : vector<16xi32>
    %broadcast_in_dim3A = arith.constant -1.000260e+30 : bf16
    %broadcast_in_dim3A_5 = vector.broadcast %broadcast_in_dim3A : bf16 to vector<32xbf16>
    %bitcast3A = vector.bitcast %broadcast_in_dim3A_5 : vector<32xbf16> to vector<16xi32>
    %scan3A = arith.constant 0 : i32
    %scan3A_6 = arith.constant 0 : i32
    %scan3A_7 = arith.constant 2512 : i32
    %scan3A_8 = arith.addi %scan3A_6, %scan3A_7 : i32
    %scan3A_9 = arith.constant 1 : i32
    %scan3A_10 = scf.for %scan3A_31 = %scan3A_6 to %scan3A_8 step %scan3A_9 iter_args(%scan3A_32 = %scan3A) -> (i32)  : i32 {
      %mul3A_33 = arith.constant 16 : i32
      %mul3A_34 = arith.muli %scan3A_31, %mul3A_33 : i32
      %swap3A = arith.index_cast %mul3A_34 : i32 to index
      %swap3A_35 = tpu.vector_load %arg5[%swap3A] {strides = array<i32>} : memref<40192xi32, #tpu.memory_space<vmem>>, vector<16xi32>,
      tpu.vector_store %arg5[%swap3A], %bitcast3A {strides = array<i32>} : memref<40192xi32, #tpu.memory_space<vmem>>, vector<16xi32>,
      %scan3A_36 = arith.constant 0 : i32
      scf.yield %scan3A_36 : i32
    }
    %scan3A_11 = arith.constant 2512 : i32
    %scan3A_12 = arith.constant 0 : i32
    %scan3A_13 = arith.constant 0 : i32
    %scan3A_14 = arith.constant 772 : i32
    %scan3A_15 = arith.addi %scan3A_13, %scan3A_14 : i32
    %scan3A_16 = arith.constant 1 : i32
    %scan3A_17 = scf.for %scan3A_31 = %scan3A_13 to %scan3A_15 step %scan3A_16 iter_args(%scan3A_32 = %scan3A_12) -> (i32)  : i32 {
      %broadcast_in_dim3A_33 = arith.constant 0 : i32
      %broadcast_in_dim3A_34 = vector.broadcast %broadcast_in_dim3A_33 : i32 to vector<16xi32>
      %mul3A_35 = arith.constant 16 : i32
      %mul3A_36 = arith.muli %scan3A_31, %mul3A_35 : i32
      %swap3A = arith.index_cast %mul3A_36 : i32 to index
      %swap3A_37 = tpu.vector_load %arg7[%swap3A] {strides = array<i32>} : memref<12352xi32, #tpu.memory_space<vmem>>, vector<16xi32>,
      tpu.vector_store %arg7[%swap3A], %broadcast_in_dim3A_34 {strides = array<i32>} : memref<12352xi32, #tpu.memory_space<vmem>>, vector<16xi32>,
      %scan3A_38 = arith.constant 0 : i32
      scf.yield %scan3A_38 : i32
    }
    %scan3A_18 = arith.constant 772 : i32
    %broadcast_in_dim3A_19 = arith.constant 0 : i32
    %broadcast_in_dim3A_20 = vector.broadcast %broadcast_in_dim3A_19 : i32 to vector<16xi32>
    %scan3A_21 = arith.constant 0 : i32
    %scan3A_22 = arith.constant 20 : i32
    %scan3A_23 = arith.addi %scan3A_21, %scan3A_22 : i32
    %scan3A_24 = arith.constant 1 : i32
    %scan3A_25 = scf.for %scan3A_31 = %scan3A_21 to %scan3A_23 step %scan3A_24 iter_args(%scan3A_32 = %broadcast_in_dim3A_20) -> (vector<16xi32>)  : i32 {
      %mul3A_33 = arith.constant 8000 : i32
      %mul3A_34 = arith.muli %scan3A_31, %mul3A_33 : i32
      "tpu.region"() ({
        %run_scoped3A = tpu.sem_alloc : memref<!tpu.dma_semaphore, #tpu.memory_space<semaphore_mem>>
        %dma_start3A = tpu.memref_slice %arg3[%mul3A_34] : memref<160000xi32, #tpu.memory_space<hbm>> -> memref<8000xi32, #tpu.memory_space<hbm>>
        %dma_start3A_56 = tpu.memref_slice %arg3[%mul3A_34] : memref<160000xi32, #tpu.memory_space<hbm>> -> memref<8000xi32, #tpu.memory_space<hbm>>
        tpu.enqueue_dma source(%dma_start3A_56 : memref<8000xi32, #tpu.memory_space<hbm>>) target(%arg6 : memref<8000xi32, #tpu.memory_space<vmem>>) target_semaphore(%run_scoped3A : memref<!tpu.dma_semaphore, #tpu.memory_space<semaphore_mem>>)
        %dma_wait3A = tpu.memref_slice %arg3[%mul3A_34] : memref<160000xi32, #tpu.memory_space<hbm>> -> memref<8000xi32, #tpu.memory_space<hbm>>
        %dma_wait3A_57 = tpu.memref_slice %arg3[%mul3A_34] : memref<160000xi32, #tpu.memory_space<hbm>> -> memref<8000xi32, #tpu.memory_space<hbm>>
        tpu.wait_dma2 semaphore(%run_scoped3A : memref<!tpu.dma_semaphore, #tpu.memory_space<semaphore_mem>>) src(%dma_wait3A_57 : memref<8000xi32, #tpu.memory_space<hbm>>) dst(%arg6 : memref<8000xi32, #tpu.memory_space<vmem>>)
        tpu.yield
      }) : () -> ()
      %mul3A_35 = arith.constant 8000 : i32
      %mul3A_36 = arith.muli %scan3A_31, %mul3A_35 : i32
      %scan3A_37 = arith.constant 0 : i32
      %scan3A_38 = arith.constant 500 : i32
      %scan3A_39 = arith.addi %scan3A_37, %scan3A_38 : i32
      %scan3A_40 = arith.constant 1 : i32
      %scan3A_41 = scf.for %scan3A_56 = %scan3A_37 to %scan3A_39 step %scan3A_40 iter_args(%scan3A_57 = %scan3A_32) -> (vector<16xi32>)  : i32 {
        %mul3A_58 = arith.constant 16 : i32
        %mul3A_59 = arith.muli %scan3A_56, %mul3A_58 : i32
        %get3A = arith.index_cast %mul3A_59 : i32 to index
        %get3A_60 = tpu.vector_load %arg6[%get3A] {strides = array<i32>} : memref<8000xi32, #tpu.memory_space<vmem>>, vector<16xi32>,
        %ge3A_61 = vector.broadcast %mul3A_2 : i32 to vector<16xi32>
        %ge3A_62 = arith.cmpi sge, %get3A_60, %ge3A_61 : vector<16xi32>
        %lt3A = vector.broadcast %add3A_4 : i32 to vector<16xi32>
        %lt3A_63 = arith.cmpi slt, %get3A_60, %lt3A : vector<16xi32>
        %and3A = arith.andi %ge3A_62, %lt3A_63 : vector<16xi1>
        %convert_element_type3A_64 = arith.extui %and3A : vector<16xi1> to vector<16xi32>
        %broadcast_in_dim3A_65 = arith.constant true
        %broadcast_in_dim3A_66 = vector.broadcast %broadcast_in_dim3A_65 : i1 to vector<16xi1>
        %masked_cumsum3A = tpu.scan <sum>, %convert_element_type3A_64 masked %broadcast_in_dim3A_66 : vector<16xi32>, vector<16xi1> -> vector<16xi32>
        %add3A_67 = arith.addi %scan3A_57, %masked_cumsum3A : vector<16xi32>
        %sub3A = arith.constant 1 : i32
        %sub3A_68 = vector.broadcast %sub3A : i32 to vector<16xi32>
        %sub3A_69 = arith.subi %add3A_67, %sub3A_68 : vector<16xi32>
        %mul3A_70 = arith.constant 16 : i32
        %mul3A_71 = arith.muli %scan3A_56, %mul3A_70 : i32
        %add3A_72 = arith.addi %mul3A_36, %mul3A_71 : i32
        %add3A_73 = vector.broadcast %add3A_72 : i32 to vector<16xi32>
        %add3A_74 = arith.addi %add3A_73, %iota3A : vector<16xi32>
        tpu.vector_store_idx %arg7[%sub3A_69], %add3A_74 masked %and3A : memref<12352xi32, #tpu.memory_space<vmem>>[vector<16xi32>], vector<16xi32>, vector<16xi1>
        %sub3A_75 = vector.broadcast %mul3A_2 : i32 to vector<16xi32>
        %sub3A_76 = arith.subi %get3A_60, %sub3A_75 : vector<16xi32>
        tpu.vector_store_idx %arg8[%sub3A_69], %sub3A_76 masked %and3A : memref<12352xi32, #tpu.memory_space<vmem>>[vector<16xi32>], vector<16xi32>, vector<16xi1>
        %all_reduce_population_count3A = tpu.all_reduce %and3A {dim = 0 : i64, kind = #tpu.reduction_kind<sum>} : vector<16xi1> -> vector<16xi32>
        %add3A_77 = arith.addi %scan3A_57, %all_reduce_population_count3A : vector<16xi32>
        scf.yield %add3A_77 : vector<16xi32>
      }
      %scan3A_42 = arith.constant 500 : i32
      %reduce_max3A = arith.constant true
      %reduce_max3A_43 = vector.broadcast %reduce_max3A : i1 to vector<16xi1>
      %reduce_max3A_44 = arith.constant -2147483648 : i32
      %reduce_max3A_45 = vector.broadcast %reduce_max3A_44 : i32 to vector<16xi32>
      %reduce_max3A_46 = arith.xori %scan3A_41, %reduce_max3A_45 : vector<16xi32>
      %reduce_max3A_47 = tpu.scan <max>, %reduce_max3A_46 masked %reduce_max3A_43 : vector<16xi32>, vector<16xi1> -> vector<16xi32>
      %reduce_max3A_48 = arith.xori %reduce_max3A_47, %reduce_max3A_45 : vector<16xi32>
      %reduce_max3A_49 = vector.extract %reduce_max3A_48[15] : i32 from vector<16xi32>
      %ge3A = arith.constant 4096 : i32
      %ge3A_50 = arith.cmpi sge, %reduce_max3A_49, %ge3A : i32
      %ge3A_51 = arith.constant 19 : i32
      %ge3A_52 = arith.cmpi sge, %scan3A_31, %ge3A_51 : i32
      %or3A = arith.ori %ge3A_50, %ge3A_52 : i1
      %convert_element_type3A = arith.extui %or3A : i1 to i32
      %cond3A = arith.constant 0 : i32
      %cond3A_53 = arith.cmpi ne, %convert_element_type3A, %cond3A : i32
      scf.if %cond3A_53 {
        %add3A_56 = arith.constant 128 : i32
        %add3A_57 = arith.addi %reduce_max3A_49, %add3A_56 : i32
        %sub3A = arith.constant 1 : i32
        %sub3A_58 = arith.subi %add3A_57, %sub3A : i32
        %jit3A_59 = arith.constant 128 : i32
        %div3A = arith.divsi %sub3A_58, %jit3A_59 : i32
        %sign3A = arith.constant 0 : i32
        %sign3A_60 = arith.cmpi sgt, %sub3A_58, %sign3A : i32
        %sign3A_61 = arith.extui %sign3A_60 : i1 to i32
        %sign3A_62 = arith.constant 0 : i32
        %sign3A_63 = arith.cmpi slt, %sub3A_58, %sign3A_62 : i32
        %sign3A_64 = arith.extui %sign3A_63 : i1 to i32
        %sign3A_65 = arith.subi %sign3A_61, %sign3A_64 : i32
        %sign3A_66 = arith.constant 0 : i32
        %sign3A_67 = arith.cmpi sgt, %jit3A_59, %sign3A_66 : i32
        %sign3A_68 = arith.extui %sign3A_67 : i1 to i32
        %sign3A_69 = arith.constant 0 : i32
        %sign3A_70 = arith.cmpi slt, %jit3A_59, %sign3A_69 : i32
        %sign3A_71 = arith.extui %sign3A_70 : i1 to i32
        %sign3A_72 = arith.subi %sign3A_68, %sign3A_71 : i32
        %ne3A = arith.cmpi ne, %sign3A_65, %sign3A_72 : i32
        %rem3A = arith.remsi %sub3A_58, %jit3A_59 : i32
        %ne3A_73 = arith.constant 0 : i32
        %ne3A_74 = arith.cmpi ne, %rem3A, %ne3A_73 : i32
        %and3A = arith.andi %ne3A, %ne3A_74 : i1
        %sub3A_75 = arith.constant 1 : i32
        %sub3A_76 = arith.subi %div3A, %sub3A_75 : i32
        %select_n3A_77 = arith.select %and3A, %sub3A_76, %div3A : i32
        %gt3A = arith.constant 0 : i32
        %gt3A_78 = arith.cmpi sgt, %select_n3A_77, %gt3A : i32
        %convert_element_type3A_79 = arith.extui %gt3A_78 : i1 to i32
        %cond3A_80 = arith.constant 0 : i32
        %cond3A_81 = arith.cmpi ne, %convert_element_type3A_79, %cond3A_80 : i32
        scf.if %cond3A_81 {
          %dma_start3A = arith.constant 0 : i32
          %dma_start3A_119 = tpu.memref_slice %arg7[%dma_start3A] : memref<12352xi32, #tpu.memory_space<vmem>> -> memref<128xi32, #tpu.memory_space<vmem>>
          %dma_start3A_120 = arith.constant 0 : i32
          %dma_start3A_121 = arith.constant 0 : i32
          %dma_start3A_122 = tpu.memref_slice %arg2[%dma_start3A_120, %dma_start3A_121] : memref<160000x128xi32, #tpu.memory_space<hbm>> -> memref<160000x128xi32, #tpu.memory_space<hbm>>
          tpu.enqueue_indirect_dma source(%dma_start3A_122 : memref<160000x128xi32, #tpu.memory_space<hbm>>) target(%arg9 : memref<128x128xi32, #tpu.memory_space<vmem>>) offsets(%dma_start3A_119 : memref<128xi32, #tpu.memory_space<vmem>>) semaphore(%arg11 : memref<!tpu.dma_semaphore, #tpu.memory_space<semaphore_mem>>)
        } else {
        }
        %add3A_82 = arith.constant 1 : i32
        %add3A_83 = arith.addi %select_n3A_77, %add3A_82 : i32
        %jit3A_84 = arith.constant 2 : i32
        %div3A_85 = arith.divsi %add3A_83, %jit3A_84 : i32
        %sign3A_86 = arith.constant 0 : i32
        %sign3A_87 = arith.cmpi sgt, %add3A_83, %sign3A_86 : i32
        %sign3A_88 = arith.extui %sign3A_87 : i1 to i32
        %sign3A_89 = arith.constant 0 : i32
        %sign3A_90 = arith.cmpi slt, %add3A_83, %sign3A_89 : i32
        %sign3A_91 = arith.extui %sign3A_90 : i1 to i32
        %sign3A_92 = arith.subi %sign3A_88, %sign3A_91 : i32
        %sign3A_93 = arith.constant 0 : i32
        %sign3A_94 = arith.cmpi sgt, %jit3A_84, %sign3A_93 : i32
        %sign3A_95 = arith.extui %sign3A_94 : i1 to i32
        %sign3A_96 = arith.constant 0 : i32
        %sign3A_97 = arith.cmpi slt, %jit3A_84, %sign3A_96 : i32
        %sign3A_98 = arith.extui %sign3A_97 : i1 to i32
        %sign3A_99 = arith.subi %sign3A_95, %sign3A_98 : i32
        %ne3A_100 = arith.cmpi ne, %sign3A_92, %sign3A_99 : i32
        %rem3A_101 = arith.remsi %add3A_83, %jit3A_84 : i32
        %ne3A_102 = arith.constant 0 : i32
        %ne3A_103 = arith.cmpi ne, %rem3A_101, %ne3A_102 : i32
        %and3A_104 = arith.andi %ne3A_100, %ne3A_103 : i1
        %sub3A_105 = arith.constant 1 : i32
        %sub3A_106 = arith.subi %div3A_85, %sub3A_105 : i32
        %select_n3A_107 = arith.select %and3A_104, %sub3A_106, %div3A_85 : i32
        %while3A = arith.constant 0 : i32
        %while3A_108 = arith.constant 0 : i32
        %while3A_109 = arith.subi %select_n3A_107, %while3A : i32
        %while3A_110 = arith.addi %while3A, %while3A_109 : i32
        %while3A_111 = arith.constant 1 : i32
        %while3A_112 = arith.divsi %while3A_109, %while3A_111 : i32
        %while3A_113 = arith.muli %while3A_112, %while3A_111 : i32
        %while3A_114 = arith.addi %while3A, %while3A_113 : i32
        %while3A_115 = arith.constant 1 : i32
        %while3A_116 = scf.for %while3A_119 = %while3A to %while3A_114 step %while3A_115 iter_args(%while3A_120 = %while3A_108) -> (i32)  : i32 {
          %mul3A_121 = arith.constant 2 : i32
          %mul3A_122 = arith.muli %mul3A_121, %while3A_119 : i32
          %mul3A_123 = arith.constant 2 : i32
          %mul3A_124 = arith.muli %mul3A_123, %while3A_119 : i32
          %add3A_125 = arith.constant 1 : i32
          %add3A_126 = arith.addi %mul3A_124, %add3A_125 : i32
          %lt3A = arith.cmpi slt, %add3A_126, %select_n3A_77 : i32
          %convert_element_type3A_127 = arith.extui %lt3A : i1 to i32
          %cond3A_128 = arith.constant 0 : i32
          %cond3A_129 = arith.cmpi ne, %convert_element_type3A_127, %cond3A_128 : i32
          scf.if %cond3A_129 {
            %mul3A_155 = arith.constant 128 : i32
            %mul3A_156 = arith.muli %add3A_126, %mul3A_155 : i32
            %dma_start3A = tpu.memref_slice %arg7[%mul3A_156] : memref<12352xi32, #tpu.memory_space<vmem>> -> memref<128xi32, #tpu.memory_space<vmem>>
            %dma_start3A_157 = arith.constant 0 : i32
            %dma_start3A_158 = arith.constant 0 : i32
            %dma_start3A_159 = tpu.memref_slice %arg2[%dma_start3A_157, %dma_start3A_158] : memref<160000x128xi32, #tpu.memory_space<hbm>> -> memref<160000x128xi32, #tpu.memory_space<hbm>>
            tpu.enqueue_indirect_dma source(%dma_start3A_159 : memref<160000x128xi32, #tpu.memory_space<hbm>>) target(%arg10 : memref<128x128xi32, #tpu.memory_space<vmem>>) offsets(%dma_start3A : memref<128xi32, #tpu.memory_space<vmem>>) semaphore(%arg12 : memref<!tpu.dma_semaphore, #tpu.memory_space<semaphore_mem>>)
          } else {
          }
          %dma_wait3A = arith.constant 0 : i32
          %dma_wait3A_130 = tpu.memref_slice %arg7[%dma_wait3A] : memref<12352xi32, #tpu.memory_space<vmem>> -> memref<128xi32, #tpu.memory_space<vmem>>
          %dma_wait3A_131 = arith.constant 0 : i32
          %dma_wait3A_132 = arith.constant 0 : i32
          %dma_wait3A_133 = tpu.memref_slice %arg2[%dma_wait3A_131, %dma_wait3A_132] : memref<160000x128xi32, #tpu.memory_space<hbm>> -> memref<160000x128xi32, #tpu.memory_space<hbm>>
          tpu.wait_indirect_dma semaphore(%arg11 : memref<!tpu.dma_semaphore, #tpu.memory_space<semaphore_mem>>) src(%dma_wait3A_133 : memref<160000x128xi32, #tpu.memory_space<hbm>>) dst(%arg9 : memref<128x128xi32, #tpu.memory_space<vmem>>)
          %mul3A_134 = arith.constant 128 : i32
          %mul3A_135 = arith.muli %mul3A_122, %mul3A_134 : i32
          %sub3A_136 = arith.subi %reduce_max3A_49, %mul3A_135 : i32
          %min3A = arith.constant 128 : i32
          %min3A_137 = arith.minsi %min3A, %sub3A_136 : i32
          %while3A_138 = arith.constant 0 : i32
          %while3A_139 = arith.constant 0 : i32
          %while3A_140 = arith.subi %min3A_137, %while3A_138 : i32
          %while3A_141 = arith.addi %while3A_138, %while3A_140 : i32
          %while3A_142 = arith.constant 1 : i32
          %while3A_143 = arith.divsi %while3A_140, %while3A_142 : i32
          %while3A_144 = arith.muli %while3A_143, %while3A_142 : i32
          %while3A_145 = arith.addi %while3A_138, %while3A_144 : i32
          %while3A_146 = arith.constant 1 : i32
          %while3A_147 = scf.for %while3A_155 = %while3A_138 to %while3A_145 step %while3A_146 iter_args(%while3A_156 = %while3A_139) -> (i32)  : i32 {
            %add3A_157 = arith.addi %mul3A_135, %while3A_155 : i32
            %broadcast_in_dim3A_158 = vector.broadcast %add3A_157 : i32 to vector<16xi32>
            %gather3A = tpu.vector_load_idx %arg8[%broadcast_in_dim3A_158] : memref<12352xi32, #tpu.memory_space<vmem>>[vector<16xi32>], vector<16xi32>,
            %lt3A_159 = vector.broadcast %reduce_max3A_49 : i32 to vector<16xi32>
            %lt3A_160 = arith.cmpi slt, %broadcast_in_dim3A_158, %lt3A_159 : vector<16xi32>
            %broadcast_in_dim3A_161 = arith.constant 313 : i32
            %broadcast_in_dim3A_162 = vector.broadcast %broadcast_in_dim3A_161 : i32 to vector<16xi32>
            %select_n3A_163 = arith.select %lt3A_160, %gather3A, %broadcast_in_dim3A_162 : vector<16xi1>, vector<16xi32>
            %mul3A_164 = arith.constant 128 : i32
            %mul3A_165 = vector.broadcast %mul3A_164 : i32 to vector<16xi32>
            %mul3A_166 = arith.muli %select_n3A_163, %mul3A_165 : vector<16xi32>
            %add3A_167 = arith.constant 0 : i32
            %add3A_168 = vector.broadcast %add3A_167 : i32 to vector<16xi32>
            %add3A_169 = arith.addi %add3A_168, %iota3A : vector<16xi32>
            %add3A_170 = arith.addi %mul3A_166, %add3A_169 : vector<16xi32>
            %gather3A_171 = tpu.vector_load_idx %arg5[%add3A_170] : memref<40192xi32, #tpu.memory_space<vmem>>[vector<16xi32>], vector<16xi32>,
            %bitcast3A_172 = vector.bitcast %gather3A_171 : vector<16xi32> to vector<32xbf16>
            %get3A = arith.index_cast %while3A_155 : i32 to index
            %get3A_173 = arith.constant 0 : index
            %get3A_174 = tpu.vector_load %arg9[%get3A, %get3A_173] {strides = array<i32>} : memref<128x128xi32, #tpu.memory_space<vmem>>, vector<16xi32>,
            %bitcast3A_175 = vector.bitcast %get3A_174 : vector<16xi32> to vector<32xbf16>
            %max3A = arith.maximumf %bitcast3A_172, %bitcast3A_175 : vector<32xbf16>
            %bitcast3A_176 = vector.bitcast %max3A : vector<32xbf16> to vector<16xi32>
            tpu.vector_store_idx %arg5[%add3A_170], %bitcast3A_176 : memref<40192xi32, #tpu.memory_space<vmem>>[vector<16xi32>], vector<16xi32>,
            %add3A_177 = arith.constant 16 : i32
            %add3A_178 = vector.broadcast %add3A_177 : i32 to vector<16xi32>
            %add3A_179 = arith.addi %add3A_178, %iota3A : vector<16xi32>
            %add3A_180 = arith.addi %mul3A_166, %add3A_179 : vector<16xi32>
            %gather3A_181 = tpu.vector_load_idx %arg5[%add3A_180] : memref<40192xi32, #tpu.memory_space<vmem>>[vector<16xi32>], vector<16xi32>,
            %bitcast3A_182 = vector.bitcast %gather3A_181 : vector<16xi32> to vector<32xbf16>
            %get3A_183 = arith.index_cast %while3A_155 : i32 to index
            %get3A_184 = arith.constant 16 : index
            %get3A_185 = tpu.vector_load %arg9[%get3A_183, %get3A_184] {strides = array<i32>} : memref<128x128xi32, #tpu.memory_space<vmem>>, vector<16xi32>,
            %bitcast3A_186 = vector.bitcast %get3A_185 : vector<16xi32> to vector<32xbf16>
            %max3A_187 = arith.maximumf %bitcast3A_182, %bitcast3A_186 : vector<32xbf16>
            %bitcast3A_188 = vector.bitcast %max3A_187 : vector<32xbf16> to vector<16xi32>
            tpu.vector_store_idx %arg5[%add3A_180], %bitcast3A_188 : memref<40192xi32, #tpu.memory_space<vmem>>[vector<16xi32>], vector<16xi32>,
            %add3A_189 = arith.constant 32 : i32
            %add3A_190 = vector.broadcast %add3A_189 : i32 to vector<16xi32>
            %add3A_191 = arith.addi %add3A_190, %iota3A : vector<16xi32>
            %add3A_192 = arith.addi %mul3A_166, %add3A_191 : vector<16xi32>
            %gather3A_193 = tpu.vector_load_idx %arg5[%add3A_192] : memref<40192xi32, #tpu.memory_space<vmem>>[vector<16xi32>], vector<16xi32>,
            %bitcast3A_194 = vector.bitcast %gather3A_193 : vector<16xi32> to vector<32xbf16>
            %get3A_195 = arith.index_cast %while3A_155 : i32 to index
            %get3A_196 = arith.constant 32 : index
            %get3A_197 = tpu.vector_load %arg9[%get3A_195, %get3A_196] {strides = array<i32>} : memref<128x128xi32, #tpu.memory_space<vmem>>, vector<16xi32>,
            %bitcast3A_198 = vector.bitcast %get3A_197 : vector<16xi32> to vector<32xbf16>
            %max3A_199 = arith.maximumf %bitcast3A_194, %bitcast3A_198 : vector<32xbf16>
            %bitcast3A_200 = vector.bitcast %max3A_199 : vector<32xbf16> to vector<16xi32>
            tpu.vector_store_idx %arg5[%add3A_192], %bitcast3A_200 : memref<40192xi32, #tpu.memory_space<vmem>>[vector<16xi32>], vector<16xi32>,
            %add3A_201 = arith.constant 48 : i32
            %add3A_202 = vector.broadcast %add3A_201 : i32 to vector<16xi32>
            %add3A_203 = arith.addi %add3A_202, %iota3A : vector<16xi32>
            %add3A_204 = arith.addi %mul3A_166, %add3A_203 : vector<16xi32>
            %gather3A_205 = tpu.vector_load_idx %arg5[%add3A_204] : memref<40192xi32, #tpu.memory_space<vmem>>[vector<16xi32>], vector<16xi32>,
            %bitcast3A_206 = vector.bitcast %gather3A_205 : vector<16xi32> to vector<32xbf16>
            %get3A_207 = arith.index_cast %while3A_155 : i32 to index
            %get3A_208 = arith.constant 48 : index
            %get3A_209 = tpu.vector_load %arg9[%get3A_207, %get3A_208] {strides = array<i32>} : memref<128x128xi32, #tpu.memory_space<vmem>>, vector<16xi32>,
            %bitcast3A_210 = vector.bitcast %get3A_209 : vector<16xi32> to vector<32xbf16>
            %max3A_211 = arith.maximumf %bitcast3A_206, %bitcast3A_210 : vector<32xbf16>
            %bitcast3A_212 = vector.bitcast %max3A_211 : vector<32xbf16> to vector<16xi32>
            tpu.vector_store_idx %arg5[%add3A_204], %bitcast3A_212 : memref<40192xi32, #tpu.memory_space<vmem>>[vector<16xi32>], vector<16xi32>,
            %add3A_213 = arith.constant 64 : i32
            %add3A_214 = vector.broadcast %add3A_213 : i32 to vector<16xi32>
            %add3A_215 = arith.addi %add3A_214, %iota3A : vector<16xi32>
            %add3A_216 = arith.addi %mul3A_166, %add3A_215 : vector<16xi32>
            %gather3A_217 = tpu.vector_load_idx %arg5[%add3A_216] : memref<40192xi32, #tpu.memory_space<vmem>>[vector<16xi32>], vector<16xi32>,
            %bitcast3A_218 = vector.bitcast %gather3A_217 : vector<16xi32> to vector<32xbf16>
            %get3A_219 = arith.index_cast %while3A_155 : i32 to index
            %get3A_220 = arith.constant 64 : index
            %get3A_221 = tpu.vector_load %arg9[%get3A_219, %get3A_220] {strides = array<i32>} : memref<128x128xi32, #tpu.memory_space<vmem>>, vector<16xi32>,
            %bitcast3A_222 = vector.bitcast %get3A_221 : vector<16xi32> to vector<32xbf16>
            %max3A_223 = arith.maximumf %bitcast3A_218, %bitcast3A_222 : vector<32xbf16>
            %bitcast3A_224 = vector.bitcast %max3A_223 : vector<32xbf16> to vector<16xi32>
            tpu.vector_store_idx %arg5[%add3A_216], %bitcast3A_224 : memref<40192xi32, #tpu.memory_space<vmem>>[vector<16xi32>], vector<16xi32>,
            %add3A_225 = arith.constant 80 : i32
            %add3A_226 = vector.broadcast %add3A_225 : i32 to vector<16xi32>
            %add3A_227 = arith.addi %add3A_226, %iota3A : vector<16xi32>
            %add3A_228 = arith.addi %mul3A_166, %add3A_227 : vector<16xi32>
            %gather3A_229 = tpu.vector_load_idx %arg5[%add3A_228] : memref<40192xi32, #tpu.memory_space<vmem>>[vector<16xi32>], vector<16xi32>,
            %bitcast3A_230 = vector.bitcast %gather3A_229 : vector<16xi32> to vector<32xbf16>
            %get3A_231 = arith.index_cast %while3A_155 : i32 to index
            %get3A_232 = arith.constant 80 : index
            %get3A_233 = tpu.vector_load %arg9[%get3A_231, %get3A_232] {strides = array<i32>} : memref<128x128xi32, #tpu.memory_space<vmem>>, vector<16xi32>,
            %bitcast3A_234 = vector.bitcast %get3A_233 : vector<16xi32> to vector<32xbf16>
            %max3A_235 = arith.maximumf %bitcast3A_230, %bitcast3A_234 : vector<32xbf16>
            %bitcast3A_236 = vector.bitcast %max3A_235 : vector<32xbf16> to vector<16xi32>
            tpu.vector_store_idx %arg5[%add3A_228], %bitcast3A_236 : memref<40192xi32, #tpu.memory_space<vmem>>[vector<16xi32>], vector<16xi32>,
            %add3A_237 = arith.constant 96 : i32
            %add3A_238 = vector.broadcast %add3A_237 : i32 to vector<16xi32>
            %add3A_239 = arith.addi %add3A_238, %iota3A : vector<16xi32>
            %add3A_240 = arith.addi %mul3A_166, %add3A_239 : vector<16xi32>
            %gather3A_241 = tpu.vector_load_idx %arg5[%add3A_240] : memref<40192xi32, #tpu.memory_space<vmem>>[vector<16xi32>], vector<16xi32>,
            %bitcast3A_242 = vector.bitcast %gather3A_241 : vector<16xi32> to vector<32xbf16>
            %get3A_243 = arith.index_cast %while3A_155 : i32 to index
            %get3A_244 = arith.constant 96 : index
            %get3A_245 = tpu.vector_load %arg9[%get3A_243, %get3A_244] {strides = array<i32>} : memref<128x128xi32, #tpu.memory_space<vmem>>, vector<16xi32>,
            %bitcast3A_246 = vector.bitcast %get3A_245 : vector<16xi32> to vector<32xbf16>
            %max3A_247 = arith.maximumf %bitcast3A_242, %bitcast3A_246 : vector<32xbf16>
            %bitcast3A_248 = vector.bitcast %max3A_247 : vector<32xbf16> to vector<16xi32>
            tpu.vector_store_idx %arg5[%add3A_240], %bitcast3A_248 : memref<40192xi32, #tpu.memory_space<vmem>>[vector<16xi32>], vector<16xi32>,
            %add3A_249 = arith.constant 112 : i32
            %add3A_250 = vector.broadcast %add3A_249 : i32 to vector<16xi32>
            %add3A_251 = arith.addi %add3A_250, %iota3A : vector<16xi32>
            %add3A_252 = arith.addi %mul3A_166, %add3A_251 : vector<16xi32>
            %gather3A_253 = tpu.vector_load_idx %arg5[%add3A_252] : memref<40192xi32, #tpu.memory_space<vmem>>[vector<16xi32>], vector<16xi32>,
            %bitcast3A_254 = vector.bitcast %gather3A_253 : vector<16xi32> to vector<32xbf16>
            %get3A_255 = arith.index_cast %while3A_155 : i32 to index
            %get3A_256 = arith.constant 112 : index
            %get3A_257 = tpu.vector_load %arg9[%get3A_255, %get3A_256] {strides = array<i32>} : memref<128x128xi32, #tpu.memory_space<vmem>>, vector<16xi32>,
            %bitcast3A_258 = vector.bitcast %get3A_257 : vector<16xi32> to vector<32xbf16>
            %max3A_259 = arith.maximumf %bitcast3A_254, %bitcast3A_258 : vector<32xbf16>
            %bitcast3A_260 = vector.bitcast %max3A_259 : vector<32xbf16> to vector<16xi32>
            tpu.vector_store_idx %arg5[%add3A_252], %bitcast3A_260 : memref<40192xi32, #tpu.memory_space<vmem>>[vector<16xi32>], vector<16xi32>,
            %while3A_261 = arith.constant 0 : i32
            scf.yield %while3A_261 : i32
          }
          %while3A_148 = arith.constant 1 : i32
          %while3A_149 = scf.for %while3A_155 = %while3A_145 to %while3A_141 step %while3A_148 iter_args(%while3A_156 = %while3A_147) -> (i32)  : i32 {
            %add3A_157 = arith.addi %mul3A_135, %while3A_155 : i32
            %broadcast_in_dim3A_158 = vector.broadcast %add3A_157 : i32 to vector<16xi32>
            %gather3A = tpu.vector_load_idx %arg8[%broadcast_in_dim3A_158] : memref<12352xi32, #tpu.memory_space<vmem>>[vector<16xi32>], vector<16xi32>,
            %lt3A_159 = vector.broadcast %reduce_max3A_49 : i32 to vector<16xi32>
            %lt3A_160 = arith.cmpi slt, %broadcast_in_dim3A_158, %lt3A_159 : vector<16xi32>
            %broadcast_in_dim3A_161 = arith.constant 313 : i32
            %broadcast_in_dim3A_162 = vector.broadcast %broadcast_in_dim3A_161 : i32 to vector<16xi32>
            %select_n3A_163 = arith.select %lt3A_160, %gather3A, %broadcast_in_dim3A_162 : vector<16xi1>, vector<16xi32>
            %mul3A_164 = arith.constant 128 : i32
            %mul3A_165 = vector.broadcast %mul3A_164 : i32 to vector<16xi32>
            %mul3A_166 = arith.muli %select_n3A_163, %mul3A_165 : vector<16xi32>
            %add3A_167 = arith.constant 0 : i32
            %add3A_168 = vector.broadcast %add3A_167 : i32 to vector<16xi32>
            %add3A_169 = arith.addi %add3A_168, %iota3A : vector<16xi32>
            %add3A_170 = arith.addi %mul3A_166, %add3A_169 : vector<16xi32>
            %gather3A_171 = tpu.vector_load_idx %arg5[%add3A_170] : memref<40192xi32, #tpu.memory_space<vmem>>[vector<16xi32>], vector<16xi32>,
            %bitcast3A_172 = vector.bitcast %gather3A_171 : vector<16xi32> to vector<32xbf16>
            %get3A = arith.index_cast %while3A_155 : i32 to index
            %get3A_173 = arith.constant 0 : index
            %get3A_174 = tpu.vector_load %arg9[%get3A, %get3A_173] {strides = array<i32>} : memref<128x128xi32, #tpu.memory_space<vmem>>, vector<16xi32>,
            %bitcast3A_175 = vector.bitcast %get3A_174 : vector<16xi32> to vector<32xbf16>
            %max3A = arith.maximumf %bitcast3A_172, %bitcast3A_175 : vector<32xbf16>
            %bitcast3A_176 = vector.bitcast %max3A : vector<32xbf16> to vector<16xi32>
            tpu.vector_store_idx %arg5[%add3A_170], %bitcast3A_176 : memref<40192xi32, #tpu.memory_space<vmem>>[vector<16xi32>], vector<16xi32>,
            %add3A_177 = arith.constant 16 : i32
            %add3A_178 = vector.broadcast %add3A_177 : i32 to vector<16xi32>
            %add3A_179 = arith.addi %add3A_178, %iota3A : vector<16xi32>
            %add3A_180 = arith.addi %mul3A_166, %add3A_179 : vector<16xi32>
            %gather3A_181 = tpu.vector_load_idx %arg5[%add3A_180] : memref<40192xi32, #tpu.memory_space<vmem>>[vector<16xi32>], vector<16xi32>,
            %bitcast3A_182 = vector.bitcast %gather3A_181 : vector<16xi32> to vector<32xbf16>
            %get3A_183 = arith.index_cast %while3A_155 : i32 to index
            %get3A_184 = arith.constant 16 : index
            %get3A_185 = tpu.vector_load %arg9[%get3A_183, %get3A_184] {strides = array<i32>} : memref<128x128xi32, #tpu.memory_space<vmem>>, vector<16xi32>,
            %bitcast3A_186 = vector.bitcast %get3A_185 : vector<16xi32> to vector<32xbf16>
            %max3A_187 = arith.maximumf %bitcast3A_182, %bitcast3A_186 : vector<32xbf16>
            %bitcast3A_188 = vector.bitcast %max3A_187 : vector<32xbf16> to vector<16xi32>
            tpu.vector_store_idx %arg5[%add3A_180], %bitcast3A_188 : memref<40192xi32, #tpu.memory_space<vmem>>[vector<16xi32>], vector<16xi32>,
            %add3A_189 = arith.constant 32 : i32
            %add3A_190 = vector.broadcast %add3A_189 : i32 to vector<16xi32>
            %add3A_191 = arith.addi %add3A_190, %iota3A : vector<16xi32>
            %add3A_192 = arith.addi %mul3A_166, %add3A_191 : vector<16xi32>
            %gather3A_193 = tpu.vector_load_idx %arg5[%add3A_192] : memref<40192xi32, #tpu.memory_space<vmem>>[vector<16xi32>], vector<16xi32>,
            %bitcast3A_194 = vector.bitcast %gather3A_193 : vector<16xi32> to vector<32xbf16>
            %get3A_195 = arith.index_cast %while3A_155 : i32 to index
            %get3A_196 = arith.constant 32 : index
            %get3A_197 = tpu.vector_load %arg9[%get3A_195, %get3A_196] {strides = array<i32>} : memref<128x128xi32, #tpu.memory_space<vmem>>, vector<16xi32>,
            %bitcast3A_198 = vector.bitcast %get3A_197 : vector<16xi32> to vector<32xbf16>
            %max3A_199 = arith.maximumf %bitcast3A_194, %bitcast3A_198 : vector<32xbf16>
            %bitcast3A_200 = vector.bitcast %max3A_199 : vector<32xbf16> to vector<16xi32>
            tpu.vector_store_idx %arg5[%add3A_192], %bitcast3A_200 : memref<40192xi32, #tpu.memory_space<vmem>>[vector<16xi32>], vector<16xi32>,
            %add3A_201 = arith.constant 48 : i32
            %add3A_202 = vector.broadcast %add3A_201 : i32 to vector<16xi32>
            %add3A_203 = arith.addi %add3A_202, %iota3A : vector<16xi32>
            %add3A_204 = arith.addi %mul3A_166, %add3A_203 : vector<16xi32>
            %gather3A_205 = tpu.vector_load_idx %arg5[%add3A_204] : memref<40192xi32, #tpu.memory_space<vmem>>[vector<16xi32>], vector<16xi32>,
            %bitcast3A_206 = vector.bitcast %gather3A_205 : vector<16xi32> to vector<32xbf16>
            %get3A_207 = arith.index_cast %while3A_155 : i32 to index
            %get3A_208 = arith.constant 48 : index
            %get3A_209 = tpu.vector_load %arg9[%get3A_207, %get3A_208] {strides = array<i32>} : memref<128x128xi32, #tpu.memory_space<vmem>>, vector<16xi32>,
            %bitcast3A_210 = vector.bitcast %get3A_209 : vector<16xi32> to vector<32xbf16>
            %max3A_211 = arith.maximumf %bitcast3A_206, %bitcast3A_210 : vector<32xbf16>
            %bitcast3A_212 = vector.bitcast %max3A_211 : vector<32xbf16> to vector<16xi32>
            tpu.vector_store_idx %arg5[%add3A_204], %bitcast3A_212 : memref<40192xi32, #tpu.memory_space<vmem>>[vector<16xi32>], vector<16xi32>,
            %add3A_213 = arith.constant 64 : i32
            %add3A_214 = vector.broadcast %add3A_213 : i32 to vector<16xi32>
            %add3A_215 = arith.addi %add3A_214, %iota3A : vector<16xi32>
            %add3A_216 = arith.addi %mul3A_166, %add3A_215 : vector<16xi32>
            %gather3A_217 = tpu.vector_load_idx %arg5[%add3A_216] : memref<40192xi32, #tpu.memory_space<vmem>>[vector<16xi32>], vector<16xi32>,
            %bitcast3A_218 = vector.bitcast %gather3A_217 : vector<16xi32> to vector<32xbf16>
            %get3A_219 = arith.index_cast %while3A_155 : i32 to index
            %get3A_220 = arith.constant 64 : index
            %get3A_221 = tpu.vector_load %arg9[%get3A_219, %get3A_220] {strides = array<i32>} : memref<128x128xi32, #tpu.memory_space<vmem>>, vector<16xi32>,
            %bitcast3A_222 = vector.bitcast %get3A_221 : vector<16xi32> to vector<32xbf16>
            %max3A_223 = arith.maximumf %bitcast3A_218, %bitcast3A_222 : vector<32xbf16>
            %bitcast3A_224 = vector.bitcast %max3A_223 : vector<32xbf16> to vector<16xi32>
            tpu.vector_store_idx %arg5[%add3A_216], %bitcast3A_224 : memref<40192xi32, #tpu.memory_space<vmem>>[vector<16xi32>], vector<16xi32>,
            %add3A_225 = arith.constant 80 : i32
            %add3A_226 = vector.broadcast %add3A_225 : i32 to vector<16xi32>
            %add3A_227 = arith.addi %add3A_226, %iota3A : vector<16xi32>
            %add3A_228 = arith.addi %mul3A_166, %add3A_227 : vector<16xi32>
            %gather3A_229 = tpu.vector_load_idx %arg5[%add3A_228] : memref<40192xi32, #tpu.memory_space<vmem>>[vector<16xi32>], vector<16xi32>,
            %bitcast3A_230 = vector.bitcast %gather3A_229 : vector<16xi32> to vector<32xbf16>
            %get3A_231 = arith.index_cast %while3A_155 : i32 to index
            %get3A_232 = arith.constant 80 : index
            %get3A_233 = tpu.vector_load %arg9[%get3A_231, %get3A_232] {strides = array<i32>} : memref<128x128xi32, #tpu.memory_space<vmem>>, vector<16xi32>,
            %bitcast3A_234 = vector.bitcast %get3A_233 : vector<16xi32> to vector<32xbf16>
            %max3A_235 = arith.maximumf %bitcast3A_230, %bitcast3A_234 : vector<32xbf16>
            %bitcast3A_236 = vector.bitcast %max3A_235 : vector<32xbf16> to vector<16xi32>
            tpu.vector_store_idx %arg5[%add3A_228], %bitcast3A_236 : memref<40192xi32, #tpu.memory_space<vmem>>[vector<16xi32>], vector<16xi32>,
            %add3A_237 = arith.constant 96 : i32
            %add3A_238 = vector.broadcast %add3A_237 : i32 to vector<16xi32>
            %add3A_239 = arith.addi %add3A_238, %iota3A : vector<16xi32>
            %add3A_240 = arith.addi %mul3A_166, %add3A_239 : vector<16xi32>
            %gather3A_241 = tpu.vector_load_idx %arg5[%add3A_240] : memref<40192xi32, #tpu.memory_space<vmem>>[vector<16xi32>], vector<16xi32>,
            %bitcast3A_242 = vector.bitcast %gather3A_241 : vector<16xi32> to vector<32xbf16>
            %get3A_243 = arith.index_cast %while3A_155 : i32 to index
            %get3A_244 = arith.constant 96 : index
            %get3A_245 = tpu.vector_load %arg9[%get3A_243, %get3A_244] {strides = array<i32>} : memref<128x128xi32, #tpu.memory_space<vmem>>, vector<16xi32>,
            %bitcast3A_246 = vector.bitcast %get3A_245 : vector<16xi32> to vector<32xbf16>
            %max3A_247 = arith.maximumf %bitcast3A_242, %bitcast3A_246 : vector<32xbf16>
            %bitcast3A_248 = vector.bitcast %max3A_247 : vector<32xbf16> to vector<16xi32>
            tpu.vector_store_idx %arg5[%add3A_240], %bitcast3A_248 : memref<40192xi32, #tpu.memory_space<vmem>>[vector<16xi32>], vector<16xi32>,
            %add3A_249 = arith.constant 112 : i32
            %add3A_250 = vector.broadcast %add3A_249 : i32 to vector<16xi32>
            %add3A_251 = arith.addi %add3A_250, %iota3A : vector<16xi32>
            %add3A_252 = arith.addi %mul3A_166, %add3A_251 : vector<16xi32>
            %gather3A_253 = tpu.vector_load_idx %arg5[%add3A_252] : memref<40192xi32, #tpu.memory_space<vmem>>[vector<16xi32>], vector<16xi32>,
            %bitcast3A_254 = vector.bitcast %gather3A_253 : vector<16xi32> to vector<32xbf16>
            %get3A_255 = arith.index_cast %while3A_155 : i32 to index
            %get3A_256 = arith.constant 112 : index
            %get3A_257 = tpu.vector_load %arg9[%get3A_255, %get3A_256] {strides = array<i32>} : memref<128x128xi32, #tpu.memory_space<vmem>>, vector<16xi32>,
            %bitcast3A_258 = vector.bitcast %get3A_257 : vector<16xi32> to vector<32xbf16>
            %max3A_259 = arith.maximumf %bitcast3A_254, %bitcast3A_258 : vector<32xbf16>
            %bitcast3A_260 = vector.bitcast %max3A_259 : vector<32xbf16> to vector<16xi32>
            tpu.vector_store_idx %arg5[%add3A_252], %bitcast3A_260 : memref<40192xi32, #tpu.memory_space<vmem>>[vector<16xi32>], vector<16xi32>,
            %while3A_261 = arith.constant 0 : i32
            scf.yield %while3A_261 : i32
          }
          %lt3A_150 = arith.cmpi slt, %add3A_126, %select_n3A_77 : i32
          %convert_element_type3A_151 = arith.extui %lt3A_150 : i1 to i32
          %cond3A_152 = arith.constant 0 : i32
          %cond3A_153 = arith.cmpi ne, %convert_element_type3A_151, %cond3A_152 : i32
          scf.if %cond3A_153 {
            %add3A_155 = arith.constant 1 : i32
            %add3A_156 = arith.addi %add3A_126, %add3A_155 : i32
            %lt3A_157 = arith.cmpi slt, %add3A_156, %select_n3A_77 : i32
            %convert_element_type3A_158 = arith.extui %lt3A_157 : i1 to i32
            %cond3A_159 = arith.constant 0 : i32
            %cond3A_160 = arith.cmpi ne, %convert_element_type3A_158, %cond3A_159 : i32
            scf.if %cond3A_160 {
              %add3A_183 = arith.constant 1 : i32
              %add3A_184 = arith.addi %add3A_126, %add3A_183 : i32
              %mul3A_185 = arith.constant 128 : i32
              %mul3A_186 = arith.muli %add3A_184, %mul3A_185 : i32
              %dma_start3A = tpu.memref_slice %arg7[%mul3A_186] : memref<12352xi32, #tpu.memory_space<vmem>> -> memref<128xi32, #tpu.memory_space<vmem>>
              %dma_start3A_187 = arith.constant 0 : i32
              %dma_start3A_188 = arith.constant 0 : i32
              %dma_start3A_189 = tpu.memref_slice %arg2[%dma_start3A_187, %dma_start3A_188] : memref<160000x128xi32, #tpu.memory_space<hbm>> -> memref<160000x128xi32, #tpu.memory_space<hbm>>
              tpu.enqueue_indirect_dma source(%dma_start3A_189 : memref<160000x128xi32, #tpu.memory_space<hbm>>) target(%arg9 : memref<128x128xi32, #tpu.memory_space<vmem>>) offsets(%dma_start3A : memref<128xi32, #tpu.memory_space<vmem>>) semaphore(%arg11 : memref<!tpu.dma_semaphore, #tpu.memory_space<semaphore_mem>>)
            } else {
            }
            %dma_wait3A_161 = arith.constant 0 : i32
            %dma_wait3A_162 = tpu.memref_slice %arg7[%dma_wait3A_161] : memref<12352xi32, #tpu.memory_space<vmem>> -> memref<128xi32, #tpu.memory_space<vmem>>
            %dma_wait3A_163 = arith.constant 0 : i32
            %dma_wait3A_164 = arith.constant 0 : i32
            %dma_wait3A_165 = tpu.memref_slice %arg2[%dma_wait3A_163, %dma_wait3A_164] : memref<160000x128xi32, #tpu.memory_space<hbm>> -> memref<160000x128xi32, #tpu.memory_space<hbm>>
            tpu.wait_indirect_dma semaphore(%arg12 : memref<!tpu.dma_semaphore, #tpu.memory_space<semaphore_mem>>) src(%dma_wait3A_165 : memref<160000x128xi32, #tpu.memory_space<hbm>>) dst(%arg10 : memref<128x128xi32, #tpu.memory_space<vmem>>)
            %mul3A_166 = arith.constant 128 : i32
            %mul3A_167 = arith.muli %add3A_126, %mul3A_166 : i32
            %sub3A_168 = arith.subi %reduce_max3A_49, %mul3A_167 : i32
            %min3A_169 = arith.constant 128 : i32
            %min3A_170 = arith.minsi %min3A_169, %sub3A_168 : i32
            %while3A_171 = arith.constant 0 : i32
            %while3A_172 = arith.constant 0 : i32
            %while3A_173 = arith.subi %min3A_170, %while3A_171 : i32
            %while3A_174 = arith.addi %while3A_171, %while3A_173 : i32
            %while3A_175 = arith.constant 1 : i32
            %while3A_176 = arith.divsi %while3A_173, %while3A_175 : i32
            %while3A_177 = arith.muli %while3A_176, %while3A_175 : i32
            %while3A_178 = arith.addi %while3A_171, %while3A_177 : i32
            %while3A_179 = arith.constant 1 : i32
            %while3A_180 = scf.for %while3A_183 = %while3A_171 to %while3A_178 step %while3A_179 iter_args(%while3A_184 = %while3A_172) -> (i32)  : i32 {
              %add3A_185 = arith.addi %mul3A_167, %while3A_183 : i32
              %broadcast_in_dim3A_186 = vector.broadcast %add3A_185 : i32 to vector<16xi32>
              %gather3A = tpu.vector_load_idx %arg8[%broadcast_in_dim3A_186] : memref<12352xi32, #tpu.memory_space<vmem>>[vector<16xi32>], vector<16xi32>,
              %lt3A_187 = vector.broadcast %reduce_max3A_49 : i32 to vector<16xi32>
              %lt3A_188 = arith.cmpi slt, %broadcast_in_dim3A_186, %lt3A_187 : vector<16xi32>
              %broadcast_in_dim3A_189 = arith.constant 313 : i32
              %broadcast_in_dim3A_190 = vector.broadcast %broadcast_in_dim3A_189 : i32 to vector<16xi32>
              %select_n3A_191 = arith.select %lt3A_188, %gather3A, %broadcast_in_dim3A_190 : vector<16xi1>, vector<16xi32>
              %mul3A_192 = arith.constant 128 : i32
              %mul3A_193 = vector.broadcast %mul3A_192 : i32 to vector<16xi32>
              %mul3A_194 = arith.muli %select_n3A_191, %mul3A_193 : vector<16xi32>
              %add3A_195 = arith.constant 0 : i32
              %add3A_196 = vector.broadcast %add3A_195 : i32 to vector<16xi32>
              %add3A_197 = arith.addi %add3A_196, %iota3A : vector<16xi32>
              %add3A_198 = arith.addi %mul3A_194, %add3A_197 : vector<16xi32>
              %gather3A_199 = tpu.vector_load_idx %arg5[%add3A_198] : memref<40192xi32, #tpu.memory_space<vmem>>[vector<16xi32>], vector<16xi32>,
              %bitcast3A_200 = vector.bitcast %gather3A_199 : vector<16xi32> to vector<32xbf16>
              %get3A = arith.index_cast %while3A_183 : i32 to index
              %get3A_201 = arith.constant 0 : index
              %get3A_202 = tpu.vector_load %arg10[%get3A, %get3A_201] {strides = array<i32>} : memref<128x128xi32, #tpu.memory_space<vmem>>, vector<16xi32>,
              %bitcast3A_203 = vector.bitcast %get3A_202 : vector<16xi32> to vector<32xbf16>
              %max3A = arith.maximumf %bitcast3A_200, %bitcast3A_203 : vector<32xbf16>
              %bitcast3A_204 = vector.bitcast %max3A : vector<32xbf16> to vector<16xi32>
              tpu.vector_store_idx %arg5[%add3A_198], %bitcast3A_204 : memref<40192xi32, #tpu.memory_space<vmem>>[vector<16xi32>], vector<16xi32>,
              %add3A_205 = arith.constant 16 : i32
              %add3A_206 = vector.broadcast %add3A_205 : i32 to vector<16xi32>
              %add3A_207 = arith.addi %add3A_206, %iota3A : vector<16xi32>
              %add3A_208 = arith.addi %mul3A_194, %add3A_207 : vector<16xi32>
              %gather3A_209 = tpu.vector_load_idx %arg5[%add3A_208] : memref<40192xi32, #tpu.memory_space<vmem>>[vector<16xi32>], vector<16xi32>,
              %bitcast3A_210 = vector.bitcast %gather3A_209 : vector<16xi32> to vector<32xbf16>
              %get3A_211 = arith.index_cast %while3A_183 : i32 to index
              %get3A_212 = arith.constant 16 : index
              %get3A_213 = tpu.vector_load %arg10[%get3A_211, %get3A_212] {strides = array<i32>} : memref<128x128xi32, #tpu.memory_space<vmem>>, vector<16xi32>,
              %bitcast3A_214 = vector.bitcast %get3A_213 : vector<16xi32> to vector<32xbf16>
              %max3A_215 = arith.maximumf %bitcast3A_210, %bitcast3A_214 : vector<32xbf16>
              %bitcast3A_216 = vector.bitcast %max3A_215 : vector<32xbf16> to vector<16xi32>
              tpu.vector_store_idx %arg5[%add3A_208], %bitcast3A_216 : memref<40192xi32, #tpu.memory_space<vmem>>[vector<16xi32>], vector<16xi32>,
              %add3A_217 = arith.constant 32 : i32
              %add3A_218 = vector.broadcast %add3A_217 : i32 to vector<16xi32>
              %add3A_219 = arith.addi %add3A_218, %iota3A : vector<16xi32>
              %add3A_220 = arith.addi %mul3A_194, %add3A_219 : vector<16xi32>
              %gather3A_221 = tpu.vector_load_idx %arg5[%add3A_220] : memref<40192xi32, #tpu.memory_space<vmem>>[vector<16xi32>], vector<16xi32>,
              %bitcast3A_222 = vector.bitcast %gather3A_221 : vector<16xi32> to vector<32xbf16>
              %get3A_223 = arith.index_cast %while3A_183 : i32 to index
              %get3A_224 = arith.constant 32 : index
              %get3A_225 = tpu.vector_load %arg10[%get3A_223, %get3A_224] {strides = array<i32>} : memref<128x128xi32, #tpu.memory_space<vmem>>, vector<16xi32>,
              %bitcast3A_226 = vector.bitcast %get3A_225 : vector<16xi32> to vector<32xbf16>
              %max3A_227 = arith.maximumf %bitcast3A_222, %bitcast3A_226 : vector<32xbf16>
              %bitcast3A_228 = vector.bitcast %max3A_227 : vector<32xbf16> to vector<16xi32>
              tpu.vector_store_idx %arg5[%add3A_220], %bitcast3A_228 : memref<40192xi32, #tpu.memory_space<vmem>>[vector<16xi32>], vector<16xi32>,
              %add3A_229 = arith.constant 48 : i32
              %add3A_230 = vector.broadcast %add3A_229 : i32 to vector<16xi32>
              %add3A_231 = arith.addi %add3A_230, %iota3A : vector<16xi32>
              %add3A_232 = arith.addi %mul3A_194, %add3A_231 : vector<16xi32>
              %gather3A_233 = tpu.vector_load_idx %arg5[%add3A_232] : memref<40192xi32, #tpu.memory_space<vmem>>[vector<16xi32>], vector<16xi32>,
              %bitcast3A_234 = vector.bitcast %gather3A_233 : vector<16xi32> to vector<32xbf16>
              %get3A_235 = arith.index_cast %while3A_183 : i32 to index
              %get3A_236 = arith.constant 48 : index
              %get3A_237 = tpu.vector_load %arg10[%get3A_235, %get3A_236] {strides = array<i32>} : memref<128x128xi32, #tpu.memory_space<vmem>>, vector<16xi32>,
              %bitcast3A_238 = vector.bitcast %get3A_237 : vector<16xi32> to vector<32xbf16>
              %max3A_239 = arith.maximumf %bitcast3A_234, %bitcast3A_238 : vector<32xbf16>
              %bitcast3A_240 = vector.bitcast %max3A_239 : vector<32xbf16> to vector<16xi32>
              tpu.vector_store_idx %arg5[%add3A_232], %bitcast3A_240 : memref<40192xi32, #tpu.memory_space<vmem>>[vector<16xi32>], vector<16xi32>,
              %add3A_241 = arith.constant 64 : i32
              %add3A_242 = vector.broadcast %add3A_241 : i32 to vector<16xi32>
              %add3A_243 = arith.addi %add3A_242, %iota3A : vector<16xi32>
              %add3A_244 = arith.addi %mul3A_194, %add3A_243 : vector<16xi32>
              %gather3A_245 = tpu.vector_load_idx %arg5[%add3A_244] : memref<40192xi32, #tpu.memory_space<vmem>>[vector<16xi32>], vector<16xi32>,
              %bitcast3A_246 = vector.bitcast %gather3A_245 : vector<16xi32> to vector<32xbf16>
              %get3A_247 = arith.index_cast %while3A_183 : i32 to index
              %get3A_248 = arith.constant 64 : index
              %get3A_249 = tpu.vector_load %arg10[%get3A_247, %get3A_248] {strides = array<i32>} : memref<128x128xi32, #tpu.memory_space<vmem>>, vector<16xi32>,
              %bitcast3A_250 = vector.bitcast %get3A_249 : vector<16xi32> to vector<32xbf16>
              %max3A_251 = arith.maximumf %bitcast3A_246, %bitcast3A_250 : vector<32xbf16>
              %bitcast3A_252 = vector.bitcast %max3A_251 : vector<32xbf16> to vector<16xi32>
              tpu.vector_store_idx %arg5[%add3A_244], %bitcast3A_252 : memref<40192xi32, #tpu.memory_space<vmem>>[vector<16xi32>], vector<16xi32>,
              %add3A_253 = arith.constant 80 : i32
              %add3A_254 = vector.broadcast %add3A_253 : i32 to vector<16xi32>
              %add3A_255 = arith.addi %add3A_254, %iota3A : vector<16xi32>
              %add3A_256 = arith.addi %mul3A_194, %add3A_255 : vector<16xi32>
              %gather3A_257 = tpu.vector_load_idx %arg5[%add3A_256] : memref<40192xi32, #tpu.memory_space<vmem>>[vector<16xi32>], vector<16xi32>,
              %bitcast3A_258 = vector.bitcast %gather3A_257 : vector<16xi32> to vector<32xbf16>
              %get3A_259 = arith.index_cast %while3A_183 : i32 to index
              %get3A_260 = arith.constant 80 : index
              %get3A_261 = tpu.vector_load %arg10[%get3A_259, %get3A_260] {strides = array<i32>} : memref<128x128xi32, #tpu.memory_space<vmem>>, vector<16xi32>,
              %bitcast3A_262 = vector.bitcast %get3A_261 : vector<16xi32> to vector<32xbf16>
              %max3A_263 = arith.maximumf %bitcast3A_258, %bitcast3A_262 : vector<32xbf16>
              %bitcast3A_264 = vector.bitcast %max3A_263 : vector<32xbf16> to vector<16xi32>
              tpu.vector_store_idx %arg5[%add3A_256], %bitcast3A_264 : memref<40192xi32, #tpu.memory_space<vmem>>[vector<16xi32>], vector<16xi32>,
              %add3A_265 = arith.constant 96 : i32
              %add3A_266 = vector.broadcast %add3A_265 : i32 to vector<16xi32>
              %add3A_267 = arith.addi %add3A_266, %iota3A : vector<16xi32>
              %add3A_268 = arith.addi %mul3A_194, %add3A_267 : vector<16xi32>
              %gather3A_269 = tpu.vector_load_idx %arg5[%add3A_268] : memref<40192xi32, #tpu.memory_space<vmem>>[vector<16xi32>], vector<16xi32>,
              %bitcast3A_270 = vector.bitcast %gather3A_269 : vector<16xi32> to vector<32xbf16>
              %get3A_271 = arith.index_cast %while3A_183 : i32 to index
              %get3A_272 = arith.constant 96 : index
              %get3A_273 = tpu.vector_load %arg10[%get3A_271, %get3A_272] {strides = array<i32>} : memref<128x128xi32, #tpu.memory_space<vmem>>, vector<16xi32>,
              %bitcast3A_274 = vector.bitcast %get3A_273 : vector<16xi32> to vector<32xbf16>
              %max3A_275 = arith.maximumf %bitcast3A_270, %bitcast3A_274 : vector<32xbf16>
              %bitcast3A_276 = vector.bitcast %max3A_275 : vector<32xbf16> to vector<16xi32>
              tpu.vector_store_idx %arg5[%add3A_268], %bitcast3A_276 : memref<40192xi32, #tpu.memory_space<vmem>>[vector<16xi32>], vector<16xi32>,
              %add3A_277 = arith.constant 112 : i32
              %add3A_278 = vector.broadcast %add3A_277 : i32 to vector<16xi32>
              %add3A_279 = arith.addi %add3A_278, %iota3A : vector<16xi32>
              %add3A_280 = arith.addi %mul3A_194, %add3A_279 : vector<16xi32>
              %gather3A_281 = tpu.vector_load_idx %arg5[%add3A_280] : memref<40192xi32, #tpu.memory_space<vmem>>[vector<16xi32>], vector<16xi32>,
              %bitcast3A_282 = vector.bitcast %gather3A_281 : vector<16xi32> to vector<32xbf16>
              %get3A_283 = arith.index_cast %while3A_183 : i32 to index
              %get3A_284 = arith.constant 112 : index
              %get3A_285 = tpu.vector_load %arg10[%get3A_283, %get3A_284] {strides = array<i32>} : memref<128x128xi32, #tpu.memory_space<vmem>>, vector<16xi32>,
              %bitcast3A_286 = vector.bitcast %get3A_285 : vector<16xi32> to vector<32xbf16>
              %max3A_287 = arith.maximumf %bitcast3A_282, %bitcast3A_286 : vector<32xbf16>
              %bitcast3A_288 = vector.bitcast %max3A_287 : vector<32xbf16> to vector<16xi32>
              tpu.vector_store_idx %arg5[%add3A_280], %bitcast3A_288 : memref<40192xi32, #tpu.memory_space<vmem>>[vector<16xi32>], vector<16xi32>,
              %while3A_289 = arith.constant 0 : i32
              scf.yield %while3A_289 : i32
            }
            %while3A_181 = arith.constant 1 : i32
            %while3A_182 = scf.for %while3A_183 = %while3A_178 to %while3A_174 step %while3A_181 iter_args(%while3A_184 = %while3A_180) -> (i32)  : i32 {
              %add3A_185 = arith.addi %mul3A_167, %while3A_183 : i32
              %broadcast_in_dim3A_186 = vector.broadcast %add3A_185 : i32 to vector<16xi32>
              %gather3A = tpu.vector_load_idx %arg8[%broadcast_in_dim3A_186] : memref<12352xi32, #tpu.memory_space<vmem>>[vector<16xi32>], vector<16xi32>,
              %lt3A_187 = vector.broadcast %reduce_max3A_49 : i32 to vector<16xi32>
              %lt3A_188 = arith.cmpi slt, %broadcast_in_dim3A_186, %lt3A_187 : vector<16xi32>
              %broadcast_in_dim3A_189 = arith.constant 313 : i32
              %broadcast_in_dim3A_190 = vector.broadcast %broadcast_in_dim3A_189 : i32 to vector<16xi32>
              %select_n3A_191 = arith.select %lt3A_188, %gather3A, %broadcast_in_dim3A_190 : vector<16xi1>, vector<16xi32>
              %mul3A_192 = arith.constant 128 : i32
              %mul3A_193 = vector.broadcast %mul3A_192 : i32 to vector<16xi32>
              %mul3A_194 = arith.muli %select_n3A_191, %mul3A_193 : vector<16xi32>
              %add3A_195 = arith.constant 0 : i32
              %add3A_196 = vector.broadcast %add3A_195 : i32 to vector<16xi32>
              %add3A_197 = arith.addi %add3A_196, %iota3A : vector<16xi32>
              %add3A_198 = arith.addi %mul3A_194, %add3A_197 : vector<16xi32>
              %gather3A_199 = tpu.vector_load_idx %arg5[%add3A_198] : memref<40192xi32, #tpu.memory_space<vmem>>[vector<16xi32>], vector<16xi32>,
              %bitcast3A_200 = vector.bitcast %gather3A_199 : vector<16xi32> to vector<32xbf16>
              %get3A = arith.index_cast %while3A_183 : i32 to index
              %get3A_201 = arith.constant 0 : index
              %get3A_202 = tpu.vector_load %arg10[%get3A, %get3A_201] {strides = array<i32>} : memref<128x128xi32, #tpu.memory_space<vmem>>, vector<16xi32>,
              %bitcast3A_203 = vector.bitcast %get3A_202 : vector<16xi32> to vector<32xbf16>
              %max3A = arith.maximumf %bitcast3A_200, %bitcast3A_203 : vector<32xbf16>
              %bitcast3A_204 = vector.bitcast %max3A : vector<32xbf16> to vector<16xi32>
              tpu.vector_store_idx %arg5[%add3A_198], %bitcast3A_204 : memref<40192xi32, #tpu.memory_space<vmem>>[vector<16xi32>], vector<16xi32>,
              %add3A_205 = arith.constant 16 : i32
              %add3A_206 = vector.broadcast %add3A_205 : i32 to vector<16xi32>
              %add3A_207 = arith.addi %add3A_206, %iota3A : vector<16xi32>
              %add3A_208 = arith.addi %mul3A_194, %add3A_207 : vector<16xi32>
              %gather3A_209 = tpu.vector_load_idx %arg5[%add3A_208] : memref<40192xi32, #tpu.memory_space<vmem>>[vector<16xi32>], vector<16xi32>,
              %bitcast3A_210 = vector.bitcast %gather3A_209 : vector<16xi32> to vector<32xbf16>
              %get3A_211 = arith.index_cast %while3A_183 : i32 to index
              %get3A_212 = arith.constant 16 : index
              %get3A_213 = tpu.vector_load %arg10[%get3A_211, %get3A_212] {strides = array<i32>} : memref<128x128xi32, #tpu.memory_space<vmem>>, vector<16xi32>,
              %bitcast3A_214 = vector.bitcast %get3A_213 : vector<16xi32> to vector<32xbf16>
              %max3A_215 = arith.maximumf %bitcast3A_210, %bitcast3A_214 : vector<32xbf16>
              %bitcast3A_216 = vector.bitcast %max3A_215 : vector<32xbf16> to vector<16xi32>
              tpu.vector_store_idx %arg5[%add3A_208], %bitcast3A_216 : memref<40192xi32, #tpu.memory_space<vmem>>[vector<16xi32>], vector<16xi32>,
              %add3A_217 = arith.constant 32 : i32
              %add3A_218 = vector.broadcast %add3A_217 : i32 to vector<16xi32>
              %add3A_219 = arith.addi %add3A_218, %iota3A : vector<16xi32>
              %add3A_220 = arith.addi %mul3A_194, %add3A_219 : vector<16xi32>
              %gather3A_221 = tpu.vector_load_idx %arg5[%add3A_220] : memref<40192xi32, #tpu.memory_space<vmem>>[vector<16xi32>], vector<16xi32>,
              %bitcast3A_222 = vector.bitcast %gather3A_221 : vector<16xi32> to vector<32xbf16>
              %get3A_223 = arith.index_cast %while3A_183 : i32 to index
              %get3A_224 = arith.constant 32 : index
              %get3A_225 = tpu.vector_load %arg10[%get3A_223, %get3A_224] {strides = array<i32>} : memref<128x128xi32, #tpu.memory_space<vmem>>, vector<16xi32>,
              %bitcast3A_226 = vector.bitcast %get3A_225 : vector<16xi32> to vector<32xbf16>
              %max3A_227 = arith.maximumf %bitcast3A_222, %bitcast3A_226 : vector<32xbf16>
              %bitcast3A_228 = vector.bitcast %max3A_227 : vector<32xbf16> to vector<16xi32>
              tpu.vector_store_idx %arg5[%add3A_220], %bitcast3A_228 : memref<40192xi32, #tpu.memory_space<vmem>>[vector<16xi32>], vector<16xi32>,
              %add3A_229 = arith.constant 48 : i32
              %add3A_230 = vector.broadcast %add3A_229 : i32 to vector<16xi32>
              %add3A_231 = arith.addi %add3A_230, %iota3A : vector<16xi32>
              %add3A_232 = arith.addi %mul3A_194, %add3A_231 : vector<16xi32>
              %gather3A_233 = tpu.vector_load_idx %arg5[%add3A_232] : memref<40192xi32, #tpu.memory_space<vmem>>[vector<16xi32>], vector<16xi32>,
              %bitcast3A_234 = vector.bitcast %gather3A_233 : vector<16xi32> to vector<32xbf16>
              %get3A_235 = arith.index_cast %while3A_183 : i32 to index
              %get3A_236 = arith.constant 48 : index
              %get3A_237 = tpu.vector_load %arg10[%get3A_235, %get3A_236] {strides = array<i32>} : memref<128x128xi32, #tpu.memory_space<vmem>>, vector<16xi32>,
              %bitcast3A_238 = vector.bitcast %get3A_237 : vector<16xi32> to vector<32xbf16>
              %max3A_239 = arith.maximumf %bitcast3A_234, %bitcast3A_238 : vector<32xbf16>
              %bitcast3A_240 = vector.bitcast %max3A_239 : vector<32xbf16> to vector<16xi32>
              tpu.vector_store_idx %arg5[%add3A_232], %bitcast3A_240 : memref<40192xi32, #tpu.memory_space<vmem>>[vector<16xi32>], vector<16xi32>,
              %add3A_241 = arith.constant 64 : i32
              %add3A_242 = vector.broadcast %add3A_241 : i32 to vector<16xi32>
              %add3A_243 = arith.addi %add3A_242, %iota3A : vector<16xi32>
              %add3A_244 = arith.addi %mul3A_194, %add3A_243 : vector<16xi32>
              %gather3A_245 = tpu.vector_load_idx %arg5[%add3A_244] : memref<40192xi32, #tpu.memory_space<vmem>>[vector<16xi32>], vector<16xi32>,
              %bitcast3A_246 = vector.bitcast %gather3A_245 : vector<16xi32> to vector<32xbf16>
              %get3A_247 = arith.index_cast %while3A_183 : i32 to index
              %get3A_248 = arith.constant 64 : index
              %get3A_249 = tpu.vector_load %arg10[%get3A_247, %get3A_248] {strides = array<i32>} : memref<128x128xi32, #tpu.memory_space<vmem>>, vector<16xi32>,
              %bitcast3A_250 = vector.bitcast %get3A_249 : vector<16xi32> to vector<32xbf16>
              %max3A_251 = arith.maximumf %bitcast3A_246, %bitcast3A_250 : vector<32xbf16>
              %bitcast3A_252 = vector.bitcast %max3A_251 : vector<32xbf16> to vector<16xi32>
              tpu.vector_store_idx %arg5[%add3A_244], %bitcast3A_252 : memref<40192xi32, #tpu.memory_space<vmem>>[vector<16xi32>], vector<16xi32>,
              %add3A_253 = arith.constant 80 : i32
              %add3A_254 = vector.broadcast %add3A_253 : i32 to vector<16xi32>
              %add3A_255 = arith.addi %add3A_254, %iota3A : vector<16xi32>
              %add3A_256 = arith.addi %mul3A_194, %add3A_255 : vector<16xi32>
              %gather3A_257 = tpu.vector_load_idx %arg5[%add3A_256] : memref<40192xi32, #tpu.memory_space<vmem>>[vector<16xi32>], vector<16xi32>,
              %bitcast3A_258 = vector.bitcast %gather3A_257 : vector<16xi32> to vector<32xbf16>
              %get3A_259 = arith.index_cast %while3A_183 : i32 to index
              %get3A_260 = arith.constant 80 : index
              %get3A_261 = tpu.vector_load %arg10[%get3A_259, %get3A_260] {strides = array<i32>} : memref<128x128xi32, #tpu.memory_space<vmem>>, vector<16xi32>,
              %bitcast3A_262 = vector.bitcast %get3A_261 : vector<16xi32> to vector<32xbf16>
              %max3A_263 = arith.maximumf %bitcast3A_258, %bitcast3A_262 : vector<32xbf16>
              %bitcast3A_264 = vector.bitcast %max3A_263 : vector<32xbf16> to vector<16xi32>
              tpu.vector_store_idx %arg5[%add3A_256], %bitcast3A_264 : memref<40192xi32, #tpu.memory_space<vmem>>[vector<16xi32>], vector<16xi32>,
              %add3A_265 = arith.constant 96 : i32
              %add3A_266 = vector.broadcast %add3A_265 : i32 to vector<16xi32>
              %add3A_267 = arith.addi %add3A_266, %iota3A : vector<16xi32>
              %add3A_268 = arith.addi %mul3A_194, %add3A_267 : vector<16xi32>
              %gather3A_269 = tpu.vector_load_idx %arg5[%add3A_268] : memref<40192xi32, #tpu.memory_space<vmem>>[vector<16xi32>], vector<16xi32>,
              %bitcast3A_270 = vector.bitcast %gather3A_269 : vector<16xi32> to vector<32xbf16>
              %get3A_271 = arith.index_cast %while3A_183 : i32 to index
              %get3A_272 = arith.constant 96 : index
              %get3A_273 = tpu.vector_load %arg10[%get3A_271, %get3A_272] {strides = array<i32>} : memref<128x128xi32, #tpu.memory_space<vmem>>, vector<16xi32>,
              %bitcast3A_274 = vector.bitcast %get3A_273 : vector<16xi32> to vector<32xbf16>
              %max3A_275 = arith.maximumf %bitcast3A_270, %bitcast3A_274 : vector<32xbf16>
              %bitcast3A_276 = vector.bitcast %max3A_275 : vector<32xbf16> to vector<16xi32>
              tpu.vector_store_idx %arg5[%add3A_268], %bitcast3A_276 : memref<40192xi32, #tpu.memory_space<vmem>>[vector<16xi32>], vector<16xi32>,
              %add3A_277 = arith.constant 112 : i32
              %add3A_278 = vector.broadcast %add3A_277 : i32 to vector<16xi32>
              %add3A_279 = arith.addi %add3A_278, %iota3A : vector<16xi32>
              %add3A_280 = arith.addi %mul3A_194, %add3A_279 : vector<16xi32>
              %gather3A_281 = tpu.vector_load_idx %arg5[%add3A_280] : memref<40192xi32, #tpu.memory_space<vmem>>[vector<16xi32>], vector<16xi32>,
              %bitcast3A_282 = vector.bitcast %gather3A_281 : vector<16xi32> to vector<32xbf16>
              %get3A_283 = arith.index_cast %while3A_183 : i32 to index
              %get3A_284 = arith.constant 112 : index
              %get3A_285 = tpu.vector_load %arg10[%get3A_283, %get3A_284] {strides = array<i32>} : memref<128x128xi32, #tpu.memory_space<vmem>>, vector<16xi32>,
              %bitcast3A_286 = vector.bitcast %get3A_285 : vector<16xi32> to vector<32xbf16>
              %max3A_287 = arith.maximumf %bitcast3A_282, %bitcast3A_286 : vector<32xbf16>
              %bitcast3A_288 = vector.bitcast %max3A_287 : vector<32xbf16> to vector<16xi32>
              tpu.vector_store_idx %arg5[%add3A_280], %bitcast3A_288 : memref<40192xi32, #tpu.memory_space<vmem>>[vector<16xi32>], vector<16xi32>,
              %while3A_289 = arith.constant 0 : i32
              scf.yield %while3A_289 : i32
            }
          } else {
          }
          %while3A_154 = arith.constant 0 : i32
          scf.yield %while3A_154 : i32
        }
        %while3A_117 = arith.constant 1 : i32
        %while3A_118 = scf.for %while3A_119 = %while3A_114 to %while3A_110 step %while3A_117 iter_args(%while3A_120 = %while3A_116) -> (i32)  : i32 {
          %mul3A_121 = arith.constant 2 : i32
          %mul3A_122 = arith.muli %mul3A_121, %while3A_119 : i32
          %mul3A_123 = arith.constant 2 : i32
          %mul3A_124 = arith.muli %mul3A_123, %while3A_119 : i32
          %add3A_125 = arith.constant 1 : i32
          %add3A_126 = arith.addi %mul3A_124, %add3A_125 : i32
          %lt3A = arith.cmpi slt, %add3A_126, %select_n3A_77 : i32
          %convert_element_type3A_127 = arith.extui %lt3A : i1 to i32
          %cond3A_128 = arith.constant 0 : i32
          %cond3A_129 = arith.cmpi ne, %convert_element_type3A_127, %cond3A_128 : i32
          scf.if %cond3A_129 {
            %mul3A_155 = arith.constant 128 : i32
            %mul3A_156 = arith.muli %add3A_126, %mul3A_155 : i32
            %dma_start3A = tpu.memref_slice %arg7[%mul3A_156] : memref<12352xi32, #tpu.memory_space<vmem>> -> memref<128xi32, #tpu.memory_space<vmem>>
            %dma_start3A_157 = arith.constant 0 : i32
            %dma_start3A_158 = arith.constant 0 : i32
            %dma_start3A_159 = tpu.memref_slice %arg2[%dma_start3A_157, %dma_start3A_158] : memref<160000x128xi32, #tpu.memory_space<hbm>> -> memref<160000x128xi32, #tpu.memory_space<hbm>>
            tpu.enqueue_indirect_dma source(%dma_start3A_159 : memref<160000x128xi32, #tpu.memory_space<hbm>>) target(%arg10 : memref<128x128xi32, #tpu.memory_space<vmem>>) offsets(%dma_start3A : memref<128xi32, #tpu.memory_space<vmem>>) semaphore(%arg12 : memref<!tpu.dma_semaphore, #tpu.memory_space<semaphore_mem>>)
          } else {
          }
          %dma_wait3A = arith.constant 0 : i32
          %dma_wait3A_130 = tpu.memref_slice %arg7[%dma_wait3A] : memref<12352xi32, #tpu.memory_space<vmem>> -> memref<128xi32, #tpu.memory_space<vmem>>
          %dma_wait3A_131 = arith.constant 0 : i32
          %dma_wait3A_132 = arith.constant 0 : i32
          %dma_wait3A_133 = tpu.memref_slice %arg2[%dma_wait3A_131, %dma_wait3A_132] : memref<160000x128xi32, #tpu.memory_space<hbm>> -> memref<160000x128xi32, #tpu.memory_space<hbm>>
          tpu.wait_indirect_dma semaphore(%arg11 : memref<!tpu.dma_semaphore, #tpu.memory_space<semaphore_mem>>) src(%dma_wait3A_133 : memref<160000x128xi32, #tpu.memory_space<hbm>>) dst(%arg9 : memref<128x128xi32, #tpu.memory_space<vmem>>)
          %mul3A_134 = arith.constant 128 : i32
          %mul3A_135 = arith.muli %mul3A_122, %mul3A_134 : i32
          %sub3A_136 = arith.subi %reduce_max3A_49, %mul3A_135 : i32
          %min3A = arith.constant 128 : i32
          %min3A_137 = arith.minsi %min3A, %sub3A_136 : i32
          %while3A_138 = arith.constant 0 : i32
          %while3A_139 = arith.constant 0 : i32
          %while3A_140 = arith.subi %min3A_137, %while3A_138 : i32
          %while3A_141 = arith.addi %while3A_138, %while3A_140 : i32
          %while3A_142 = arith.constant 1 : i32
          %while3A_143 = arith.divsi %while3A_140, %while3A_142 : i32
          %while3A_144 = arith.muli %while3A_143, %while3A_142 : i32
          %while3A_145 = arith.addi %while3A_138, %while3A_144 : i32
          %while3A_146 = arith.constant 1 : i32
          %while3A_147 = scf.for %while3A_155 = %while3A_138 to %while3A_145 step %while3A_146 iter_args(%while3A_156 = %while3A_139) -> (i32)  : i32 {
            %add3A_157 = arith.addi %mul3A_135, %while3A_155 : i32
            %broadcast_in_dim3A_158 = vector.broadcast %add3A_157 : i32 to vector<16xi32>
            %gather3A = tpu.vector_load_idx %arg8[%broadcast_in_dim3A_158] : memref<12352xi32, #tpu.memory_space<vmem>>[vector<16xi32>], vector<16xi32>,
            %lt3A_159 = vector.broadcast %reduce_max3A_49 : i32 to vector<16xi32>
            %lt3A_160 = arith.cmpi slt, %broadcast_in_dim3A_158, %lt3A_159 : vector<16xi32>
            %broadcast_in_dim3A_161 = arith.constant 313 : i32
            %broadcast_in_dim3A_162 = vector.broadcast %broadcast_in_dim3A_161 : i32 to vector<16xi32>
            %select_n3A_163 = arith.select %lt3A_160, %gather3A, %broadcast_in_dim3A_162 : vector<16xi1>, vector<16xi32>
            %mul3A_164 = arith.constant 128 : i32
            %mul3A_165 = vector.broadcast %mul3A_164 : i32 to vector<16xi32>
            %mul3A_166 = arith.muli %select_n3A_163, %mul3A_165 : vector<16xi32>
            %add3A_167 = arith.constant 0 : i32
            %add3A_168 = vector.broadcast %add3A_167 : i32 to vector<16xi32>
            %add3A_169 = arith.addi %add3A_168, %iota3A : vector<16xi32>
            %add3A_170 = arith.addi %mul3A_166, %add3A_169 : vector<16xi32>
            %gather3A_171 = tpu.vector_load_idx %arg5[%add3A_170] : memref<40192xi32, #tpu.memory_space<vmem>>[vector<16xi32>], vector<16xi32>,
            %bitcast3A_172 = vector.bitcast %gather3A_171 : vector<16xi32> to vector<32xbf16>
            %get3A = arith.index_cast %while3A_155 : i32 to index
            %get3A_173 = arith.constant 0 : index
            %get3A_174 = tpu.vector_load %arg9[%get3A, %get3A_173] {strides = array<i32>} : memref<128x128xi32, #tpu.memory_space<vmem>>, vector<16xi32>,
            %bitcast3A_175 = vector.bitcast %get3A_174 : vector<16xi32> to vector<32xbf16>
            %max3A = arith.maximumf %bitcast3A_172, %bitcast3A_175 : vector<32xbf16>
            %bitcast3A_176 = vector.bitcast %max3A : vector<32xbf16> to vector<16xi32>
            tpu.vector_store_idx %arg5[%add3A_170], %bitcast3A_176 : memref<40192xi32, #tpu.memory_space<vmem>>[vector<16xi32>], vector<16xi32>,
            %add3A_177 = arith.constant 16 : i32
            %add3A_178 = vector.broadcast %add3A_177 : i32 to vector<16xi32>
            %add3A_179 = arith.addi %add3A_178, %iota3A : vector<16xi32>
            %add3A_180 = arith.addi %mul3A_166, %add3A_179 : vector<16xi32>
            %gather3A_181 = tpu.vector_load_idx %arg5[%add3A_180] : memref<40192xi32, #tpu.memory_space<vmem>>[vector<16xi32>], vector<16xi32>,
            %bitcast3A_182 = vector.bitcast %gather3A_181 : vector<16xi32> to vector<32xbf16>
            %get3A_183 = arith.index_cast %while3A_155 : i32 to index
            %get3A_184 = arith.constant 16 : index
            %get3A_185 = tpu.vector_load %arg9[%get3A_183, %get3A_184] {strides = array<i32>} : memref<128x128xi32, #tpu.memory_space<vmem>>, vector<16xi32>,
            %bitcast3A_186 = vector.bitcast %get3A_185 : vector<16xi32> to vector<32xbf16>
            %max3A_187 = arith.maximumf %bitcast3A_182, %bitcast3A_186 : vector<32xbf16>
            %bitcast3A_188 = vector.bitcast %max3A_187 : vector<32xbf16> to vector<16xi32>
            tpu.vector_store_idx %arg5[%add3A_180], %bitcast3A_188 : memref<40192xi32, #tpu.memory_space<vmem>>[vector<16xi32>], vector<16xi32>,
            %add3A_189 = arith.constant 32 : i32
            %add3A_190 = vector.broadcast %add3A_189 : i32 to vector<16xi32>
            %add3A_191 = arith.addi %add3A_190, %iota3A : vector<16xi32>
            %add3A_192 = arith.addi %mul3A_166, %add3A_191 : vector<16xi32>
            %gather3A_193 = tpu.vector_load_idx %arg5[%add3A_192] : memref<40192xi32, #tpu.memory_space<vmem>>[vector<16xi32>], vector<16xi32>,
            %bitcast3A_194 = vector.bitcast %gather3A_193 : vector<16xi32> to vector<32xbf16>
            %get3A_195 = arith.index_cast %while3A_155 : i32 to index
            %get3A_196 = arith.constant 32 : index
            %get3A_197 = tpu.vector_load %arg9[%get3A_195, %get3A_196] {strides = array<i32>} : memref<128x128xi32, #tpu.memory_space<vmem>>, vector<16xi32>,
            %bitcast3A_198 = vector.bitcast %get3A_197 : vector<16xi32> to vector<32xbf16>
            %max3A_199 = arith.maximumf %bitcast3A_194, %bitcast3A_198 : vector<32xbf16>
            %bitcast3A_200 = vector.bitcast %max3A_199 : vector<32xbf16> to vector<16xi32>
            tpu.vector_store_idx %arg5[%add3A_192], %bitcast3A_200 : memref<40192xi32, #tpu.memory_space<vmem>>[vector<16xi32>], vector<16xi32>,
            %add3A_201 = arith.constant 48 : i32
            %add3A_202 = vector.broadcast %add3A_201 : i32 to vector<16xi32>
            %add3A_203 = arith.addi %add3A_202, %iota3A : vector<16xi32>
            %add3A_204 = arith.addi %mul3A_166, %add3A_203 : vector<16xi32>
            %gather3A_205 = tpu.vector_load_idx %arg5[%add3A_204] : memref<40192xi32, #tpu.memory_space<vmem>>[vector<16xi32>], vector<16xi32>,
            %bitcast3A_206 = vector.bitcast %gather3A_205 : vector<16xi32> to vector<32xbf16>
            %get3A_207 = arith.index_cast %while3A_155 : i32 to index
            %get3A_208 = arith.constant 48 : index
            %get3A_209 = tpu.vector_load %arg9[%get3A_207, %get3A_208] {strides = array<i32>} : memref<128x128xi32, #tpu.memory_space<vmem>>, vector<16xi32>,
            %bitcast3A_210 = vector.bitcast %get3A_209 : vector<16xi32> to vector<32xbf16>
            %max3A_211 = arith.maximumf %bitcast3A_206, %bitcast3A_210 : vector<32xbf16>
            %bitcast3A_212 = vector.bitcast %max3A_211 : vector<32xbf16> to vector<16xi32>
            tpu.vector_store_idx %arg5[%add3A_204], %bitcast3A_212 : memref<40192xi32, #tpu.memory_space<vmem>>[vector<16xi32>], vector<16xi32>,
            %add3A_213 = arith.constant 64 : i32
            %add3A_214 = vector.broadcast %add3A_213 : i32 to vector<16xi32>
            %add3A_215 = arith.addi %add3A_214, %iota3A : vector<16xi32>
            %add3A_216 = arith.addi %mul3A_166, %add3A_215 : vector<16xi32>
            %gather3A_217 = tpu.vector_load_idx %arg5[%add3A_216] : memref<40192xi32, #tpu.memory_space<vmem>>[vector<16xi32>], vector<16xi32>,
            %bitcast3A_218 = vector.bitcast %gather3A_217 : vector<16xi32> to vector<32xbf16>
            %get3A_219 = arith.index_cast %while3A_155 : i32 to index
            %get3A_220 = arith.constant 64 : index
            %get3A_221 = tpu.vector_load %arg9[%get3A_219, %get3A_220] {strides = array<i32>} : memref<128x128xi32, #tpu.memory_space<vmem>>, vector<16xi32>,
            %bitcast3A_222 = vector.bitcast %get3A_221 : vector<16xi32> to vector<32xbf16>
            %max3A_223 = arith.maximumf %bitcast3A_218, %bitcast3A_222 : vector<32xbf16>
            %bitcast3A_224 = vector.bitcast %max3A_223 : vector<32xbf16> to vector<16xi32>
            tpu.vector_store_idx %arg5[%add3A_216], %bitcast3A_224 : memref<40192xi32, #tpu.memory_space<vmem>>[vector<16xi32>], vector<16xi32>,
            %add3A_225 = arith.constant 80 : i32
            %add3A_226 = vector.broadcast %add3A_225 : i32 to vector<16xi32>
            %add3A_227 = arith.addi %add3A_226, %iota3A : vector<16xi32>
            %add3A_228 = arith.addi %mul3A_166, %add3A_227 : vector<16xi32>
            %gather3A_229 = tpu.vector_load_idx %arg5[%add3A_228] : memref<40192xi32, #tpu.memory_space<vmem>>[vector<16xi32>], vector<16xi32>,
            %bitcast3A_230 = vector.bitcast %gather3A_229 : vector<16xi32> to vector<32xbf16>
            %get3A_231 = arith.index_cast %while3A_155 : i32 to index
            %get3A_232 = arith.constant 80 : index
            %get3A_233 = tpu.vector_load %arg9[%get3A_231, %get3A_232] {strides = array<i32>} : memref<128x128xi32, #tpu.memory_space<vmem>>, vector<16xi32>,
            %bitcast3A_234 = vector.bitcast %get3A_233 : vector<16xi32> to vector<32xbf16>
            %max3A_235 = arith.maximumf %bitcast3A_230, %bitcast3A_234 : vector<32xbf16>
            %bitcast3A_236 = vector.bitcast %max3A_235 : vector<32xbf16> to vector<16xi32>
            tpu.vector_store_idx %arg5[%add3A_228], %bitcast3A_236 : memref<40192xi32, #tpu.memory_space<vmem>>[vector<16xi32>], vector<16xi32>,
            %add3A_237 = arith.constant 96 : i32
            %add3A_238 = vector.broadcast %add3A_237 : i32 to vector<16xi32>
            %add3A_239 = arith.addi %add3A_238, %iota3A : vector<16xi32>
            %add3A_240 = arith.addi %mul3A_166, %add3A_239 : vector<16xi32>
            %gather3A_241 = tpu.vector_load_idx %arg5[%add3A_240] : memref<40192xi32, #tpu.memory_space<vmem>>[vector<16xi32>], vector<16xi32>,
            %bitcast3A_242 = vector.bitcast %gather3A_241 : vector<16xi32> to vector<32xbf16>
            %get3A_243 = arith.index_cast %while3A_155 : i32 to index
            %get3A_244 = arith.constant 96 : index
            %get3A_245 = tpu.vector_load %arg9[%get3A_243, %get3A_244] {strides = array<i32>} : memref<128x128xi32, #tpu.memory_space<vmem>>, vector<16xi32>,
            %bitcast3A_246 = vector.bitcast %get3A_245 : vector<16xi32> to vector<32xbf16>
            %max3A_247 = arith.maximumf %bitcast3A_242, %bitcast3A_246 : vector<32xbf16>
            %bitcast3A_248 = vector.bitcast %max3A_247 : vector<32xbf16> to vector<16xi32>
            tpu.vector_store_idx %arg5[%add3A_240], %bitcast3A_248 : memref<40192xi32, #tpu.memory_space<vmem>>[vector<16xi32>], vector<16xi32>,
            %add3A_249 = arith.constant 112 : i32
            %add3A_250 = vector.broadcast %add3A_249 : i32 to vector<16xi32>
            %add3A_251 = arith.addi %add3A_250, %iota3A : vector<16xi32>
            %add3A_252 = arith.addi %mul3A_166, %add3A_251 : vector<16xi32>
            %gather3A_253 = tpu.vector_load_idx %arg5[%add3A_252] : memref<40192xi32, #tpu.memory_space<vmem>>[vector<16xi32>], vector<16xi32>,
            %bitcast3A_254 = vector.bitcast %gather3A_253 : vector<16xi32> to vector<32xbf16>
            %get3A_255 = arith.index_cast %while3A_155 : i32 to index
            %get3A_256 = arith.constant 112 : index
            %get3A_257 = tpu.vector_load %arg9[%get3A_255, %get3A_256] {strides = array<i32>} : memref<128x128xi32, #tpu.memory_space<vmem>>, vector<16xi32>,
            %bitcast3A_258 = vector.bitcast %get3A_257 : vector<16xi32> to vector<32xbf16>
            %max3A_259 = arith.maximumf %bitcast3A_254, %bitcast3A_258 : vector<32xbf16>
            %bitcast3A_260 = vector.bitcast %max3A_259 : vector<32xbf16> to vector<16xi32>
            tpu.vector_store_idx %arg5[%add3A_252], %bitcast3A_260 : memref<40192xi32, #tpu.memory_space<vmem>>[vector<16xi32>], vector<16xi32>,
            %while3A_261 = arith.constant 0 : i32
            scf.yield %while3A_261 : i32
          }
          %while3A_148 = arith.constant 1 : i32
          %while3A_149 = scf.for %while3A_155 = %while3A_145 to %while3A_141 step %while3A_148 iter_args(%while3A_156 = %while3A_147) -> (i32)  : i32 {
            %add3A_157 = arith.addi %mul3A_135, %while3A_155 : i32
            %broadcast_in_dim3A_158 = vector.broadcast %add3A_157 : i32 to vector<16xi32>
            %gather3A = tpu.vector_load_idx %arg8[%broadcast_in_dim3A_158] : memref<12352xi32, #tpu.memory_space<vmem>>[vector<16xi32>], vector<16xi32>,
            %lt3A_159 = vector.broadcast %reduce_max3A_49 : i32 to vector<16xi32>
            %lt3A_160 = arith.cmpi slt, %broadcast_in_dim3A_158, %lt3A_159 : vector<16xi32>
            %broadcast_in_dim3A_161 = arith.constant 313 : i32
            %broadcast_in_dim3A_162 = vector.broadcast %broadcast_in_dim3A_161 : i32 to vector<16xi32>
            %select_n3A_163 = arith.select %lt3A_160, %gather3A, %broadcast_in_dim3A_162 : vector<16xi1>, vector<16xi32>
            %mul3A_164 = arith.constant 128 : i32
            %mul3A_165 = vector.broadcast %mul3A_164 : i32 to vector<16xi32>
            %mul3A_166 = arith.muli %select_n3A_163, %mul3A_165 : vector<16xi32>
            %add3A_167 = arith.constant 0 : i32
            %add3A_168 = vector.broadcast %add3A_167 : i32 to vector<16xi32>
            %add3A_169 = arith.addi %add3A_168, %iota3A : vector<16xi32>
            %add3A_170 = arith.addi %mul3A_166, %add3A_169 : vector<16xi32>
            %gather3A_171 = tpu.vector_load_idx %arg5[%add3A_170] : memref<40192xi32, #tpu.memory_space<vmem>>[vector<16xi32>], vector<16xi32>,
            %bitcast3A_172 = vector.bitcast %gather3A_171 : vector<16xi32> to vector<32xbf16>
            %get3A = arith.index_cast %while3A_155 : i32 to index
            %get3A_173 = arith.constant 0 : index
            %get3A_174 = tpu.vector_load %arg9[%get3A, %get3A_173] {strides = array<i32>} : memref<128x128xi32, #tpu.memory_space<vmem>>, vector<16xi32>,
            %bitcast3A_175 = vector.bitcast %get3A_174 : vector<16xi32> to vector<32xbf16>
            %max3A = arith.maximumf %bitcast3A_172, %bitcast3A_175 : vector<32xbf16>
            %bitcast3A_176 = vector.bitcast %max3A : vector<32xbf16> to vector<16xi32>
            tpu.vector_store_idx %arg5[%add3A_170], %bitcast3A_176 : memref<40192xi32, #tpu.memory_space<vmem>>[vector<16xi32>], vector<16xi32>,
            %add3A_177 = arith.constant 16 : i32
            %add3A_178 = vector.broadcast %add3A_177 : i32 to vector<16xi32>
            %add3A_179 = arith.addi %add3A_178, %iota3A : vector<16xi32>
            %add3A_180 = arith.addi %mul3A_166, %add3A_179 : vector<16xi32>
            %gather3A_181 = tpu.vector_load_idx %arg5[%add3A_180] : memref<40192xi32, #tpu.memory_space<vmem>>[vector<16xi32>], vector<16xi32>,
            %bitcast3A_182 = vector.bitcast %gather3A_181 : vector<16xi32> to vector<32xbf16>
            %get3A_183 = arith.index_cast %while3A_155 : i32 to index
            %get3A_184 = arith.constant 16 : index
            %get3A_185 = tpu.vector_load %arg9[%get3A_183, %get3A_184] {strides = array<i32>} : memref<128x128xi32, #tpu.memory_space<vmem>>, vector<16xi32>,
            %bitcast3A_186 = vector.bitcast %get3A_185 : vector<16xi32> to vector<32xbf16>
            %max3A_187 = arith.maximumf %bitcast3A_182, %bitcast3A_186 : vector<32xbf16>
            %bitcast3A_188 = vector.bitcast %max3A_187 : vector<32xbf16> to vector<16xi32>
            tpu.vector_store_idx %arg5[%add3A_180], %bitcast3A_188 : memref<40192xi32, #tpu.memory_space<vmem>>[vector<16xi32>], vector<16xi32>,
            %add3A_189 = arith.constant 32 : i32
            %add3A_190 = vector.broadcast %add3A_189 : i32 to vector<16xi32>
            %add3A_191 = arith.addi %add3A_190, %iota3A : vector<16xi32>
            %add3A_192 = arith.addi %mul3A_166, %add3A_191 : vector<16xi32>
            %gather3A_193 = tpu.vector_load_idx %arg5[%add3A_192] : memref<40192xi32, #tpu.memory_space<vmem>>[vector<16xi32>], vector<16xi32>,
            %bitcast3A_194 = vector.bitcast %gather3A_193 : vector<16xi32> to vector<32xbf16>
            %get3A_195 = arith.index_cast %while3A_155 : i32 to index
            %get3A_196 = arith.constant 32 : index
            %get3A_197 = tpu.vector_load %arg9[%get3A_195, %get3A_196] {strides = array<i32>} : memref<128x128xi32, #tpu.memory_space<vmem>>, vector<16xi32>,
            %bitcast3A_198 = vector.bitcast %get3A_197 : vector<16xi32> to vector<32xbf16>
            %max3A_199 = arith.maximumf %bitcast3A_194, %bitcast3A_198 : vector<32xbf16>
            %bitcast3A_200 = vector.bitcast %max3A_199 : vector<32xbf16> to vector<16xi32>
            tpu.vector_store_idx %arg5[%add3A_192], %bitcast3A_200 : memref<40192xi32, #tpu.memory_space<vmem>>[vector<16xi32>], vector<16xi32>,
            %add3A_201 = arith.constant 48 : i32
            %add3A_202 = vector.broadcast %add3A_201 : i32 to vector<16xi32>
            %add3A_203 = arith.addi %add3A_202, %iota3A : vector<16xi32>
            %add3A_204 = arith.addi %mul3A_166, %add3A_203 : vector<16xi32>
            %gather3A_205 = tpu.vector_load_idx %arg5[%add3A_204] : memref<40192xi32, #tpu.memory_space<vmem>>[vector<16xi32>], vector<16xi32>,
            %bitcast3A_206 = vector.bitcast %gather3A_205 : vector<16xi32> to vector<32xbf16>
            %get3A_207 = arith.index_cast %while3A_155 : i32 to index
            %get3A_208 = arith.constant 48 : index
            %get3A_209 = tpu.vector_load %arg9[%get3A_207, %get3A_208] {strides = array<i32>} : memref<128x128xi32, #tpu.memory_space<vmem>>, vector<16xi32>,
            %bitcast3A_210 = vector.bitcast %get3A_209 : vector<16xi32> to vector<32xbf16>
            %max3A_211 = arith.maximumf %bitcast3A_206, %bitcast3A_210 : vector<32xbf16>
            %bitcast3A_212 = vector.bitcast %max3A_211 : vector<32xbf16> to vector<16xi32>
            tpu.vector_store_idx %arg5[%add3A_204], %bitcast3A_212 : memref<40192xi32, #tpu.memory_space<vmem>>[vector<16xi32>], vector<16xi32>,
            %add3A_213 = arith.constant 64 : i32
            %add3A_214 = vector.broadcast %add3A_213 : i32 to vector<16xi32>
            %add3A_215 = arith.addi %add3A_214, %iota3A : vector<16xi32>
            %add3A_216 = arith.addi %mul3A_166, %add3A_215 : vector<16xi32>
            %gather3A_217 = tpu.vector_load_idx %arg5[%add3A_216] : memref<40192xi32, #tpu.memory_space<vmem>>[vector<16xi32>], vector<16xi32>,
            %bitcast3A_218 = vector.bitcast %gather3A_217 : vector<16xi32> to vector<32xbf16>
            %get3A_219 = arith.index_cast %while3A_155 : i32 to index
            %get3A_220 = arith.constant 64 : index
            %get3A_221 = tpu.vector_load %arg9[%get3A_219, %get3A_220] {strides = array<i32>} : memref<128x128xi32, #tpu.memory_space<vmem>>, vector<16xi32>,
            %bitcast3A_222 = vector.bitcast %get3A_221 : vector<16xi32> to vector<32xbf16>
            %max3A_223 = arith.maximumf %bitcast3A_218, %bitcast3A_222 : vector<32xbf16>
            %bitcast3A_224 = vector.bitcast %max3A_223 : vector<32xbf16> to vector<16xi32>
            tpu.vector_store_idx %arg5[%add3A_216], %bitcast3A_224 : memref<40192xi32, #tpu.memory_space<vmem>>[vector<16xi32>], vector<16xi32>,
            %add3A_225 = arith.constant 80 : i32
            %add3A_226 = vector.broadcast %add3A_225 : i32 to vector<16xi32>
            %add3A_227 = arith.addi %add3A_226, %iota3A : vector<16xi32>
            %add3A_228 = arith.addi %mul3A_166, %add3A_227 : vector<16xi32>
            %gather3A_229 = tpu.vector_load_idx %arg5[%add3A_228] : memref<40192xi32, #tpu.memory_space<vmem>>[vector<16xi32>], vector<16xi32>,
            %bitcast3A_230 = vector.bitcast %gather3A_229 : vector<16xi32> to vector<32xbf16>
            %get3A_231 = arith.index_cast %while3A_155 : i32 to index
            %get3A_232 = arith.constant 80 : index
            %get3A_233 = tpu.vector_load %arg9[%get3A_231, %get3A_232] {strides = array<i32>} : memref<128x128xi32, #tpu.memory_space<vmem>>, vector<16xi32>,
            %bitcast3A_234 = vector.bitcast %get3A_233 : vector<16xi32> to vector<32xbf16>
            %max3A_235 = arith.maximumf %bitcast3A_230, %bitcast3A_234 : vector<32xbf16>
            %bitcast3A_236 = vector.bitcast %max3A_235 : vector<32xbf16> to vector<16xi32>
            tpu.vector_store_idx %arg5[%add3A_228], %bitcast3A_236 : memref<40192xi32, #tpu.memory_space<vmem>>[vector<16xi32>], vector<16xi32>,
            %add3A_237 = arith.constant 96 : i32
            %add3A_238 = vector.broadcast %add3A_237 : i32 to vector<16xi32>
            %add3A_239 = arith.addi %add3A_238, %iota3A : vector<16xi32>
            %add3A_240 = arith.addi %mul3A_166, %add3A_239 : vector<16xi32>
            %gather3A_241 = tpu.vector_load_idx %arg5[%add3A_240] : memref<40192xi32, #tpu.memory_space<vmem>>[vector<16xi32>], vector<16xi32>,
            %bitcast3A_242 = vector.bitcast %gather3A_241 : vector<16xi32> to vector<32xbf16>
            %get3A_243 = arith.index_cast %while3A_155 : i32 to index
            %get3A_244 = arith.constant 96 : index
            %get3A_245 = tpu.vector_load %arg9[%get3A_243, %get3A_244] {strides = array<i32>} : memref<128x128xi32, #tpu.memory_space<vmem>>, vector<16xi32>,
            %bitcast3A_246 = vector.bitcast %get3A_245 : vector<16xi32> to vector<32xbf16>
            %max3A_247 = arith.maximumf %bitcast3A_242, %bitcast3A_246 : vector<32xbf16>
            %bitcast3A_248 = vector.bitcast %max3A_247 : vector<32xbf16> to vector<16xi32>
            tpu.vector_store_idx %arg5[%add3A_240], %bitcast3A_248 : memref<40192xi32, #tpu.memory_space<vmem>>[vector<16xi32>], vector<16xi32>,
            %add3A_249 = arith.constant 112 : i32
            %add3A_250 = vector.broadcast %add3A_249 : i32 to vector<16xi32>
            %add3A_251 = arith.addi %add3A_250, %iota3A : vector<16xi32>
            %add3A_252 = arith.addi %mul3A_166, %add3A_251 : vector<16xi32>
            %gather3A_253 = tpu.vector_load_idx %arg5[%add3A_252] : memref<40192xi32, #tpu.memory_space<vmem>>[vector<16xi32>], vector<16xi32>,
            %bitcast3A_254 = vector.bitcast %gather3A_253 : vector<16xi32> to vector<32xbf16>
            %get3A_255 = arith.index_cast %while3A_155 : i32 to index
            %get3A_256 = arith.constant 112 : index
            %get3A_257 = tpu.vector_load %arg9[%get3A_255, %get3A_256] {strides = array<i32>} : memref<128x128xi32, #tpu.memory_space<vmem>>, vector<16xi32>,
            %bitcast3A_258 = vector.bitcast %get3A_257 : vector<16xi32> to vector<32xbf16>
            %max3A_259 = arith.maximumf %bitcast3A_254, %bitcast3A_258 : vector<32xbf16>
            %bitcast3A_260 = vector.bitcast %max3A_259 : vector<32xbf16> to vector<16xi32>
            tpu.vector_store_idx %arg5[%add3A_252], %bitcast3A_260 : memref<40192xi32, #tpu.memory_space<vmem>>[vector<16xi32>], vector<16xi32>,
            %while3A_261 = arith.constant 0 : i32
            scf.yield %while3A_261 : i32
          }
          %lt3A_150 = arith.cmpi slt, %add3A_126, %select_n3A_77 : i32
          %convert_element_type3A_151 = arith.extui %lt3A_150 : i1 to i32
          %cond3A_152 = arith.constant 0 : i32
          %cond3A_153 = arith.cmpi ne, %convert_element_type3A_151, %cond3A_152 : i32
          scf.if %cond3A_153 {
            %add3A_155 = arith.constant 1 : i32
            %add3A_156 = arith.addi %add3A_126, %add3A_155 : i32
            %lt3A_157 = arith.cmpi slt, %add3A_156, %select_n3A_77 : i32
            %convert_element_type3A_158 = arith.extui %lt3A_157 : i1 to i32
            %cond3A_159 = arith.constant 0 : i32
            %cond3A_160 = arith.cmpi ne, %convert_element_type3A_158, %cond3A_159 : i32
            scf.if %cond3A_160 {
              %add3A_183 = arith.constant 1 : i32
              %add3A_184 = arith.addi %add3A_126, %add3A_183 : i32
              %mul3A_185 = arith.constant 128 : i32
              %mul3A_186 = arith.muli %add3A_184, %mul3A_185 : i32
              %dma_start3A = tpu.memref_slice %arg7[%mul3A_186] : memref<12352xi32, #tpu.memory_space<vmem>> -> memref<128xi32, #tpu.memory_space<vmem>>
              %dma_start3A_187 = arith.constant 0 : i32
              %dma_start3A_188 = arith.constant 0 : i32
              %dma_start3A_189 = tpu.memref_slice %arg2[%dma_start3A_187, %dma_start3A_188] : memref<160000x128xi32, #tpu.memory_space<hbm>> -> memref<160000x128xi32, #tpu.memory_space<hbm>>
              tpu.enqueue_indirect_dma source(%dma_start3A_189 : memref<160000x128xi32, #tpu.memory_space<hbm>>) target(%arg9 : memref<128x128xi32, #tpu.memory_space<vmem>>) offsets(%dma_start3A : memref<128xi32, #tpu.memory_space<vmem>>) semaphore(%arg11 : memref<!tpu.dma_semaphore, #tpu.memory_space<semaphore_mem>>)
            } else {
            }
            %dma_wait3A_161 = arith.constant 0 : i32
            %dma_wait3A_162 = tpu.memref_slice %arg7[%dma_wait3A_161] : memref<12352xi32, #tpu.memory_space<vmem>> -> memref<128xi32, #tpu.memory_space<vmem>>
            %dma_wait3A_163 = arith.constant 0 : i32
            %dma_wait3A_164 = arith.constant 0 : i32
            %dma_wait3A_165 = tpu.memref_slice %arg2[%dma_wait3A_163, %dma_wait3A_164] : memref<160000x128xi32, #tpu.memory_space<hbm>> -> memref<160000x128xi32, #tpu.memory_space<hbm>>
            tpu.wait_indirect_dma semaphore(%arg12 : memref<!tpu.dma_semaphore, #tpu.memory_space<semaphore_mem>>) src(%dma_wait3A_165 : memref<160000x128xi32, #tpu.memory_space<hbm>>) dst(%arg10 : memref<128x128xi32, #tpu.memory_space<vmem>>)
            %mul3A_166 = arith.constant 128 : i32
            %mul3A_167 = arith.muli %add3A_126, %mul3A_166 : i32
            %sub3A_168 = arith.subi %reduce_max3A_49, %mul3A_167 : i32
            %min3A_169 = arith.constant 128 : i32
            %min3A_170 = arith.minsi %min3A_169, %sub3A_168 : i32
            %while3A_171 = arith.constant 0 : i32
            %while3A_172 = arith.constant 0 : i32
            %while3A_173 = arith.subi %min3A_170, %while3A_171 : i32
            %while3A_174 = arith.addi %while3A_171, %while3A_173 : i32
            %while3A_175 = arith.constant 1 : i32
            %while3A_176 = arith.divsi %while3A_173, %while3A_175 : i32
            %while3A_177 = arith.muli %while3A_176, %while3A_175 : i32
            %while3A_178 = arith.addi %while3A_171, %while3A_177 : i32
            %while3A_179 = arith.constant 1 : i32
            %while3A_180 = scf.for %while3A_183 = %while3A_171 to %while3A_178 step %while3A_179 iter_args(%while3A_184 = %while3A_172) -> (i32)  : i32 {
              %add3A_185 = arith.addi %mul3A_167, %while3A_183 : i32
              %broadcast_in_dim3A_186 = vector.broadcast %add3A_185 : i32 to vector<16xi32>
              %gather3A = tpu.vector_load_idx %arg8[%broadcast_in_dim3A_186] : memref<12352xi32, #tpu.memory_space<vmem>>[vector<16xi32>], vector<16xi32>,
              %lt3A_187 = vector.broadcast %reduce_max3A_49 : i32 to vector<16xi32>
              %lt3A_188 = arith.cmpi slt, %broadcast_in_dim3A_186, %lt3A_187 : vector<16xi32>
              %broadcast_in_dim3A_189 = arith.constant 313 : i32
              %broadcast_in_dim3A_190 = vector.broadcast %broadcast_in_dim3A_189 : i32 to vector<16xi32>
              %select_n3A_191 = arith.select %lt3A_188, %gather3A, %broadcast_in_dim3A_190 : vector<16xi1>, vector<16xi32>
              %mul3A_192 = arith.constant 128 : i32
              %mul3A_193 = vector.broadcast %mul3A_192 : i32 to vector<16xi32>
              %mul3A_194 = arith.muli %select_n3A_191, %mul3A_193 : vector<16xi32>
              %add3A_195 = arith.constant 0 : i32
              %add3A_196 = vector.broadcast %add3A_195 : i32 to vector<16xi32>
              %add3A_197 = arith.addi %add3A_196, %iota3A : vector<16xi32>
              %add3A_198 = arith.addi %mul3A_194, %add3A_197 : vector<16xi32>
              %gather3A_199 = tpu.vector_load_idx %arg5[%add3A_198] : memref<40192xi32, #tpu.memory_space<vmem>>[vector<16xi32>], vector<16xi32>,
              %bitcast3A_200 = vector.bitcast %gather3A_199 : vector<16xi32> to vector<32xbf16>
              %get3A = arith.index_cast %while3A_183 : i32 to index
              %get3A_201 = arith.constant 0 : index
              %get3A_202 = tpu.vector_load %arg10[%get3A, %get3A_201] {strides = array<i32>} : memref<128x128xi32, #tpu.memory_space<vmem>>, vector<16xi32>,
              %bitcast3A_203 = vector.bitcast %get3A_202 : vector<16xi32> to vector<32xbf16>
              %max3A = arith.maximumf %bitcast3A_200, %bitcast3A_203 : vector<32xbf16>
              %bitcast3A_204 = vector.bitcast %max3A : vector<32xbf16> to vector<16xi32>
              tpu.vector_store_idx %arg5[%add3A_198], %bitcast3A_204 : memref<40192xi32, #tpu.memory_space<vmem>>[vector<16xi32>], vector<16xi32>,
              %add3A_205 = arith.constant 16 : i32
              %add3A_206 = vector.broadcast %add3A_205 : i32 to vector<16xi32>
              %add3A_207 = arith.addi %add3A_206, %iota3A : vector<16xi32>
              %add3A_208 = arith.addi %mul3A_194, %add3A_207 : vector<16xi32>
              %gather3A_209 = tpu.vector_load_idx %arg5[%add3A_208] : memref<40192xi32, #tpu.memory_space<vmem>>[vector<16xi32>], vector<16xi32>,
              %bitcast3A_210 = vector.bitcast %gather3A_209 : vector<16xi32> to vector<32xbf16>
              %get3A_211 = arith.index_cast %while3A_183 : i32 to index
              %get3A_212 = arith.constant 16 : index
              %get3A_213 = tpu.vector_load %arg10[%get3A_211, %get3A_212] {strides = array<i32>} : memref<128x128xi32, #tpu.memory_space<vmem>>, vector<16xi32>,
              %bitcast3A_214 = vector.bitcast %get3A_213 : vector<16xi32> to vector<32xbf16>
              %max3A_215 = arith.maximumf %bitcast3A_210, %bitcast3A_214 : vector<32xbf16>
              %bitcast3A_216 = vector.bitcast %max3A_215 : vector<32xbf16> to vector<16xi32>
              tpu.vector_store_idx %arg5[%add3A_208], %bitcast3A_216 : memref<40192xi32, #tpu.memory_space<vmem>>[vector<16xi32>], vector<16xi32>,
              %add3A_217 = arith.constant 32 : i32
              %add3A_218 = vector.broadcast %add3A_217 : i32 to vector<16xi32>
              %add3A_219 = arith.addi %add3A_218, %iota3A : vector<16xi32>
              %add3A_220 = arith.addi %mul3A_194, %add3A_219 : vector<16xi32>
              %gather3A_221 = tpu.vector_load_idx %arg5[%add3A_220] : memref<40192xi32, #tpu.memory_space<vmem>>[vector<16xi32>], vector<16xi32>,
              %bitcast3A_222 = vector.bitcast %gather3A_221 : vector<16xi32> to vector<32xbf16>
              %get3A_223 = arith.index_cast %while3A_183 : i32 to index
              %get3A_224 = arith.constant 32 : index
              %get3A_225 = tpu.vector_load %arg10[%get3A_223, %get3A_224] {strides = array<i32>} : memref<128x128xi32, #tpu.memory_space<vmem>>, vector<16xi32>,
              %bitcast3A_226 = vector.bitcast %get3A_225 : vector<16xi32> to vector<32xbf16>
              %max3A_227 = arith.maximumf %bitcast3A_222, %bitcast3A_226 : vector<32xbf16>
              %bitcast3A_228 = vector.bitcast %max3A_227 : vector<32xbf16> to vector<16xi32>
              tpu.vector_store_idx %arg5[%add3A_220], %bitcast3A_228 : memref<40192xi32, #tpu.memory_space<vmem>>[vector<16xi32>], vector<16xi32>,
              %add3A_229 = arith.constant 48 : i32
              %add3A_230 = vector.broadcast %add3A_229 : i32 to vector<16xi32>
              %add3A_231 = arith.addi %add3A_230, %iota3A : vector<16xi32>
              %add3A_232 = arith.addi %mul3A_194, %add3A_231 : vector<16xi32>
              %gather3A_233 = tpu.vector_load_idx %arg5[%add3A_232] : memref<40192xi32, #tpu.memory_space<vmem>>[vector<16xi32>], vector<16xi32>,
              %bitcast3A_234 = vector.bitcast %gather3A_233 : vector<16xi32> to vector<32xbf16>
              %get3A_235 = arith.index_cast %while3A_183 : i32 to index
              %get3A_236 = arith.constant 48 : index
              %get3A_237 = tpu.vector_load %arg10[%get3A_235, %get3A_236] {strides = array<i32>} : memref<128x128xi32, #tpu.memory_space<vmem>>, vector<16xi32>,
              %bitcast3A_238 = vector.bitcast %get3A_237 : vector<16xi32> to vector<32xbf16>
              %max3A_239 = arith.maximumf %bitcast3A_234, %bitcast3A_238 : vector<32xbf16>
              %bitcast3A_240 = vector.bitcast %max3A_239 : vector<32xbf16> to vector<16xi32>
              tpu.vector_store_idx %arg5[%add3A_232], %bitcast3A_240 : memref<40192xi32, #tpu.memory_space<vmem>>[vector<16xi32>], vector<16xi32>,
              %add3A_241 = arith.constant 64 : i32
              %add3A_242 = vector.broadcast %add3A_241 : i32 to vector<16xi32>
              %add3A_243 = arith.addi %add3A_242, %iota3A : vector<16xi32>
              %add3A_244 = arith.addi %mul3A_194, %add3A_243 : vector<16xi32>
              %gather3A_245 = tpu.vector_load_idx %arg5[%add3A_244] : memref<40192xi32, #tpu.memory_space<vmem>>[vector<16xi32>], vector<16xi32>,
              %bitcast3A_246 = vector.bitcast %gather3A_245 : vector<16xi32> to vector<32xbf16>
              %get3A_247 = arith.index_cast %while3A_183 : i32 to index
              %get3A_248 = arith.constant 64 : index
              %get3A_249 = tpu.vector_load %arg10[%get3A_247, %get3A_248] {strides = array<i32>} : memref<128x128xi32, #tpu.memory_space<vmem>>, vector<16xi32>,
              %bitcast3A_250 = vector.bitcast %get3A_249 : vector<16xi32> to vector<32xbf16>
              %max3A_251 = arith.maximumf %bitcast3A_246, %bitcast3A_250 : vector<32xbf16>
              %bitcast3A_252 = vector.bitcast %max3A_251 : vector<32xbf16> to vector<16xi32>
              tpu.vector_store_idx %arg5[%add3A_244], %bitcast3A_252 : memref<40192xi32, #tpu.memory_space<vmem>>[vector<16xi32>], vector<16xi32>,
              %add3A_253 = arith.constant 80 : i32
              %add3A_254 = vector.broadcast %add3A_253 : i32 to vector<16xi32>
              %add3A_255 = arith.addi %add3A_254, %iota3A : vector<16xi32>
              %add3A_256 = arith.addi %mul3A_194, %add3A_255 : vector<16xi32>
              %gather3A_257 = tpu.vector_load_idx %arg5[%add3A_256] : memref<40192xi32, #tpu.memory_space<vmem>>[vector<16xi32>], vector<16xi32>,
              %bitcast3A_258 = vector.bitcast %gather3A_257 : vector<16xi32> to vector<32xbf16>
              %get3A_259 = arith.index_cast %while3A_183 : i32 to index
              %get3A_260 = arith.constant 80 : index
              %get3A_261 = tpu.vector_load %arg10[%get3A_259, %get3A_260] {strides = array<i32>} : memref<128x128xi32, #tpu.memory_space<vmem>>, vector<16xi32>,
              %bitcast3A_262 = vector.bitcast %get3A_261 : vector<16xi32> to vector<32xbf16>
              %max3A_263 = arith.maximumf %bitcast3A_258, %bitcast3A_262 : vector<32xbf16>
              %bitcast3A_264 = vector.bitcast %max3A_263 : vector<32xbf16> to vector<16xi32>
              tpu.vector_store_idx %arg5[%add3A_256], %bitcast3A_264 : memref<40192xi32, #tpu.memory_space<vmem>>[vector<16xi32>], vector<16xi32>,
              %add3A_265 = arith.constant 96 : i32
              %add3A_266 = vector.broadcast %add3A_265 : i32 to vector<16xi32>
              %add3A_267 = arith.addi %add3A_266, %iota3A : vector<16xi32>
              %add3A_268 = arith.addi %mul3A_194, %add3A_267 : vector<16xi32>
              %gather3A_269 = tpu.vector_load_idx %arg5[%add3A_268] : memref<40192xi32, #tpu.memory_space<vmem>>[vector<16xi32>], vector<16xi32>,
              %bitcast3A_270 = vector.bitcast %gather3A_269 : vector<16xi32> to vector<32xbf16>
              %get3A_271 = arith.index_cast %while3A_183 : i32 to index
              %get3A_272 = arith.constant 96 : index
              %get3A_273 = tpu.vector_load %arg10[%get3A_271, %get3A_272] {strides = array<i32>} : memref<128x128xi32, #tpu.memory_space<vmem>>, vector<16xi32>,
              %bitcast3A_274 = vector.bitcast %get3A_273 : vector<16xi32> to vector<32xbf16>
              %max3A_275 = arith.maximumf %bitcast3A_270, %bitcast3A_274 : vector<32xbf16>
              %bitcast3A_276 = vector.bitcast %max3A_275 : vector<32xbf16> to vector<16xi32>
              tpu.vector_store_idx %arg5[%add3A_268], %bitcast3A_276 : memref<40192xi32, #tpu.memory_space<vmem>>[vector<16xi32>], vector<16xi32>,
              %add3A_277 = arith.constant 112 : i32
              %add3A_278 = vector.broadcast %add3A_277 : i32 to vector<16xi32>
              %add3A_279 = arith.addi %add3A_278, %iota3A : vector<16xi32>
              %add3A_280 = arith.addi %mul3A_194, %add3A_279 : vector<16xi32>
              %gather3A_281 = tpu.vector_load_idx %arg5[%add3A_280] : memref<40192xi32, #tpu.memory_space<vmem>>[vector<16xi32>], vector<16xi32>,
              %bitcast3A_282 = vector.bitcast %gather3A_281 : vector<16xi32> to vector<32xbf16>
              %get3A_283 = arith.index_cast %while3A_183 : i32 to index
              %get3A_284 = arith.constant 112 : index
              %get3A_285 = tpu.vector_load %arg10[%get3A_283, %get3A_284] {strides = array<i32>} : memref<128x128xi32, #tpu.memory_space<vmem>>, vector<16xi32>,
              %bitcast3A_286 = vector.bitcast %get3A_285 : vector<16xi32> to vector<32xbf16>
              %max3A_287 = arith.maximumf %bitcast3A_282, %bitcast3A_286 : vector<32xbf16>
              %bitcast3A_288 = vector.bitcast %max3A_287 : vector<32xbf16> to vector<16xi32>
              tpu.vector_store_idx %arg5[%add3A_280], %bitcast3A_288 : memref<40192xi32, #tpu.memory_space<vmem>>[vector<16xi32>], vector<16xi32>,
              %while3A_289 = arith.constant 0 : i32
              scf.yield %while3A_289 : i32
            }
            %while3A_181 = arith.constant 1 : i32
            %while3A_182 = scf.for %while3A_183 = %while3A_178 to %while3A_174 step %while3A_181 iter_args(%while3A_184 = %while3A_180) -> (i32)  : i32 {
              %add3A_185 = arith.addi %mul3A_167, %while3A_183 : i32
              %broadcast_in_dim3A_186 = vector.broadcast %add3A_185 : i32 to vector<16xi32>
              %gather3A = tpu.vector_load_idx %arg8[%broadcast_in_dim3A_186] : memref<12352xi32, #tpu.memory_space<vmem>>[vector<16xi32>], vector<16xi32>,
              %lt3A_187 = vector.broadcast %reduce_max3A_49 : i32 to vector<16xi32>
              %lt3A_188 = arith.cmpi slt, %broadcast_in_dim3A_186, %lt3A_187 : vector<16xi32>
              %broadcast_in_dim3A_189 = arith.constant 313 : i32
              %broadcast_in_dim3A_190 = vector.broadcast %broadcast_in_dim3A_189 : i32 to vector<16xi32>
              %select_n3A_191 = arith.select %lt3A_188, %gather3A, %broadcast_in_dim3A_190 : vector<16xi1>, vector<16xi32>
              %mul3A_192 = arith.constant 128 : i32
              %mul3A_193 = vector.broadcast %mul3A_192 : i32 to vector<16xi32>
              %mul3A_194 = arith.muli %select_n3A_191, %mul3A_193 : vector<16xi32>
              %add3A_195 = arith.constant 0 : i32
              %add3A_196 = vector.broadcast %add3A_195 : i32 to vector<16xi32>
              %add3A_197 = arith.addi %add3A_196, %iota3A : vector<16xi32>
              %add3A_198 = arith.addi %mul3A_194, %add3A_197 : vector<16xi32>
              %gather3A_199 = tpu.vector_load_idx %arg5[%add3A_198] : memref<40192xi32, #tpu.memory_space<vmem>>[vector<16xi32>], vector<16xi32>,
              %bitcast3A_200 = vector.bitcast %gather3A_199 : vector<16xi32> to vector<32xbf16>
              %get3A = arith.index_cast %while3A_183 : i32 to index
              %get3A_201 = arith.constant 0 : index
              %get3A_202 = tpu.vector_load %arg10[%get3A, %get3A_201] {strides = array<i32>} : memref<128x128xi32, #tpu.memory_space<vmem>>, vector<16xi32>,
              %bitcast3A_203 = vector.bitcast %get3A_202 : vector<16xi32> to vector<32xbf16>
              %max3A = arith.maximumf %bitcast3A_200, %bitcast3A_203 : vector<32xbf16>
              %bitcast3A_204 = vector.bitcast %max3A : vector<32xbf16> to vector<16xi32>
              tpu.vector_store_idx %arg5[%add3A_198], %bitcast3A_204 : memref<40192xi32, #tpu.memory_space<vmem>>[vector<16xi32>], vector<16xi32>,
              %add3A_205 = arith.constant 16 : i32
              %add3A_206 = vector.broadcast %add3A_205 : i32 to vector<16xi32>
              %add3A_207 = arith.addi %add3A_206, %iota3A : vector<16xi32>
              %add3A_208 = arith.addi %mul3A_194, %add3A_207 : vector<16xi32>
              %gather3A_209 = tpu.vector_load_idx %arg5[%add3A_208] : memref<40192xi32, #tpu.memory_space<vmem>>[vector<16xi32>], vector<16xi32>,
              %bitcast3A_210 = vector.bitcast %gather3A_209 : vector<16xi32> to vector<32xbf16>
              %get3A_211 = arith.index_cast %while3A_183 : i32 to index
              %get3A_212 = arith.constant 16 : index
              %get3A_213 = tpu.vector_load %arg10[%get3A_211, %get3A_212] {strides = array<i32>} : memref<128x128xi32, #tpu.memory_space<vmem>>, vector<16xi32>,
              %bitcast3A_214 = vector.bitcast %get3A_213 : vector<16xi32> to vector<32xbf16>
              %max3A_215 = arith.maximumf %bitcast3A_210, %bitcast3A_214 : vector<32xbf16>
              %bitcast3A_216 = vector.bitcast %max3A_215 : vector<32xbf16> to vector<16xi32>
              tpu.vector_store_idx %arg5[%add3A_208], %bitcast3A_216 : memref<40192xi32, #tpu.memory_space<vmem>>[vector<16xi32>], vector<16xi32>,
              %add3A_217 = arith.constant 32 : i32
              %add3A_218 = vector.broadcast %add3A_217 : i32 to vector<16xi32>
              %add3A_219 = arith.addi %add3A_218, %iota3A : vector<16xi32>
              %add3A_220 = arith.addi %mul3A_194, %add3A_219 : vector<16xi32>
              %gather3A_221 = tpu.vector_load_idx %arg5[%add3A_220] : memref<40192xi32, #tpu.memory_space<vmem>>[vector<16xi32>], vector<16xi32>,
              %bitcast3A_222 = vector.bitcast %gather3A_221 : vector<16xi32> to vector<32xbf16>
              %get3A_223 = arith.index_cast %while3A_183 : i32 to index
              %get3A_224 = arith.constant 32 : index
              %get3A_225 = tpu.vector_load %arg10[%get3A_223, %get3A_224] {strides = array<i32>} : memref<128x128xi32, #tpu.memory_space<vmem>>, vector<16xi32>,
              %bitcast3A_226 = vector.bitcast %get3A_225 : vector<16xi32> to vector<32xbf16>
              %max3A_227 = arith.maximumf %bitcast3A_222, %bitcast3A_226 : vector<32xbf16>
              %bitcast3A_228 = vector.bitcast %max3A_227 : vector<32xbf16> to vector<16xi32>
              tpu.vector_store_idx %arg5[%add3A_220], %bitcast3A_228 : memref<40192xi32, #tpu.memory_space<vmem>>[vector<16xi32>], vector<16xi32>,
              %add3A_229 = arith.constant 48 : i32
              %add3A_230 = vector.broadcast %add3A_229 : i32 to vector<16xi32>
              %add3A_231 = arith.addi %add3A_230, %iota3A : vector<16xi32>
              %add3A_232 = arith.addi %mul3A_194, %add3A_231 : vector<16xi32>
              %gather3A_233 = tpu.vector_load_idx %arg5[%add3A_232] : memref<40192xi32, #tpu.memory_space<vmem>>[vector<16xi32>], vector<16xi32>,
              %bitcast3A_234 = vector.bitcast %gather3A_233 : vector<16xi32> to vector<32xbf16>
              %get3A_235 = arith.index_cast %while3A_183 : i32 to index
              %get3A_236 = arith.constant 48 : index
              %get3A_237 = tpu.vector_load %arg10[%get3A_235, %get3A_236] {strides = array<i32>} : memref<128x128xi32, #tpu.memory_space<vmem>>, vector<16xi32>,
              %bitcast3A_238 = vector.bitcast %get3A_237 : vector<16xi32> to vector<32xbf16>
              %max3A_239 = arith.maximumf %bitcast3A_234, %bitcast3A_238 : vector<32xbf16>
              %bitcast3A_240 = vector.bitcast %max3A_239 : vector<32xbf16> to vector<16xi32>
              tpu.vector_store_idx %arg5[%add3A_232], %bitcast3A_240 : memref<40192xi32, #tpu.memory_space<vmem>>[vector<16xi32>], vector<16xi32>,
              %add3A_241 = arith.constant 64 : i32
              %add3A_242 = vector.broadcast %add3A_241 : i32 to vector<16xi32>
              %add3A_243 = arith.addi %add3A_242, %iota3A : vector<16xi32>
              %add3A_244 = arith.addi %mul3A_194, %add3A_243 : vector<16xi32>
              %gather3A_245 = tpu.vector_load_idx %arg5[%add3A_244] : memref<40192xi32, #tpu.memory_space<vmem>>[vector<16xi32>], vector<16xi32>,
              %bitcast3A_246 = vector.bitcast %gather3A_245 : vector<16xi32> to vector<32xbf16>
              %get3A_247 = arith.index_cast %while3A_183 : i32 to index
              %get3A_248 = arith.constant 64 : index
              %get3A_249 = tpu.vector_load %arg10[%get3A_247, %get3A_248] {strides = array<i32>} : memref<128x128xi32, #tpu.memory_space<vmem>>, vector<16xi32>,
              %bitcast3A_250 = vector.bitcast %get3A_249 : vector<16xi32> to vector<32xbf16>
              %max3A_251 = arith.maximumf %bitcast3A_246, %bitcast3A_250 : vector<32xbf16>
              %bitcast3A_252 = vector.bitcast %max3A_251 : vector<32xbf16> to vector<16xi32>
              tpu.vector_store_idx %arg5[%add3A_244], %bitcast3A_252 : memref<40192xi32, #tpu.memory_space<vmem>>[vector<16xi32>], vector<16xi32>,
              %add3A_253 = arith.constant 80 : i32
              %add3A_254 = vector.broadcast %add3A_253 : i32 to vector<16xi32>
              %add3A_255 = arith.addi %add3A_254, %iota3A : vector<16xi32>
              %add3A_256 = arith.addi %mul3A_194, %add3A_255 : vector<16xi32>
              %gather3A_257 = tpu.vector_load_idx %arg5[%add3A_256] : memref<40192xi32, #tpu.memory_space<vmem>>[vector<16xi32>], vector<16xi32>,
              %bitcast3A_258 = vector.bitcast %gather3A_257 : vector<16xi32> to vector<32xbf16>
              %get3A_259 = arith.index_cast %while3A_183 : i32 to index
              %get3A_260 = arith.constant 80 : index
              %get3A_261 = tpu.vector_load %arg10[%get3A_259, %get3A_260] {strides = array<i32>} : memref<128x128xi32, #tpu.memory_space<vmem>>, vector<16xi32>,
              %bitcast3A_262 = vector.bitcast %get3A_261 : vector<16xi32> to vector<32xbf16>
              %max3A_263 = arith.maximumf %bitcast3A_258, %bitcast3A_262 : vector<32xbf16>
              %bitcast3A_264 = vector.bitcast %max3A_263 : vector<32xbf16> to vector<16xi32>
              tpu.vector_store_idx %arg5[%add3A_256], %bitcast3A_264 : memref<40192xi32, #tpu.memory_space<vmem>>[vector<16xi32>], vector<16xi32>,
              %add3A_265 = arith.constant 96 : i32
              %add3A_266 = vector.broadcast %add3A_265 : i32 to vector<16xi32>
              %add3A_267 = arith.addi %add3A_266, %iota3A : vector<16xi32>
              %add3A_268 = arith.addi %mul3A_194, %add3A_267 : vector<16xi32>
              %gather3A_269 = tpu.vector_load_idx %arg5[%add3A_268] : memref<40192xi32, #tpu.memory_space<vmem>>[vector<16xi32>], vector<16xi32>,
              %bitcast3A_270 = vector.bitcast %gather3A_269 : vector<16xi32> to vector<32xbf16>
              %get3A_271 = arith.index_cast %while3A_183 : i32 to index
              %get3A_272 = arith.constant 96 : index
              %get3A_273 = tpu.vector_load %arg10[%get3A_271, %get3A_272] {strides = array<i32>} : memref<128x128xi32, #tpu.memory_space<vmem>>, vector<16xi32>,
              %bitcast3A_274 = vector.bitcast %get3A_273 : vector<16xi32> to vector<32xbf16>
              %max3A_275 = arith.maximumf %bitcast3A_270, %bitcast3A_274 : vector<32xbf16>
              %bitcast3A_276 = vector.bitcast %max3A_275 : vector<32xbf16> to vector<16xi32>
              tpu.vector_store_idx %arg5[%add3A_268], %bitcast3A_276 : memref<40192xi32, #tpu.memory_space<vmem>>[vector<16xi32>], vector<16xi32>,
              %add3A_277 = arith.constant 112 : i32
              %add3A_278 = vector.broadcast %add3A_277 : i32 to vector<16xi32>
              %add3A_279 = arith.addi %add3A_278, %iota3A : vector<16xi32>
              %add3A_280 = arith.addi %mul3A_194, %add3A_279 : vector<16xi32>
              %gather3A_281 = tpu.vector_load_idx %arg5[%add3A_280] : memref<40192xi32, #tpu.memory_space<vmem>>[vector<16xi32>], vector<16xi32>,
              %bitcast3A_282 = vector.bitcast %gather3A_281 : vector<16xi32> to vector<32xbf16>
              %get3A_283 = arith.index_cast %while3A_183 : i32 to index
              %get3A_284 = arith.constant 112 : index
              %get3A_285 = tpu.vector_load %arg10[%get3A_283, %get3A_284] {strides = array<i32>} : memref<128x128xi32, #tpu.memory_space<vmem>>, vector<16xi32>,
              %bitcast3A_286 = vector.bitcast %get3A_285 : vector<16xi32> to vector<32xbf16>
              %max3A_287 = arith.maximumf %bitcast3A_282, %bitcast3A_286 : vector<32xbf16>
              %bitcast3A_288 = vector.bitcast %max3A_287 : vector<32xbf16> to vector<16xi32>
              tpu.vector_store_idx %arg5[%add3A_280], %bitcast3A_288 : memref<40192xi32, #tpu.memory_space<vmem>>[vector<16xi32>], vector<16xi32>,
              %while3A_289 = arith.constant 0 : i32
              scf.yield %while3A_289 : i32
            }
          } else {
          }
          %while3A_154 = arith.constant 0 : i32
          scf.yield %while3A_154 : i32
        }
      } else {
      }
      %broadcast_in_dim3A_54 = vector.broadcast %or3A : i1 to vector<16xi1>
      %jit3A = arith.constant 0 : i32
      %broadcast_in_dim3A_55 = vector.broadcast %jit3A : i32 to vector<16xi32>
      %select_n3A = arith.select %broadcast_in_dim3A_54, %broadcast_in_dim3A_55, %scan3A_41 : vector<16xi1>, vector<16xi32>
      scf.yield %select_n3A : vector<16xi32>
    }
    %scan3A_26 = arith.constant 20 : i32
    %mul3A_27 = arith.constant 313 : i32
    %mul3A_28 = arith.muli %add3A, %mul3A_27 : i32
    %mul3A_29 = arith.constant 128 : i32
    %mul3A_30 = arith.muli %mul3A_28, %mul3A_29 : i32
    "tpu.region"() ({
      %run_scoped3A = tpu.sem_alloc : memref<!tpu.dma_semaphore, #tpu.memory_space<semaphore_mem>>
      %dma_start3A = arith.constant 0 : i32
      %dma_start3A_31 = tpu.memref_slice %arg5[%dma_start3A] : memref<40192xi32, #tpu.memory_space<vmem>> -> memref<40064xi32, #tpu.memory_space<vmem>>
      %dma_start3A_32 = tpu.memref_slice %arg4[%mul3A_30] : memref<1282048xi32, #tpu.memory_space<hbm>> -> memref<40064xi32, #tpu.memory_space<hbm>>
      %dma_start3A_33 = tpu.memref_slice %arg4[%mul3A_30] : memref<1282048xi32, #tpu.memory_space<hbm>> -> memref<40064xi32, #tpu.memory_space<hbm>>
      %dma_start3A_34 = arith.constant 0 : i32
      %dma_start3A_35 = tpu.memref_slice %arg5[%dma_start3A_34] : memref<40192xi32, #tpu.memory_space<vmem>> -> memref<40064xi32, #tpu.memory_space<vmem>>
      tpu.enqueue_dma source(%dma_start3A_35 : memref<40064xi32, #tpu.memory_space<vmem>>) target(%dma_start3A_33 : memref<40064xi32, #tpu.memory_space<hbm>>) target_semaphore(%run_scoped3A : memref<!tpu.dma_semaphore, #tpu.memory_space<semaphore_mem>>)
      %dma_wait3A = arith.constant 0 : i32
      %dma_wait3A_36 = tpu.memref_slice %arg5[%dma_wait3A] : memref<40192xi32, #tpu.memory_space<vmem>> -> memref<40064xi32, #tpu.memory_space<vmem>>
      %dma_wait3A_37 = tpu.memref_slice %arg4[%mul3A_30] : memref<1282048xi32, #tpu.memory_space<hbm>> -> memref<40064xi32, #tpu.memory_space<hbm>>
      %dma_wait3A_38 = tpu.memref_slice %arg4[%mul3A_30] : memref<1282048xi32, #tpu.memory_space<hbm>> -> memref<40064xi32, #tpu.memory_space<hbm>>
      %dma_wait3A_39 = arith.constant 0 : i32
      %dma_wait3A_40 = tpu.memref_slice %arg5[%dma_wait3A_39] : memref<40192xi32, #tpu.memory_space<vmem>> -> memref<40064xi32, #tpu.memory_space<vmem>>
      tpu.wait_dma2 semaphore(%run_scoped3A : memref<!tpu.dma_semaphore, #tpu.memory_space<semaphore_mem>>) src(%dma_wait3A_40 : memref<40064xi32, #tpu.memory_space<vmem>>) dst(%dma_wait3A_38 : memref<40064xi32, #tpu.memory_space<hbm>>)
      tpu.yield
    }) : () -> ()
    return
  }
}

#map = affine_map<(d0, d1) -> (0, 0)>
#map1 = affine_map<(d0, d1) -> (0)>
module attributes {stable_mosaic.version = 14 : i64} {
  func.func @_gather_body(%arg0: i32, %arg1: i32, %arg2: memref<10000x64xf32, #tpu.memory_space<hbm>>, %arg3: memref<10000x64xf32, #tpu.memory_space<hbm>>, %arg4: memref<160000xi32, #tpu.memory_space<hbm>>, %arg5: memref<160000xi32, #tpu.memory_space<hbm>>, %arg6: memref<160000x64xf32, #tpu.memory_space<hbm>>, %arg7: memref<160000x64xf32, #tpu.memory_space<hbm>>, %arg8: memref<1000xi32, #tpu.memory_space<vmem>>, %arg9: memref<1000x64xf32, #tpu.memory_space<vmem>>, %arg10: memref<!tpu.dma_semaphore, #tpu.memory_space<semaphore_mem>>) attributes {dimension_semantics = [#tpu.dimension_semantics<core_parallel>, #tpu.dimension_semantics<subcore_parallel>], iteration_bounds = array<i64: 2, 16>, scalar_prefetch = 0 : i64, scratch_operands = 3 : i64, tpu.core_type = #tpu.core_type<sc_vector_subcore>, window_params = [{transform_indices = #map}, {transform_indices = #map}, {transform_indices = #map1}, {transform_indices = #map1}, {transform_indices = #map}, {transform_indices = #map}]} {
    %mul3A = arith.constant 2 : i32
    %mul3A_0 = arith.muli %arg1, %mul3A : i32
    %add3A = arith.addi %mul3A_0, %arg0 : i32
    %mul3A_1 = arith.constant 5000 : i32
    %mul3A_2 = arith.muli %add3A, %mul3A_1 : i32
    %add3A_3 = arith.constant 0 : i32
    %add3A_4 = arith.addi %mul3A_2, %add3A_3 : i32
    "tpu.region"() ({
      %run_scoped3A = tpu.sem_alloc : memref<!tpu.dma_semaphore, #tpu.memory_space<semaphore_mem>>
      %dma_start3A_99 = tpu.memref_slice %arg4[%add3A_4] : memref<160000xi32, #tpu.memory_space<hbm>> -> memref<1000xi32, #tpu.memory_space<hbm>>
      %dma_start3A_100 = tpu.memref_slice %arg4[%add3A_4] : memref<160000xi32, #tpu.memory_space<hbm>> -> memref<1000xi32, #tpu.memory_space<hbm>>
      tpu.enqueue_dma source(%dma_start3A_100 : memref<1000xi32, #tpu.memory_space<hbm>>) target(%arg8 : memref<1000xi32, #tpu.memory_space<vmem>>) target_semaphore(%run_scoped3A : memref<!tpu.dma_semaphore, #tpu.memory_space<semaphore_mem>>)
      %dma_wait3A_101 = tpu.memref_slice %arg4[%add3A_4] : memref<160000xi32, #tpu.memory_space<hbm>> -> memref<1000xi32, #tpu.memory_space<hbm>>
      %dma_wait3A_102 = tpu.memref_slice %arg4[%add3A_4] : memref<160000xi32, #tpu.memory_space<hbm>> -> memref<1000xi32, #tpu.memory_space<hbm>>
      tpu.wait_dma2 semaphore(%run_scoped3A : memref<!tpu.dma_semaphore, #tpu.memory_space<semaphore_mem>>) src(%dma_wait3A_102 : memref<1000xi32, #tpu.memory_space<hbm>>) dst(%arg8 : memref<1000xi32, #tpu.memory_space<vmem>>)
      tpu.yield
    }) : () -> ()
    %dma_start3A = arith.constant 0 : i32
    %dma_start3A_5 = arith.constant 0 : i32
    %dma_start3A_6 = tpu.memref_slice %arg2[%dma_start3A, %dma_start3A_5] : memref<10000x64xf32, #tpu.memory_space<hbm>> -> memref<10000x64xf32, #tpu.memory_space<hbm>>
    tpu.enqueue_indirect_dma source(%dma_start3A_6 : memref<10000x64xf32, #tpu.memory_space<hbm>>) target(%arg9 : memref<1000x64xf32, #tpu.memory_space<vmem>>) offsets(%arg8 : memref<1000xi32, #tpu.memory_space<vmem>>) semaphore(%arg10 : memref<!tpu.dma_semaphore, #tpu.memory_space<semaphore_mem>>)
    %dma_wait3A = arith.constant 0 : i32
    %dma_wait3A_7 = arith.constant 0 : i32
    %dma_wait3A_8 = tpu.memref_slice %arg2[%dma_wait3A, %dma_wait3A_7] : memref<10000x64xf32, #tpu.memory_space<hbm>> -> memref<10000x64xf32, #tpu.memory_space<hbm>>
    tpu.wait_indirect_dma semaphore(%arg10 : memref<!tpu.dma_semaphore, #tpu.memory_space<semaphore_mem>>) src(%dma_wait3A_8 : memref<10000x64xf32, #tpu.memory_space<hbm>>) dst(%arg9 : memref<1000x64xf32, #tpu.memory_space<vmem>>)
    "tpu.region"() ({
      %run_scoped3A = tpu.sem_alloc : memref<!tpu.dma_semaphore, #tpu.memory_space<semaphore_mem>>
      %dma_start3A_99 = arith.constant 0 : i32
      %dma_start3A_100 = tpu.memref_slice %arg6[%add3A_4, %dma_start3A_99] : memref<160000x64xf32, #tpu.memory_space<hbm>> -> memref<1000x64xf32, #tpu.memory_space<hbm>>
      %dma_start3A_101 = arith.constant 0 : i32
      %dma_start3A_102 = tpu.memref_slice %arg6[%add3A_4, %dma_start3A_101] : memref<160000x64xf32, #tpu.memory_space<hbm>> -> memref<1000x64xf32, #tpu.memory_space<hbm>>
      tpu.enqueue_dma source(%arg9 : memref<1000x64xf32, #tpu.memory_space<vmem>>) target(%dma_start3A_102 : memref<1000x64xf32, #tpu.memory_space<hbm>>) target_semaphore(%run_scoped3A : memref<!tpu.dma_semaphore, #tpu.memory_space<semaphore_mem>>)
      %dma_wait3A_103 = arith.constant 0 : i32
      %dma_wait3A_104 = tpu.memref_slice %arg6[%add3A_4, %dma_wait3A_103] : memref<160000x64xf32, #tpu.memory_space<hbm>> -> memref<1000x64xf32, #tpu.memory_space<hbm>>
      %dma_wait3A_105 = arith.constant 0 : i32
      %dma_wait3A_106 = tpu.memref_slice %arg6[%add3A_4, %dma_wait3A_105] : memref<160000x64xf32, #tpu.memory_space<hbm>> -> memref<1000x64xf32, #tpu.memory_space<hbm>>
      tpu.wait_dma2 semaphore(%run_scoped3A : memref<!tpu.dma_semaphore, #tpu.memory_space<semaphore_mem>>) src(%arg9 : memref<1000x64xf32, #tpu.memory_space<vmem>>) dst(%dma_wait3A_106 : memref<1000x64xf32, #tpu.memory_space<hbm>>)
      tpu.yield
    }) : () -> ()
    %mul3A_9 = arith.constant 5000 : i32
    %mul3A_10 = arith.muli %add3A, %mul3A_9 : i32
    %add3A_11 = arith.constant 1000 : i32
    %add3A_12 = arith.addi %mul3A_10, %add3A_11 : i32
    "tpu.region"() ({
      %run_scoped3A = tpu.sem_alloc : memref<!tpu.dma_semaphore, #tpu.memory_space<semaphore_mem>>
      %dma_start3A_99 = tpu.memref_slice %arg4[%add3A_12] : memref<160000xi32, #tpu.memory_space<hbm>> -> memref<1000xi32, #tpu.memory_space<hbm>>
      %dma_start3A_100 = tpu.memref_slice %arg4[%add3A_12] : memref<160000xi32, #tpu.memory_space<hbm>> -> memref<1000xi32, #tpu.memory_space<hbm>>
      tpu.enqueue_dma source(%dma_start3A_100 : memref<1000xi32, #tpu.memory_space<hbm>>) target(%arg8 : memref<1000xi32, #tpu.memory_space<vmem>>) target_semaphore(%run_scoped3A : memref<!tpu.dma_semaphore, #tpu.memory_space<semaphore_mem>>)
      %dma_wait3A_101 = tpu.memref_slice %arg4[%add3A_12] : memref<160000xi32, #tpu.memory_space<hbm>> -> memref<1000xi32, #tpu.memory_space<hbm>>
      %dma_wait3A_102 = tpu.memref_slice %arg4[%add3A_12] : memref<160000xi32, #tpu.memory_space<hbm>> -> memref<1000xi32, #tpu.memory_space<hbm>>
      tpu.wait_dma2 semaphore(%run_scoped3A : memref<!tpu.dma_semaphore, #tpu.memory_space<semaphore_mem>>) src(%dma_wait3A_102 : memref<1000xi32, #tpu.memory_space<hbm>>) dst(%arg8 : memref<1000xi32, #tpu.memory_space<vmem>>)
      tpu.yield
    }) : () -> ()
    %dma_start3A_13 = arith.constant 0 : i32
    %dma_start3A_14 = arith.constant 0 : i32
    %dma_start3A_15 = tpu.memref_slice %arg2[%dma_start3A_13, %dma_start3A_14] : memref<10000x64xf32, #tpu.memory_space<hbm>> -> memref<10000x64xf32, #tpu.memory_space<hbm>>
    tpu.enqueue_indirect_dma source(%dma_start3A_15 : memref<10000x64xf32, #tpu.memory_space<hbm>>) target(%arg9 : memref<1000x64xf32, #tpu.memory_space<vmem>>) offsets(%arg8 : memref<1000xi32, #tpu.memory_space<vmem>>) semaphore(%arg10 : memref<!tpu.dma_semaphore, #tpu.memory_space<semaphore_mem>>)
    %dma_wait3A_16 = arith.constant 0 : i32
    %dma_wait3A_17 = arith.constant 0 : i32
    %dma_wait3A_18 = tpu.memref_slice %arg2[%dma_wait3A_16, %dma_wait3A_17] : memref<10000x64xf32, #tpu.memory_space<hbm>> -> memref<10000x64xf32, #tpu.memory_space<hbm>>
    tpu.wait_indirect_dma semaphore(%arg10 : memref<!tpu.dma_semaphore, #tpu.memory_space<semaphore_mem>>) src(%dma_wait3A_18 : memref<10000x64xf32, #tpu.memory_space<hbm>>) dst(%arg9 : memref<1000x64xf32, #tpu.memory_space<vmem>>)
    "tpu.region"() ({
      %run_scoped3A = tpu.sem_alloc : memref<!tpu.dma_semaphore, #tpu.memory_space<semaphore_mem>>
      %dma_start3A_99 = arith.constant 0 : i32
      %dma_start3A_100 = tpu.memref_slice %arg6[%add3A_12, %dma_start3A_99] : memref<160000x64xf32, #tpu.memory_space<hbm>> -> memref<1000x64xf32, #tpu.memory_space<hbm>>
      %dma_start3A_101 = arith.constant 0 : i32
      %dma_start3A_102 = tpu.memref_slice %arg6[%add3A_12, %dma_start3A_101] : memref<160000x64xf32, #tpu.memory_space<hbm>> -> memref<1000x64xf32, #tpu.memory_space<hbm>>
      tpu.enqueue_dma source(%arg9 : memref<1000x64xf32, #tpu.memory_space<vmem>>) target(%dma_start3A_102 : memref<1000x64xf32, #tpu.memory_space<hbm>>) target_semaphore(%run_scoped3A : memref<!tpu.dma_semaphore, #tpu.memory_space<semaphore_mem>>)
      %dma_wait3A_103 = arith.constant 0 : i32
      %dma_wait3A_104 = tpu.memref_slice %arg6[%add3A_12, %dma_wait3A_103] : memref<160000x64xf32, #tpu.memory_space<hbm>> -> memref<1000x64xf32, #tpu.memory_space<hbm>>
      %dma_wait3A_105 = arith.constant 0 : i32
      %dma_wait3A_106 = tpu.memref_slice %arg6[%add3A_12, %dma_wait3A_105] : memref<160000x64xf32, #tpu.memory_space<hbm>> -> memref<1000x64xf32, #tpu.memory_space<hbm>>
      tpu.wait_dma2 semaphore(%run_scoped3A : memref<!tpu.dma_semaphore, #tpu.memory_space<semaphore_mem>>) src(%arg9 : memref<1000x64xf32, #tpu.memory_space<vmem>>) dst(%dma_wait3A_106 : memref<1000x64xf32, #tpu.memory_space<hbm>>)
      tpu.yield
    }) : () -> ()
    %mul3A_19 = arith.constant 5000 : i32
    %mul3A_20 = arith.muli %add3A, %mul3A_19 : i32
    %add3A_21 = arith.constant 2000 : i32
    %add3A_22 = arith.addi %mul3A_20, %add3A_21 : i32
    "tpu.region"() ({
      %run_scoped3A = tpu.sem_alloc : memref<!tpu.dma_semaphore, #tpu.memory_space<semaphore_mem>>
      %dma_start3A_99 = tpu.memref_slice %arg4[%add3A_22] : memref<160000xi32, #tpu.memory_space<hbm>> -> memref<1000xi32, #tpu.memory_space<hbm>>
      %dma_start3A_100 = tpu.memref_slice %arg4[%add3A_22] : memref<160000xi32, #tpu.memory_space<hbm>> -> memref<1000xi32, #tpu.memory_space<hbm>>
      tpu.enqueue_dma source(%dma_start3A_100 : memref<1000xi32, #tpu.memory_space<hbm>>) target(%arg8 : memref<1000xi32, #tpu.memory_space<vmem>>) target_semaphore(%run_scoped3A : memref<!tpu.dma_semaphore, #tpu.memory_space<semaphore_mem>>)
      %dma_wait3A_101 = tpu.memref_slice %arg4[%add3A_22] : memref<160000xi32, #tpu.memory_space<hbm>> -> memref<1000xi32, #tpu.memory_space<hbm>>
      %dma_wait3A_102 = tpu.memref_slice %arg4[%add3A_22] : memref<160000xi32, #tpu.memory_space<hbm>> -> memref<1000xi32, #tpu.memory_space<hbm>>
      tpu.wait_dma2 semaphore(%run_scoped3A : memref<!tpu.dma_semaphore, #tpu.memory_space<semaphore_mem>>) src(%dma_wait3A_102 : memref<1000xi32, #tpu.memory_space<hbm>>) dst(%arg8 : memref<1000xi32, #tpu.memory_space<vmem>>)
      tpu.yield
    }) : () -> ()
    %dma_start3A_23 = arith.constant 0 : i32
    %dma_start3A_24 = arith.constant 0 : i32
    %dma_start3A_25 = tpu.memref_slice %arg2[%dma_start3A_23, %dma_start3A_24] : memref<10000x64xf32, #tpu.memory_space<hbm>> -> memref<10000x64xf32, #tpu.memory_space<hbm>>
    tpu.enqueue_indirect_dma source(%dma_start3A_25 : memref<10000x64xf32, #tpu.memory_space<hbm>>) target(%arg9 : memref<1000x64xf32, #tpu.memory_space<vmem>>) offsets(%arg8 : memref<1000xi32, #tpu.memory_space<vmem>>) semaphore(%arg10 : memref<!tpu.dma_semaphore, #tpu.memory_space<semaphore_mem>>)
    %dma_wait3A_26 = arith.constant 0 : i32
    %dma_wait3A_27 = arith.constant 0 : i32
    %dma_wait3A_28 = tpu.memref_slice %arg2[%dma_wait3A_26, %dma_wait3A_27] : memref<10000x64xf32, #tpu.memory_space<hbm>> -> memref<10000x64xf32, #tpu.memory_space<hbm>>
    tpu.wait_indirect_dma semaphore(%arg10 : memref<!tpu.dma_semaphore, #tpu.memory_space<semaphore_mem>>) src(%dma_wait3A_28 : memref<10000x64xf32, #tpu.memory_space<hbm>>) dst(%arg9 : memref<1000x64xf32, #tpu.memory_space<vmem>>)
    "tpu.region"() ({
      %run_scoped3A = tpu.sem_alloc : memref<!tpu.dma_semaphore, #tpu.memory_space<semaphore_mem>>
      %dma_start3A_99 = arith.constant 0 : i32
      %dma_start3A_100 = tpu.memref_slice %arg6[%add3A_22, %dma_start3A_99] : memref<160000x64xf32, #tpu.memory_space<hbm>> -> memref<1000x64xf32, #tpu.memory_space<hbm>>
      %dma_start3A_101 = arith.constant 0 : i32
      %dma_start3A_102 = tpu.memref_slice %arg6[%add3A_22, %dma_start3A_101] : memref<160000x64xf32, #tpu.memory_space<hbm>> -> memref<1000x64xf32, #tpu.memory_space<hbm>>
      tpu.enqueue_dma source(%arg9 : memref<1000x64xf32, #tpu.memory_space<vmem>>) target(%dma_start3A_102 : memref<1000x64xf32, #tpu.memory_space<hbm>>) target_semaphore(%run_scoped3A : memref<!tpu.dma_semaphore, #tpu.memory_space<semaphore_mem>>)
      %dma_wait3A_103 = arith.constant 0 : i32
      %dma_wait3A_104 = tpu.memref_slice %arg6[%add3A_22, %dma_wait3A_103] : memref<160000x64xf32, #tpu.memory_space<hbm>> -> memref<1000x64xf32, #tpu.memory_space<hbm>>
      %dma_wait3A_105 = arith.constant 0 : i32
      %dma_wait3A_106 = tpu.memref_slice %arg6[%add3A_22, %dma_wait3A_105] : memref<160000x64xf32, #tpu.memory_space<hbm>> -> memref<1000x64xf32, #tpu.memory_space<hbm>>
      tpu.wait_dma2 semaphore(%run_scoped3A : memref<!tpu.dma_semaphore, #tpu.memory_space<semaphore_mem>>) src(%arg9 : memref<1000x64xf32, #tpu.memory_space<vmem>>) dst(%dma_wait3A_106 : memref<1000x64xf32, #tpu.memory_space<hbm>>)
      tpu.yield
    }) : () -> ()
    %mul3A_29 = arith.constant 5000 : i32
    %mul3A_30 = arith.muli %add3A, %mul3A_29 : i32
    %add3A_31 = arith.constant 3000 : i32
    %add3A_32 = arith.addi %mul3A_30, %add3A_31 : i32
    "tpu.region"() ({
      %run_scoped3A = tpu.sem_alloc : memref<!tpu.dma_semaphore, #tpu.memory_space<semaphore_mem>>
      %dma_start3A_99 = tpu.memref_slice %arg4[%add3A_32] : memref<160000xi32, #tpu.memory_space<hbm>> -> memref<1000xi32, #tpu.memory_space<hbm>>
      %dma_start3A_100 = tpu.memref_slice %arg4[%add3A_32] : memref<160000xi32, #tpu.memory_space<hbm>> -> memref<1000xi32, #tpu.memory_space<hbm>>
      tpu.enqueue_dma source(%dma_start3A_100 : memref<1000xi32, #tpu.memory_space<hbm>>) target(%arg8 : memref<1000xi32, #tpu.memory_space<vmem>>) target_semaphore(%run_scoped3A : memref<!tpu.dma_semaphore, #tpu.memory_space<semaphore_mem>>)
      %dma_wait3A_101 = tpu.memref_slice %arg4[%add3A_32] : memref<160000xi32, #tpu.memory_space<hbm>> -> memref<1000xi32, #tpu.memory_space<hbm>>
      %dma_wait3A_102 = tpu.memref_slice %arg4[%add3A_32] : memref<160000xi32, #tpu.memory_space<hbm>> -> memref<1000xi32, #tpu.memory_space<hbm>>
      tpu.wait_dma2 semaphore(%run_scoped3A : memref<!tpu.dma_semaphore, #tpu.memory_space<semaphore_mem>>) src(%dma_wait3A_102 : memref<1000xi32, #tpu.memory_space<hbm>>) dst(%arg8 : memref<1000xi32, #tpu.memory_space<vmem>>)
      tpu.yield
    }) : () -> ()
    %dma_start3A_33 = arith.constant 0 : i32
    %dma_start3A_34 = arith.constant 0 : i32
    %dma_start3A_35 = tpu.memref_slice %arg2[%dma_start3A_33, %dma_start3A_34] : memref<10000x64xf32, #tpu.memory_space<hbm>> -> memref<10000x64xf32, #tpu.memory_space<hbm>>
    tpu.enqueue_indirect_dma source(%dma_start3A_35 : memref<10000x64xf32, #tpu.memory_space<hbm>>) target(%arg9 : memref<1000x64xf32, #tpu.memory_space<vmem>>) offsets(%arg8 : memref<1000xi32, #tpu.memory_space<vmem>>) semaphore(%arg10 : memref<!tpu.dma_semaphore, #tpu.memory_space<semaphore_mem>>)
    %dma_wait3A_36 = arith.constant 0 : i32
    %dma_wait3A_37 = arith.constant 0 : i32
    %dma_wait3A_38 = tpu.memref_slice %arg2[%dma_wait3A_36, %dma_wait3A_37] : memref<10000x64xf32, #tpu.memory_space<hbm>> -> memref<10000x64xf32, #tpu.memory_space<hbm>>
    tpu.wait_indirect_dma semaphore(%arg10 : memref<!tpu.dma_semaphore, #tpu.memory_space<semaphore_mem>>) src(%dma_wait3A_38 : memref<10000x64xf32, #tpu.memory_space<hbm>>) dst(%arg9 : memref<1000x64xf32, #tpu.memory_space<vmem>>)
    "tpu.region"() ({
      %run_scoped3A = tpu.sem_alloc : memref<!tpu.dma_semaphore, #tpu.memory_space<semaphore_mem>>
      %dma_start3A_99 = arith.constant 0 : i32
      %dma_start3A_100 = tpu.memref_slice %arg6[%add3A_32, %dma_start3A_99] : memref<160000x64xf32, #tpu.memory_space<hbm>> -> memref<1000x64xf32, #tpu.memory_space<hbm>>
      %dma_start3A_101 = arith.constant 0 : i32
      %dma_start3A_102 = tpu.memref_slice %arg6[%add3A_32, %dma_start3A_101] : memref<160000x64xf32, #tpu.memory_space<hbm>> -> memref<1000x64xf32, #tpu.memory_space<hbm>>
      tpu.enqueue_dma source(%arg9 : memref<1000x64xf32, #tpu.memory_space<vmem>>) target(%dma_start3A_102 : memref<1000x64xf32, #tpu.memory_space<hbm>>) target_semaphore(%run_scoped3A : memref<!tpu.dma_semaphore, #tpu.memory_space<semaphore_mem>>)
      %dma_wait3A_103 = arith.constant 0 : i32
      %dma_wait3A_104 = tpu.memref_slice %arg6[%add3A_32, %dma_wait3A_103] : memref<160000x64xf32, #tpu.memory_space<hbm>> -> memref<1000x64xf32, #tpu.memory_space<hbm>>
      %dma_wait3A_105 = arith.constant 0 : i32
      %dma_wait3A_106 = tpu.memref_slice %arg6[%add3A_32, %dma_wait3A_105] : memref<160000x64xf32, #tpu.memory_space<hbm>> -> memref<1000x64xf32, #tpu.memory_space<hbm>>
      tpu.wait_dma2 semaphore(%run_scoped3A : memref<!tpu.dma_semaphore, #tpu.memory_space<semaphore_mem>>) src(%arg9 : memref<1000x64xf32, #tpu.memory_space<vmem>>) dst(%dma_wait3A_106 : memref<1000x64xf32, #tpu.memory_space<hbm>>)
      tpu.yield
    }) : () -> ()
    %mul3A_39 = arith.constant 5000 : i32
    %mul3A_40 = arith.muli %add3A, %mul3A_39 : i32
    %add3A_41 = arith.constant 4000 : i32
    %add3A_42 = arith.addi %mul3A_40, %add3A_41 : i32
    "tpu.region"() ({
      %run_scoped3A = tpu.sem_alloc : memref<!tpu.dma_semaphore, #tpu.memory_space<semaphore_mem>>
      %dma_start3A_99 = tpu.memref_slice %arg4[%add3A_42] : memref<160000xi32, #tpu.memory_space<hbm>> -> memref<1000xi32, #tpu.memory_space<hbm>>
      %dma_start3A_100 = tpu.memref_slice %arg4[%add3A_42] : memref<160000xi32, #tpu.memory_space<hbm>> -> memref<1000xi32, #tpu.memory_space<hbm>>
      tpu.enqueue_dma source(%dma_start3A_100 : memref<1000xi32, #tpu.memory_space<hbm>>) target(%arg8 : memref<1000xi32, #tpu.memory_space<vmem>>) target_semaphore(%run_scoped3A : memref<!tpu.dma_semaphore, #tpu.memory_space<semaphore_mem>>)
      %dma_wait3A_101 = tpu.memref_slice %arg4[%add3A_42] : memref<160000xi32, #tpu.memory_space<hbm>> -> memref<1000xi32, #tpu.memory_space<hbm>>
      %dma_wait3A_102 = tpu.memref_slice %arg4[%add3A_42] : memref<160000xi32, #tpu.memory_space<hbm>> -> memref<1000xi32, #tpu.memory_space<hbm>>
      tpu.wait_dma2 semaphore(%run_scoped3A : memref<!tpu.dma_semaphore, #tpu.memory_space<semaphore_mem>>) src(%dma_wait3A_102 : memref<1000xi32, #tpu.memory_space<hbm>>) dst(%arg8 : memref<1000xi32, #tpu.memory_space<vmem>>)
      tpu.yield
    }) : () -> ()
    %dma_start3A_43 = arith.constant 0 : i32
    %dma_start3A_44 = arith.constant 0 : i32
    %dma_start3A_45 = tpu.memref_slice %arg2[%dma_start3A_43, %dma_start3A_44] : memref<10000x64xf32, #tpu.memory_space<hbm>> -> memref<10000x64xf32, #tpu.memory_space<hbm>>
    tpu.enqueue_indirect_dma source(%dma_start3A_45 : memref<10000x64xf32, #tpu.memory_space<hbm>>) target(%arg9 : memref<1000x64xf32, #tpu.memory_space<vmem>>) offsets(%arg8 : memref<1000xi32, #tpu.memory_space<vmem>>) semaphore(%arg10 : memref<!tpu.dma_semaphore, #tpu.memory_space<semaphore_mem>>)
    %dma_wait3A_46 = arith.constant 0 : i32
    %dma_wait3A_47 = arith.constant 0 : i32
    %dma_wait3A_48 = tpu.memref_slice %arg2[%dma_wait3A_46, %dma_wait3A_47] : memref<10000x64xf32, #tpu.memory_space<hbm>> -> memref<10000x64xf32, #tpu.memory_space<hbm>>
    tpu.wait_indirect_dma semaphore(%arg10 : memref<!tpu.dma_semaphore, #tpu.memory_space<semaphore_mem>>) src(%dma_wait3A_48 : memref<10000x64xf32, #tpu.memory_space<hbm>>) dst(%arg9 : memref<1000x64xf32, #tpu.memory_space<vmem>>)
    "tpu.region"() ({
      %run_scoped3A = tpu.sem_alloc : memref<!tpu.dma_semaphore, #tpu.memory_space<semaphore_mem>>
      %dma_start3A_99 = arith.constant 0 : i32
      %dma_start3A_100 = tpu.memref_slice %arg6[%add3A_42, %dma_start3A_99] : memref<160000x64xf32, #tpu.memory_space<hbm>> -> memref<1000x64xf32, #tpu.memory_space<hbm>>
      %dma_start3A_101 = arith.constant 0 : i32
      %dma_start3A_102 = tpu.memref_slice %arg6[%add3A_42, %dma_start3A_101] : memref<160000x64xf32, #tpu.memory_space<hbm>> -> memref<1000x64xf32, #tpu.memory_space<hbm>>
      tpu.enqueue_dma source(%arg9 : memref<1000x64xf32, #tpu.memory_space<vmem>>) target(%dma_start3A_102 : memref<1000x64xf32, #tpu.memory_space<hbm>>) target_semaphore(%run_scoped3A : memref<!tpu.dma_semaphore, #tpu.memory_space<semaphore_mem>>)
      %dma_wait3A_103 = arith.constant 0 : i32
      %dma_wait3A_104 = tpu.memref_slice %arg6[%add3A_42, %dma_wait3A_103] : memref<160000x64xf32, #tpu.memory_space<hbm>> -> memref<1000x64xf32, #tpu.memory_space<hbm>>
      %dma_wait3A_105 = arith.constant 0 : i32
      %dma_wait3A_106 = tpu.memref_slice %arg6[%add3A_42, %dma_wait3A_105] : memref<160000x64xf32, #tpu.memory_space<hbm>> -> memref<1000x64xf32, #tpu.memory_space<hbm>>
      tpu.wait_dma2 semaphore(%run_scoped3A : memref<!tpu.dma_semaphore, #tpu.memory_space<semaphore_mem>>) src(%arg9 : memref<1000x64xf32, #tpu.memory_space<vmem>>) dst(%dma_wait3A_106 : memref<1000x64xf32, #tpu.memory_space<hbm>>)
      tpu.yield
    }) : () -> ()
    %mul3A_49 = arith.constant 5000 : i32
    %mul3A_50 = arith.muli %add3A, %mul3A_49 : i32
    %add3A_51 = arith.constant 0 : i32
    %add3A_52 = arith.addi %mul3A_50, %add3A_51 : i32
    "tpu.region"() ({
      %run_scoped3A = tpu.sem_alloc : memref<!tpu.dma_semaphore, #tpu.memory_space<semaphore_mem>>
      %dma_start3A_99 = tpu.memref_slice %arg5[%add3A_52] : memref<160000xi32, #tpu.memory_space<hbm>> -> memref<1000xi32, #tpu.memory_space<hbm>>
      %dma_start3A_100 = tpu.memref_slice %arg5[%add3A_52] : memref<160000xi32, #tpu.memory_space<hbm>> -> memref<1000xi32, #tpu.memory_space<hbm>>
      tpu.enqueue_dma source(%dma_start3A_100 : memref<1000xi32, #tpu.memory_space<hbm>>) target(%arg8 : memref<1000xi32, #tpu.memory_space<vmem>>) target_semaphore(%run_scoped3A : memref<!tpu.dma_semaphore, #tpu.memory_space<semaphore_mem>>)
      %dma_wait3A_101 = tpu.memref_slice %arg5[%add3A_52] : memref<160000xi32, #tpu.memory_space<hbm>> -> memref<1000xi32, #tpu.memory_space<hbm>>
      %dma_wait3A_102 = tpu.memref_slice %arg5[%add3A_52] : memref<160000xi32, #tpu.memory_space<hbm>> -> memref<1000xi32, #tpu.memory_space<hbm>>
      tpu.wait_dma2 semaphore(%run_scoped3A : memref<!tpu.dma_semaphore, #tpu.memory_space<semaphore_mem>>) src(%dma_wait3A_102 : memref<1000xi32, #tpu.memory_space<hbm>>) dst(%arg8 : memref<1000xi32, #tpu.memory_space<vmem>>)
      tpu.yield
    }) : () -> ()
    %dma_start3A_53 = arith.constant 0 : i32
    %dma_start3A_54 = arith.constant 0 : i32
    %dma_start3A_55 = tpu.memref_slice %arg3[%dma_start3A_53, %dma_start3A_54] : memref<10000x64xf32, #tpu.memory_space<hbm>> -> memref<10000x64xf32, #tpu.memory_space<hbm>>
    tpu.enqueue_indirect_dma source(%dma_start3A_55 : memref<10000x64xf32, #tpu.memory_space<hbm>>) target(%arg9 : memref<1000x64xf32, #tpu.memory_space<vmem>>) offsets(%arg8 : memref<1000xi32, #tpu.memory_space<vmem>>) semaphore(%arg10 : memref<!tpu.dma_semaphore, #tpu.memory_space<semaphore_mem>>)
    %dma_wait3A_56 = arith.constant 0 : i32
    %dma_wait3A_57 = arith.constant 0 : i32
    %dma_wait3A_58 = tpu.memref_slice %arg3[%dma_wait3A_56, %dma_wait3A_57] : memref<10000x64xf32, #tpu.memory_space<hbm>> -> memref<10000x64xf32, #tpu.memory_space<hbm>>
    tpu.wait_indirect_dma semaphore(%arg10 : memref<!tpu.dma_semaphore, #tpu.memory_space<semaphore_mem>>) src(%dma_wait3A_58 : memref<10000x64xf32, #tpu.memory_space<hbm>>) dst(%arg9 : memref<1000x64xf32, #tpu.memory_space<vmem>>)
    "tpu.region"() ({
      %run_scoped3A = tpu.sem_alloc : memref<!tpu.dma_semaphore, #tpu.memory_space<semaphore_mem>>
      %dma_start3A_99 = arith.constant 0 : i32
      %dma_start3A_100 = tpu.memref_slice %arg7[%add3A_52, %dma_start3A_99] : memref<160000x64xf32, #tpu.memory_space<hbm>> -> memref<1000x64xf32, #tpu.memory_space<hbm>>
      %dma_start3A_101 = arith.constant 0 : i32
      %dma_start3A_102 = tpu.memref_slice %arg7[%add3A_52, %dma_start3A_101] : memref<160000x64xf32, #tpu.memory_space<hbm>> -> memref<1000x64xf32, #tpu.memory_space<hbm>>
      tpu.enqueue_dma source(%arg9 : memref<1000x64xf32, #tpu.memory_space<vmem>>) target(%dma_start3A_102 : memref<1000x64xf32, #tpu.memory_space<hbm>>) target_semaphore(%run_scoped3A : memref<!tpu.dma_semaphore, #tpu.memory_space<semaphore_mem>>)
      %dma_wait3A_103 = arith.constant 0 : i32
      %dma_wait3A_104 = tpu.memref_slice %arg7[%add3A_52, %dma_wait3A_103] : memref<160000x64xf32, #tpu.memory_space<hbm>> -> memref<1000x64xf32, #tpu.memory_space<hbm>>
      %dma_wait3A_105 = arith.constant 0 : i32
      %dma_wait3A_106 = tpu.memref_slice %arg7[%add3A_52, %dma_wait3A_105] : memref<160000x64xf32, #tpu.memory_space<hbm>> -> memref<1000x64xf32, #tpu.memory_space<hbm>>
      tpu.wait_dma2 semaphore(%run_scoped3A : memref<!tpu.dma_semaphore, #tpu.memory_space<semaphore_mem>>) src(%arg9 : memref<1000x64xf32, #tpu.memory_space<vmem>>) dst(%dma_wait3A_106 : memref<1000x64xf32, #tpu.memory_space<hbm>>)
      tpu.yield
    }) : () -> ()
    %mul3A_59 = arith.constant 5000 : i32
    %mul3A_60 = arith.muli %add3A, %mul3A_59 : i32
    %add3A_61 = arith.constant 1000 : i32
    %add3A_62 = arith.addi %mul3A_60, %add3A_61 : i32
    "tpu.region"() ({
      %run_scoped3A = tpu.sem_alloc : memref<!tpu.dma_semaphore, #tpu.memory_space<semaphore_mem>>
      %dma_start3A_99 = tpu.memref_slice %arg5[%add3A_62] : memref<160000xi32, #tpu.memory_space<hbm>> -> memref<1000xi32, #tpu.memory_space<hbm>>
      %dma_start3A_100 = tpu.memref_slice %arg5[%add3A_62] : memref<160000xi32, #tpu.memory_space<hbm>> -> memref<1000xi32, #tpu.memory_space<hbm>>
      tpu.enqueue_dma source(%dma_start3A_100 : memref<1000xi32, #tpu.memory_space<hbm>>) target(%arg8 : memref<1000xi32, #tpu.memory_space<vmem>>) target_semaphore(%run_scoped3A : memref<!tpu.dma_semaphore, #tpu.memory_space<semaphore_mem>>)
      %dma_wait3A_101 = tpu.memref_slice %arg5[%add3A_62] : memref<160000xi32, #tpu.memory_space<hbm>> -> memref<1000xi32, #tpu.memory_space<hbm>>
      %dma_wait3A_102 = tpu.memref_slice %arg5[%add3A_62] : memref<160000xi32, #tpu.memory_space<hbm>> -> memref<1000xi32, #tpu.memory_space<hbm>>
      tpu.wait_dma2 semaphore(%run_scoped3A : memref<!tpu.dma_semaphore, #tpu.memory_space<semaphore_mem>>) src(%dma_wait3A_102 : memref<1000xi32, #tpu.memory_space<hbm>>) dst(%arg8 : memref<1000xi32, #tpu.memory_space<vmem>>)
      tpu.yield
    }) : () -> ()
    %dma_start3A_63 = arith.constant 0 : i32
    %dma_start3A_64 = arith.constant 0 : i32
    %dma_start3A_65 = tpu.memref_slice %arg3[%dma_start3A_63, %dma_start3A_64] : memref<10000x64xf32, #tpu.memory_space<hbm>> -> memref<10000x64xf32, #tpu.memory_space<hbm>>
    tpu.enqueue_indirect_dma source(%dma_start3A_65 : memref<10000x64xf32, #tpu.memory_space<hbm>>) target(%arg9 : memref<1000x64xf32, #tpu.memory_space<vmem>>) offsets(%arg8 : memref<1000xi32, #tpu.memory_space<vmem>>) semaphore(%arg10 : memref<!tpu.dma_semaphore, #tpu.memory_space<semaphore_mem>>)
    %dma_wait3A_66 = arith.constant 0 : i32
    %dma_wait3A_67 = arith.constant 0 : i32
    %dma_wait3A_68 = tpu.memref_slice %arg3[%dma_wait3A_66, %dma_wait3A_67] : memref<10000x64xf32, #tpu.memory_space<hbm>> -> memref<10000x64xf32, #tpu.memory_space<hbm>>
    tpu.wait_indirect_dma semaphore(%arg10 : memref<!tpu.dma_semaphore, #tpu.memory_space<semaphore_mem>>) src(%dma_wait3A_68 : memref<10000x64xf32, #tpu.memory_space<hbm>>) dst(%arg9 : memref<1000x64xf32, #tpu.memory_space<vmem>>)
    "tpu.region"() ({
      %run_scoped3A = tpu.sem_alloc : memref<!tpu.dma_semaphore, #tpu.memory_space<semaphore_mem>>
      %dma_start3A_99 = arith.constant 0 : i32
      %dma_start3A_100 = tpu.memref_slice %arg7[%add3A_62, %dma_start3A_99] : memref<160000x64xf32, #tpu.memory_space<hbm>> -> memref<1000x64xf32, #tpu.memory_space<hbm>>
      %dma_start3A_101 = arith.constant 0 : i32
      %dma_start3A_102 = tpu.memref_slice %arg7[%add3A_62, %dma_start3A_101] : memref<160000x64xf32, #tpu.memory_space<hbm>> -> memref<1000x64xf32, #tpu.memory_space<hbm>>
      tpu.enqueue_dma source(%arg9 : memref<1000x64xf32, #tpu.memory_space<vmem>>) target(%dma_start3A_102 : memref<1000x64xf32, #tpu.memory_space<hbm>>) target_semaphore(%run_scoped3A : memref<!tpu.dma_semaphore, #tpu.memory_space<semaphore_mem>>)
      %dma_wait3A_103 = arith.constant 0 : i32
      %dma_wait3A_104 = tpu.memref_slice %arg7[%add3A_62, %dma_wait3A_103] : memref<160000x64xf32, #tpu.memory_space<hbm>> -> memref<1000x64xf32, #tpu.memory_space<hbm>>
      %dma_wait3A_105 = arith.constant 0 : i32
      %dma_wait3A_106 = tpu.memref_slice %arg7[%add3A_62, %dma_wait3A_105] : memref<160000x64xf32, #tpu.memory_space<hbm>> -> memref<1000x64xf32, #tpu.memory_space<hbm>>
      tpu.wait_dma2 semaphore(%run_scoped3A : memref<!tpu.dma_semaphore, #tpu.memory_space<semaphore_mem>>) src(%arg9 : memref<1000x64xf32, #tpu.memory_space<vmem>>) dst(%dma_wait3A_106 : memref<1000x64xf32, #tpu.memory_space<hbm>>)
      tpu.yield
    }) : () -> ()
    %mul3A_69 = arith.constant 5000 : i32
    %mul3A_70 = arith.muli %add3A, %mul3A_69 : i32
    %add3A_71 = arith.constant 2000 : i32
    %add3A_72 = arith.addi %mul3A_70, %add3A_71 : i32
    "tpu.region"() ({
      %run_scoped3A = tpu.sem_alloc : memref<!tpu.dma_semaphore, #tpu.memory_space<semaphore_mem>>
      %dma_start3A_99 = tpu.memref_slice %arg5[%add3A_72] : memref<160000xi32, #tpu.memory_space<hbm>> -> memref<1000xi32, #tpu.memory_space<hbm>>
      %dma_start3A_100 = tpu.memref_slice %arg5[%add3A_72] : memref<160000xi32, #tpu.memory_space<hbm>> -> memref<1000xi32, #tpu.memory_space<hbm>>
      tpu.enqueue_dma source(%dma_start3A_100 : memref<1000xi32, #tpu.memory_space<hbm>>) target(%arg8 : memref<1000xi32, #tpu.memory_space<vmem>>) target_semaphore(%run_scoped3A : memref<!tpu.dma_semaphore, #tpu.memory_space<semaphore_mem>>)
      %dma_wait3A_101 = tpu.memref_slice %arg5[%add3A_72] : memref<160000xi32, #tpu.memory_space<hbm>> -> memref<1000xi32, #tpu.memory_space<hbm>>
      %dma_wait3A_102 = tpu.memref_slice %arg5[%add3A_72] : memref<160000xi32, #tpu.memory_space<hbm>> -> memref<1000xi32, #tpu.memory_space<hbm>>
      tpu.wait_dma2 semaphore(%run_scoped3A : memref<!tpu.dma_semaphore, #tpu.memory_space<semaphore_mem>>) src(%dma_wait3A_102 : memref<1000xi32, #tpu.memory_space<hbm>>) dst(%arg8 : memref<1000xi32, #tpu.memory_space<vmem>>)
      tpu.yield
    }) : () -> ()
    %dma_start3A_73 = arith.constant 0 : i32
    %dma_start3A_74 = arith.constant 0 : i32
    %dma_start3A_75 = tpu.memref_slice %arg3[%dma_start3A_73, %dma_start3A_74] : memref<10000x64xf32, #tpu.memory_space<hbm>> -> memref<10000x64xf32, #tpu.memory_space<hbm>>
    tpu.enqueue_indirect_dma source(%dma_start3A_75 : memref<10000x64xf32, #tpu.memory_space<hbm>>) target(%arg9 : memref<1000x64xf32, #tpu.memory_space<vmem>>) offsets(%arg8 : memref<1000xi32, #tpu.memory_space<vmem>>) semaphore(%arg10 : memref<!tpu.dma_semaphore, #tpu.memory_space<semaphore_mem>>)
    %dma_wait3A_76 = arith.constant 0 : i32
    %dma_wait3A_77 = arith.constant 0 : i32
    %dma_wait3A_78 = tpu.memref_slice %arg3[%dma_wait3A_76, %dma_wait3A_77] : memref<10000x64xf32, #tpu.memory_space<hbm>> -> memref<10000x64xf32, #tpu.memory_space<hbm>>
    tpu.wait_indirect_dma semaphore(%arg10 : memref<!tpu.dma_semaphore, #tpu.memory_space<semaphore_mem>>) src(%dma_wait3A_78 : memref<10000x64xf32, #tpu.memory_space<hbm>>) dst(%arg9 : memref<1000x64xf32, #tpu.memory_space<vmem>>)
    "tpu.region"() ({
      %run_scoped3A = tpu.sem_alloc : memref<!tpu.dma_semaphore, #tpu.memory_space<semaphore_mem>>
      %dma_start3A_99 = arith.constant 0 : i32
      %dma_start3A_100 = tpu.memref_slice %arg7[%add3A_72, %dma_start3A_99] : memref<160000x64xf32, #tpu.memory_space<hbm>> -> memref<1000x64xf32, #tpu.memory_space<hbm>>
      %dma_start3A_101 = arith.constant 0 : i32
      %dma_start3A_102 = tpu.memref_slice %arg7[%add3A_72, %dma_start3A_101] : memref<160000x64xf32, #tpu.memory_space<hbm>> -> memref<1000x64xf32, #tpu.memory_space<hbm>>
      tpu.enqueue_dma source(%arg9 : memref<1000x64xf32, #tpu.memory_space<vmem>>) target(%dma_start3A_102 : memref<1000x64xf32, #tpu.memory_space<hbm>>) target_semaphore(%run_scoped3A : memref<!tpu.dma_semaphore, #tpu.memory_space<semaphore_mem>>)
      %dma_wait3A_103 = arith.constant 0 : i32
      %dma_wait3A_104 = tpu.memref_slice %arg7[%add3A_72, %dma_wait3A_103] : memref<160000x64xf32, #tpu.memory_space<hbm>> -> memref<1000x64xf32, #tpu.memory_space<hbm>>
      %dma_wait3A_105 = arith.constant 0 : i32
      %dma_wait3A_106 = tpu.memref_slice %arg7[%add3A_72, %dma_wait3A_105] : memref<160000x64xf32, #tpu.memory_space<hbm>> -> memref<1000x64xf32, #tpu.memory_space<hbm>>
      tpu.wait_dma2 semaphore(%run_scoped3A : memref<!tpu.dma_semaphore, #tpu.memory_space<semaphore_mem>>) src(%arg9 : memref<1000x64xf32, #tpu.memory_space<vmem>>) dst(%dma_wait3A_106 : memref<1000x64xf32, #tpu.memory_space<hbm>>)
      tpu.yield
    }) : () -> ()
    %mul3A_79 = arith.constant 5000 : i32
    %mul3A_80 = arith.muli %add3A, %mul3A_79 : i32
    %add3A_81 = arith.constant 3000 : i32
    %add3A_82 = arith.addi %mul3A_80, %add3A_81 : i32
    "tpu.region"() ({
      %run_scoped3A = tpu.sem_alloc : memref<!tpu.dma_semaphore, #tpu.memory_space<semaphore_mem>>
      %dma_start3A_99 = tpu.memref_slice %arg5[%add3A_82] : memref<160000xi32, #tpu.memory_space<hbm>> -> memref<1000xi32, #tpu.memory_space<hbm>>
      %dma_start3A_100 = tpu.memref_slice %arg5[%add3A_82] : memref<160000xi32, #tpu.memory_space<hbm>> -> memref<1000xi32, #tpu.memory_space<hbm>>
      tpu.enqueue_dma source(%dma_start3A_100 : memref<1000xi32, #tpu.memory_space<hbm>>) target(%arg8 : memref<1000xi32, #tpu.memory_space<vmem>>) target_semaphore(%run_scoped3A : memref<!tpu.dma_semaphore, #tpu.memory_space<semaphore_mem>>)
      %dma_wait3A_101 = tpu.memref_slice %arg5[%add3A_82] : memref<160000xi32, #tpu.memory_space<hbm>> -> memref<1000xi32, #tpu.memory_space<hbm>>
      %dma_wait3A_102 = tpu.memref_slice %arg5[%add3A_82] : memref<160000xi32, #tpu.memory_space<hbm>> -> memref<1000xi32, #tpu.memory_space<hbm>>
      tpu.wait_dma2 semaphore(%run_scoped3A : memref<!tpu.dma_semaphore, #tpu.memory_space<semaphore_mem>>) src(%dma_wait3A_102 : memref<1000xi32, #tpu.memory_space<hbm>>) dst(%arg8 : memref<1000xi32, #tpu.memory_space<vmem>>)
      tpu.yield
    }) : () -> ()
    %dma_start3A_83 = arith.constant 0 : i32
    %dma_start3A_84 = arith.constant 0 : i32
    %dma_start3A_85 = tpu.memref_slice %arg3[%dma_start3A_83, %dma_start3A_84] : memref<10000x64xf32, #tpu.memory_space<hbm>> -> memref<10000x64xf32, #tpu.memory_space<hbm>>
    tpu.enqueue_indirect_dma source(%dma_start3A_85 : memref<10000x64xf32, #tpu.memory_space<hbm>>) target(%arg9 : memref<1000x64xf32, #tpu.memory_space<vmem>>) offsets(%arg8 : memref<1000xi32, #tpu.memory_space<vmem>>) semaphore(%arg10 : memref<!tpu.dma_semaphore, #tpu.memory_space<semaphore_mem>>)
    %dma_wait3A_86 = arith.constant 0 : i32
    %dma_wait3A_87 = arith.constant 0 : i32
    %dma_wait3A_88 = tpu.memref_slice %arg3[%dma_wait3A_86, %dma_wait3A_87] : memref<10000x64xf32, #tpu.memory_space<hbm>> -> memref<10000x64xf32, #tpu.memory_space<hbm>>
    tpu.wait_indirect_dma semaphore(%arg10 : memref<!tpu.dma_semaphore, #tpu.memory_space<semaphore_mem>>) src(%dma_wait3A_88 : memref<10000x64xf32, #tpu.memory_space<hbm>>) dst(%arg9 : memref<1000x64xf32, #tpu.memory_space<vmem>>)
    "tpu.region"() ({
      %run_scoped3A = tpu.sem_alloc : memref<!tpu.dma_semaphore, #tpu.memory_space<semaphore_mem>>
      %dma_start3A_99 = arith.constant 0 : i32
      %dma_start3A_100 = tpu.memref_slice %arg7[%add3A_82, %dma_start3A_99] : memref<160000x64xf32, #tpu.memory_space<hbm>> -> memref<1000x64xf32, #tpu.memory_space<hbm>>
      %dma_start3A_101 = arith.constant 0 : i32
      %dma_start3A_102 = tpu.memref_slice %arg7[%add3A_82, %dma_start3A_101] : memref<160000x64xf32, #tpu.memory_space<hbm>> -> memref<1000x64xf32, #tpu.memory_space<hbm>>
      tpu.enqueue_dma source(%arg9 : memref<1000x64xf32, #tpu.memory_space<vmem>>) target(%dma_start3A_102 : memref<1000x64xf32, #tpu.memory_space<hbm>>) target_semaphore(%run_scoped3A : memref<!tpu.dma_semaphore, #tpu.memory_space<semaphore_mem>>)
      %dma_wait3A_103 = arith.constant 0 : i32
      %dma_wait3A_104 = tpu.memref_slice %arg7[%add3A_82, %dma_wait3A_103] : memref<160000x64xf32, #tpu.memory_space<hbm>> -> memref<1000x64xf32, #tpu.memory_space<hbm>>
      %dma_wait3A_105 = arith.constant 0 : i32
      %dma_wait3A_106 = tpu.memref_slice %arg7[%add3A_82, %dma_wait3A_105] : memref<160000x64xf32, #tpu.memory_space<hbm>> -> memref<1000x64xf32, #tpu.memory_space<hbm>>
      tpu.wait_dma2 semaphore(%run_scoped3A : memref<!tpu.dma_semaphore, #tpu.memory_space<semaphore_mem>>) src(%arg9 : memref<1000x64xf32, #tpu.memory_space<vmem>>) dst(%dma_wait3A_106 : memref<1000x64xf32, #tpu.memory_space<hbm>>)
      tpu.yield
    }) : () -> ()
    %mul3A_89 = arith.constant 5000 : i32
    %mul3A_90 = arith.muli %add3A, %mul3A_89 : i32
    %add3A_91 = arith.constant 4000 : i32
    %add3A_92 = arith.addi %mul3A_90, %add3A_91 : i32
    "tpu.region"() ({
      %run_scoped3A = tpu.sem_alloc : memref<!tpu.dma_semaphore, #tpu.memory_space<semaphore_mem>>
      %dma_start3A_99 = tpu.memref_slice %arg5[%add3A_92] : memref<160000xi32, #tpu.memory_space<hbm>> -> memref<1000xi32, #tpu.memory_space<hbm>>
      %dma_start3A_100 = tpu.memref_slice %arg5[%add3A_92] : memref<160000xi32, #tpu.memory_space<hbm>> -> memref<1000xi32, #tpu.memory_space<hbm>>
      tpu.enqueue_dma source(%dma_start3A_100 : memref<1000xi32, #tpu.memory_space<hbm>>) target(%arg8 : memref<1000xi32, #tpu.memory_space<vmem>>) target_semaphore(%run_scoped3A : memref<!tpu.dma_semaphore, #tpu.memory_space<semaphore_mem>>)
      %dma_wait3A_101 = tpu.memref_slice %arg5[%add3A_92] : memref<160000xi32, #tpu.memory_space<hbm>> -> memref<1000xi32, #tpu.memory_space<hbm>>
      %dma_wait3A_102 = tpu.memref_slice %arg5[%add3A_92] : memref<160000xi32, #tpu.memory_space<hbm>> -> memref<1000xi32, #tpu.memory_space<hbm>>
      tpu.wait_dma2 semaphore(%run_scoped3A : memref<!tpu.dma_semaphore, #tpu.memory_space<semaphore_mem>>) src(%dma_wait3A_102 : memref<1000xi32, #tpu.memory_space<hbm>>) dst(%arg8 : memref<1000xi32, #tpu.memory_space<vmem>>)
      tpu.yield
    }) : () -> ()
    %dma_start3A_93 = arith.constant 0 : i32
    %dma_start3A_94 = arith.constant 0 : i32
    %dma_start3A_95 = tpu.memref_slice %arg3[%dma_start3A_93, %dma_start3A_94] : memref<10000x64xf32, #tpu.memory_space<hbm>> -> memref<10000x64xf32, #tpu.memory_space<hbm>>
    tpu.enqueue_indirect_dma source(%dma_start3A_95 : memref<10000x64xf32, #tpu.memory_space<hbm>>) target(%arg9 : memref<1000x64xf32, #tpu.memory_space<vmem>>) offsets(%arg8 : memref<1000xi32, #tpu.memory_space<vmem>>) semaphore(%arg10 : memref<!tpu.dma_semaphore, #tpu.memory_space<semaphore_mem>>)
    %dma_wait3A_96 = arith.constant 0 : i32
    %dma_wait3A_97 = arith.constant 0 : i32
    %dma_wait3A_98 = tpu.memref_slice %arg3[%dma_wait3A_96, %dma_wait3A_97] : memref<10000x64xf32, #tpu.memory_space<hbm>> -> memref<10000x64xf32, #tpu.memory_space<hbm>>
    tpu.wait_indirect_dma semaphore(%arg10 : memref<!tpu.dma_semaphore, #tpu.memory_space<semaphore_mem>>) src(%dma_wait3A_98 : memref<10000x64xf32, #tpu.memory_space<hbm>>) dst(%arg9 : memref<1000x64xf32, #tpu.memory_space<vmem>>)
    "tpu.region"() ({
      %run_scoped3A = tpu.sem_alloc : memref<!tpu.dma_semaphore, #tpu.memory_space<semaphore_mem>>
      %dma_start3A_99 = arith.constant 0 : i32
      %dma_start3A_100 = tpu.memref_slice %arg7[%add3A_92, %dma_start3A_99] : memref<160000x64xf32, #tpu.memory_space<hbm>> -> memref<1000x64xf32, #tpu.memory_space<hbm>>
      %dma_start3A_101 = arith.constant 0 : i32
      %dma_start3A_102 = tpu.memref_slice %arg7[%add3A_92, %dma_start3A_101] : memref<160000x64xf32, #tpu.memory_space<hbm>> -> memref<1000x64xf32, #tpu.memory_space<hbm>>
      tpu.enqueue_dma source(%arg9 : memref<1000x64xf32, #tpu.memory_space<vmem>>) target(%dma_start3A_102 : memref<1000x64xf32, #tpu.memory_space<hbm>>) target_semaphore(%run_scoped3A : memref<!tpu.dma_semaphore, #tpu.memory_space<semaphore_mem>>)
      %dma_wait3A_103 = arith.constant 0 : i32
      %dma_wait3A_104 = tpu.memref_slice %arg7[%add3A_92, %dma_wait3A_103] : memref<160000x64xf32, #tpu.memory_space<hbm>> -> memref<1000x64xf32, #tpu.memory_space<hbm>>
      %dma_wait3A_105 = arith.constant 0 : i32
      %dma_wait3A_106 = tpu.memref_slice %arg7[%add3A_92, %dma_wait3A_105] : memref<160000x64xf32, #tpu.memory_space<hbm>> -> memref<1000x64xf32, #tpu.memory_space<hbm>>
      tpu.wait_dma2 semaphore(%run_scoped3A : memref<!tpu.dma_semaphore, #tpu.memory_space<semaphore_mem>>) src(%arg9 : memref<1000x64xf32, #tpu.memory_space<vmem>>) dst(%dma_wait3A_106 : memref<1000x64xf32, #tpu.memory_space<hbm>>)
      tpu.yield
    }) : () -> ()
    return
  }
}

module attributes {stable_mosaic.version = 14 : i64} {
  func.func @_zw_body(%arg0: i32, %arg1: memref<1000x256xf32, #tpu.memory_space<vmem>>, %arg2: memref<1000x8xf32, #tpu.memory_space<vmem>>, %arg3: memref<256x64xf32, #tpu.memory_space<vmem>>, %arg4: memref<8x64xf32, #tpu.memory_space<vmem>>, %arg5: memref<1x64xf32, #tpu.memory_space<vmem>>, %arg6: memref<1000x64xf32, #tpu.memory_space<vmem>>, %arg7: memref<1000x64xf32, #tpu.memory_space<vmem>>) attributes {dimension_semantics = [#tpu.dimension_semantics<arbitrary>], iteration_bounds = array<i64: 10>, scalar_prefetch = 0 : i64, scratch_operands = 0 : i64, tpu.core_type = #tpu.core_type<tc>, window_params = [{transform_indices = @transform_0, window_bounds = array<i64: 1000, 256>}, {transform_indices = @transform_1, window_bounds = array<i64: 1000, 8>}, {pipeline_mode = #tpu.pipeline_mode<synchronous>, transform_indices = @transform_2, window_bounds = array<i64: 256, 64>}, {pipeline_mode = #tpu.pipeline_mode<synchronous>, transform_indices = @transform_3, window_bounds = array<i64: 8, 64>}, {pipeline_mode = #tpu.pipeline_mode<synchronous>, transform_indices = @transform_4, window_bounds = array<i64: 1, 64>}, {transform_indices = @transform_5, window_bounds = array<i64: 1000, 64>}, {transform_indices = @transform_6, window_bounds = array<i64: 1000, 64>}]} {
    %get3A = arith.constant 0 : index
    %get3A_0 = arith.constant 0 : index
    %get3A_1 = vector.load %arg2[%get3A, %get3A_0] : memref<1000x8xf32, #tpu.memory_space<vmem>>, vector<1000x8xf32>
    %get3A_2 = arith.constant 0 : index
    %get3A_3 = arith.constant 0 : index
    %get3A_4 = vector.load %arg4[%get3A_2, %get3A_3] : memref<8x64xf32, #tpu.memory_space<vmem>>, vector<8x64xf32>
    %dot_general3A = arith.constant dense<0.000000e+00> : vector<1000x64xf32>
    %dot_general3A_5 = tpu.matmul %get3A_1, %get3A_4, %dot_general3A {dimension_numbers = #tpu.dot_dimension_numbers<[1], [0], [0], [1], [0, 0, 1, 1], [], []>, transpose_lhs_hint = false} : vector<1000x8xf32>, vector<8x64xf32>, vector<1000x64xf32> -> vector<1000x64xf32>
    %get3A_6 = arith.constant 0 : index
    %get3A_7 = arith.constant 0 : index
    %get3A_8 = vector.load %arg1[%get3A_6, %get3A_7] : memref<1000x256xf32, #tpu.memory_space<vmem>>, vector<1000x256xf32>
    %get3A_9 = arith.constant 0 : index
    %get3A_10 = arith.constant 0 : index
    %get3A_11 = vector.load %arg3[%get3A_9, %get3A_10] : memref<256x64xf32, #tpu.memory_space<vmem>>, vector<256x64xf32>
    %dot_general3A_12 = arith.constant dense<0.000000e+00> : vector<1000x64xf32>
    %dot_general3A_13 = tpu.matmul %get3A_8, %get3A_11, %dot_general3A_12 {dimension_numbers = #tpu.dot_dimension_numbers<[1], [0], [0], [1], [0, 0, 1, 1], [], []>, transpose_lhs_hint = false} : vector<1000x256xf32>, vector<256x64xf32>, vector<1000x64xf32> -> vector<1000x64xf32>
    %add3A = arith.addf %dot_general3A_13, %dot_general3A_5 : vector<1000x64xf32>
    %get3A_14 = arith.constant 0 : index
    %get3A_15 = arith.constant 0 : index
    %get3A_16 = vector.load %arg5[%get3A_14, %get3A_15] : memref<1x64xf32, #tpu.memory_space<vmem>>, vector<1x64xf32>
    %add3A_17 = vector.broadcast %get3A_16 : vector<1x64xf32> to vector<1000x64xf32>
    %add3A_18 = arith.addf %add3A, %add3A_17 : vector<1000x64xf32>
    %swap3A = arith.constant 0 : index
    %swap3A_19 = arith.constant 0 : index
    %swap3A_20 = vector.load %arg6[%swap3A, %swap3A_19] : memref<1000x64xf32, #tpu.memory_space<vmem>>, vector<1000x64xf32>
    tpu.vector_store %arg6[%swap3A, %swap3A_19], %add3A_18 {strides = array<i32>} : memref<1000x64xf32, #tpu.memory_space<vmem>>, vector<1000x64xf32>,
    %swap3A_21 = arith.constant 0 : index
    %swap3A_22 = arith.constant 0 : index
    %swap3A_23 = vector.load %arg7[%swap3A_21, %swap3A_22] : memref<1000x64xf32, #tpu.memory_space<vmem>>, vector<1000x64xf32>
    tpu.vector_store %arg7[%swap3A_21, %swap3A_22], %dot_general3A_5 {strides = array<i32>} : memref<1000x64xf32, #tpu.memory_space<vmem>>, vector<1000x64xf32>,
    return
  }
  func.func @transform_0(%arg0: i32) -> (i32, i32) {
    %c0_i32 = arith.constant 0 : i32
    %c0_i32_0 = arith.constant 0 : i32
    return %arg0, %c0_i32 : i32, i32
  }
  func.func @transform_1(%arg0: i32) -> (i32, i32) {
    %c0_i32 = arith.constant 0 : i32
    %c0_i32_0 = arith.constant 0 : i32
    return %arg0, %c0_i32 : i32, i32
  }
  func.func @transform_2(%arg0: i32) -> (i32, i32) {
    %c0_i32 = arith.constant 0 : i32
    %c0_i32_0 = arith.constant 0 : i32
    %c0_i32_1 = arith.constant 0 : i32
    return %c0_i32, %c0_i32_0 : i32, i32
  }
  func.func @transform_3(%arg0: i32) -> (i32, i32) {
    %c0_i32 = arith.constant 0 : i32
    %c0_i32_0 = arith.constant 0 : i32
    %c0_i32_1 = arith.constant 0 : i32
    return %c0_i32, %c0_i32_0 : i32, i32
  }
  func.func @transform_4(%arg0: i32) -> (i32, i32) {
    %c0_i32 = arith.constant 0 : i32
    %c0_i32_0 = arith.constant 0 : i32
    %c0_i32_1 = arith.constant 0 : i32
    return %c0_i32, %c0_i32_0 : i32, i32
  }
  func.func @transform_5(%arg0: i32) -> (i32, i32) {
    %c0_i32 = arith.constant 0 : i32
    %c0_i32_0 = arith.constant 0 : i32
    return %arg0, %c0_i32 : i32, i32
  }
  func.func @transform_6(%arg0: i32) -> (i32, i32) {
    %c0_i32 = arith.constant 0 : i32
    %c0_i32_0 = arith.constant 0 : i32
    return %arg0, %c0_i32 : i32, i32
  }
}

module attributes {stable_mosaic.version = 14 : i64} {
  func.func @_mlp_body(%arg0: i32, %arg1: memref<2000x64xf32, #tpu.memory_space<vmem>>, %arg2: memref<2000x64xf32, #tpu.memory_space<vmem>>, %arg3: memref<64x128xbf16, #tpu.memory_space<vmem>>, %arg4: memref<1x128xf32, #tpu.memory_space<vmem>>, %arg5: memref<128x128xbf16, #tpu.memory_space<vmem>>, %arg6: memref<1x128xf32, #tpu.memory_space<vmem>>, %arg7: memref<128x128xbf16, #tpu.memory_space<vmem>>, %arg8: memref<1x128xf32, #tpu.memory_space<vmem>>, %arg9: memref<2000x128xi32, #tpu.memory_space<vmem>>) attributes {dimension_semantics = [#tpu.dimension_semantics<arbitrary>], iteration_bounds = array<i64: 80>, scalar_prefetch = 0 : i64, scratch_operands = 0 : i64, tpu.core_type = #tpu.core_type<tc>, window_params = [{transform_indices = @transform_0, window_bounds = array<i64: 2000, 64>}, {transform_indices = @transform_1, window_bounds = array<i64: 2000, 64>}, {pipeline_mode = #tpu.pipeline_mode<synchronous>, transform_indices = @transform_2, window_bounds = array<i64: 64, 128>}, {pipeline_mode = #tpu.pipeline_mode<synchronous>, transform_indices = @transform_3, window_bounds = array<i64: 1, 128>}, {pipeline_mode = #tpu.pipeline_mode<synchronous>, transform_indices = @transform_4, window_bounds = array<i64: 128, 128>}, {pipeline_mode = #tpu.pipeline_mode<synchronous>, transform_indices = @transform_5, window_bounds = array<i64: 1, 128>}, {pipeline_mode = #tpu.pipeline_mode<synchronous>, transform_indices = @transform_6, window_bounds = array<i64: 128, 128>}, {pipeline_mode = #tpu.pipeline_mode<synchronous>, transform_indices = @transform_7, window_bounds = array<i64: 1, 128>}, {transform_indices = @transform_8, window_bounds = array<i64: 2000, 128>}]} {
    %get3A = arith.constant 0 : index
    %get3A_0 = arith.constant 0 : index
    %get3A_1 = vector.load %arg1[%get3A, %get3A_0] : memref<2000x64xf32, #tpu.memory_space<vmem>>, vector<2000x64xf32>
    %get3A_2 = arith.constant 0 : index
    %get3A_3 = arith.constant 0 : index
    %get3A_4 = vector.load %arg2[%get3A_2, %get3A_3] : memref<2000x64xf32, #tpu.memory_space<vmem>>, vector<2000x64xf32>
    %sub3A = arith.subf %get3A_1, %get3A_4 : vector<2000x64xf32>
    %max3A = arith.constant 0.000000e+00 : f32
    %max3A_5 = vector.broadcast %max3A : f32 to vector<2000x64xf32>
    %max3A_6 = arith.maximumf %sub3A, %max3A_5 : vector<2000x64xf32>
    %convert_element_type3A = arith.truncf %max3A_6 : vector<2000x64xf32> to vector<2000x64xbf16>
    %get3A_7 = arith.constant 0 : index
    %get3A_8 = arith.constant 0 : index
    %get3A_9 = vector.load %arg3[%get3A_7, %get3A_8] : memref<64x128xbf16, #tpu.memory_space<vmem>>, vector<64x128xbf16>
    %dot_general3A = arith.constant dense<0.000000e+00> : vector<2000x128xf32>
    %dot_general3A_10 = tpu.matmul %convert_element_type3A, %get3A_9, %dot_general3A {dimension_numbers = #tpu.dot_dimension_numbers<[1], [0], [0], [1], [0, 0, 1, 1], [], []>, transpose_lhs_hint = false} : vector<2000x64xbf16>, vector<64x128xbf16>, vector<2000x128xf32> -> vector<2000x128xf32>
    %get3A_11 = arith.constant 0 : index
    %get3A_12 = arith.constant 0 : index
    %get3A_13 = vector.load %arg4[%get3A_11, %get3A_12] : memref<1x128xf32, #tpu.memory_space<vmem>>, vector<1x128xf32>
    %add3A = vector.broadcast %get3A_13 : vector<1x128xf32> to vector<2000x128xf32>
    %add3A_14 = arith.addf %dot_general3A_10, %add3A : vector<2000x128xf32>
    %max3A_15 = arith.constant 0.000000e+00 : f32
    %max3A_16 = vector.broadcast %max3A_15 : f32 to vector<2000x128xf32>
    %max3A_17 = arith.maximumf %add3A_14, %max3A_16 : vector<2000x128xf32>
    %convert_element_type3A_18 = arith.truncf %max3A_17 : vector<2000x128xf32> to vector<2000x128xbf16>
    %get3A_19 = arith.constant 0 : index
    %get3A_20 = arith.constant 0 : index
    %get3A_21 = vector.load %arg5[%get3A_19, %get3A_20] : memref<128x128xbf16, #tpu.memory_space<vmem>>, vector<128x128xbf16>
    %dot_general3A_22 = arith.constant dense<0.000000e+00> : vector<2000x128xf32>
    %dot_general3A_23 = tpu.matmul %convert_element_type3A_18, %get3A_21, %dot_general3A_22 {dimension_numbers = #tpu.dot_dimension_numbers<[1], [0], [0], [1], [0, 0, 1, 1], [], []>, transpose_lhs_hint = false} : vector<2000x128xbf16>, vector<128x128xbf16>, vector<2000x128xf32> -> vector<2000x128xf32>
    %get3A_24 = arith.constant 0 : index
    %get3A_25 = arith.constant 0 : index
    %get3A_26 = vector.load %arg6[%get3A_24, %get3A_25] : memref<1x128xf32, #tpu.memory_space<vmem>>, vector<1x128xf32>
    %add3A_27 = vector.broadcast %get3A_26 : vector<1x128xf32> to vector<2000x128xf32>
    %add3A_28 = arith.addf %dot_general3A_23, %add3A_27 : vector<2000x128xf32>
    %convert_element_type3A_29 = arith.truncf %add3A_28 : vector<2000x128xf32> to vector<2000x128xbf16>
    %get3A_30 = arith.constant 0 : index
    %get3A_31 = arith.constant 0 : index
    %get3A_32 = vector.load %arg7[%get3A_30, %get3A_31] : memref<128x128xbf16, #tpu.memory_space<vmem>>, vector<128x128xbf16>
    %dot_general3A_33 = arith.constant dense<0.000000e+00> : vector<2000x128xf32>
    %dot_general3A_34 = tpu.matmul %convert_element_type3A_18, %get3A_32, %dot_general3A_33 {dimension_numbers = #tpu.dot_dimension_numbers<[1], [0], [0], [1], [0, 0, 1, 1], [], []>, transpose_lhs_hint = false} : vector<2000x128xbf16>, vector<128x128xbf16>, vector<2000x128xf32> -> vector<2000x128xf32>
    %get3A_35 = arith.constant 0 : index
    %get3A_36 = arith.constant 0 : index
    %get3A_37 = vector.load %arg8[%get3A_35, %get3A_36] : memref<1x128xf32, #tpu.memory_space<vmem>>, vector<1x128xf32>
    %add3A_38 = vector.broadcast %get3A_37 : vector<1x128xf32> to vector<2000x128xf32>
    %add3A_39 = arith.addf %dot_general3A_34, %add3A_38 : vector<2000x128xf32>
    %convert_element_type3A_40 = arith.truncf %add3A_39 : vector<2000x128xf32> to vector<2000x128xbf16>
    %bitcast_convert_type3A = tpu.bitcast %convert_element_type3A_29 : vector<2000x128xbf16> -> vector<2000x128xi16>
    %convert_element_type3A_41 = arith.extsi %bitcast_convert_type3A : vector<2000x128xi16> to vector<2000x128xi32>
    %and3A = arith.constant 65535 : i32
    %and3A_42 = vector.broadcast %and3A : i32 to vector<2000x128xi32>
    %and3A_43 = arith.andi %convert_element_type3A_41, %and3A_42 : vector<2000x128xi32>
    %bitcast_convert_type3A_44 = tpu.bitcast %convert_element_type3A_40 : vector<2000x128xbf16> -> vector<2000x128xi16>
    %convert_element_type3A_45 = arith.extsi %bitcast_convert_type3A_44 : vector<2000x128xi16> to vector<2000x128xi32>
    %shift_left3A = arith.constant 16 : i32
    %shift_left3A_46 = vector.broadcast %shift_left3A : i32 to vector<2000x128xi32>
    %shift_left3A_47 = arith.shli %convert_element_type3A_45, %shift_left3A_46 : vector<2000x128xi32>
    %or3A = arith.ori %and3A_43, %shift_left3A_47 : vector<2000x128xi32>
    %swap3A = arith.constant 0 : index
    %swap3A_48 = arith.constant 0 : index
    %swap3A_49 = vector.load %arg9[%swap3A, %swap3A_48] : memref<2000x128xi32, #tpu.memory_space<vmem>>, vector<2000x128xi32>
    tpu.vector_store %arg9[%swap3A, %swap3A_48], %or3A {strides = array<i32>} : memref<2000x128xi32, #tpu.memory_space<vmem>>, vector<2000x128xi32>,
    return
  }
  func.func @transform_0(%arg0: i32) -> (i32, i32) {
    %c0_i32 = arith.constant 0 : i32
    %c0_i32_0 = arith.constant 0 : i32
    return %arg0, %c0_i32 : i32, i32
  }
  func.func @transform_1(%arg0: i32) -> (i32, i32) {
    %c0_i32 = arith.constant 0 : i32
    %c0_i32_0 = arith.constant 0 : i32
    return %arg0, %c0_i32 : i32, i32
  }
  func.func @transform_2(%arg0: i32) -> (i32, i32) {
    %c0_i32 = arith.constant 0 : i32
    %c0_i32_0 = arith.constant 0 : i32
    %c0_i32_1 = arith.constant 0 : i32
    return %c0_i32, %c0_i32_0 : i32, i32
  }
  func.func @transform_3(%arg0: i32) -> (i32, i32) {
    %c0_i32 = arith.constant 0 : i32
    %c0_i32_0 = arith.constant 0 : i32
    %c0_i32_1 = arith.constant 0 : i32
    return %c0_i32, %c0_i32_0 : i32, i32
  }
  func.func @transform_4(%arg0: i32) -> (i32, i32) {
    %c0_i32 = arith.constant 0 : i32
    %c0_i32_0 = arith.constant 0 : i32
    %c0_i32_1 = arith.constant 0 : i32
    return %c0_i32, %c0_i32_0 : i32, i32
  }
  func.func @transform_5(%arg0: i32) -> (i32, i32) {
    %c0_i32 = arith.constant 0 : i32
    %c0_i32_0 = arith.constant 0 : i32
    %c0_i32_1 = arith.constant 0 : i32
    return %c0_i32, %c0_i32_0 : i32, i32
  }
  func.func @transform_6(%arg0: i32) -> (i32, i32) {
    %c0_i32 = arith.constant 0 : i32
    %c0_i32_0 = arith.constant 0 : i32
    %c0_i32_1 = arith.constant 0 : i32
    return %c0_i32, %c0_i32_0 : i32, i32
  }
  func.func @transform_7(%arg0: i32) -> (i32, i32) {
    %c0_i32 = arith.constant 0 : i32
    %c0_i32_0 = arith.constant 0 : i32
    %c0_i32_1 = arith.constant 0 : i32
    return %c0_i32, %c0_i32_0 : i32, i32
  }
  func.func @transform_8(%arg0: i32) -> (i32, i32) {
    %c0_i32 = arith.constant 0 : i32
    %c0_i32_0 = arith.constant 0 : i32
    return %arg0, %c0_i32 : i32, i32
  }
}

module attributes {stable_mosaic.version = 14 : i64} {
  func.func @_out_body(%arg0: i32, %arg1: memref<1000x128xi32, #tpu.memory_space<vmem>>, %arg2: memref<128x256xbf16, #tpu.memory_space<vmem>>, %arg3: memref<128x256xbf16, #tpu.memory_space<vmem>>, %arg4: memref<1x256xf32, #tpu.memory_space<vmem>>, %arg5: memref<1000x256xf32, #tpu.memory_space<vmem>>) attributes {dimension_semantics = [#tpu.dimension_semantics<arbitrary>], iteration_bounds = array<i64: 10>, scalar_prefetch = 0 : i64, scratch_operands = 0 : i64, tpu.core_type = #tpu.core_type<tc>, window_params = [{transform_indices = @transform_0, window_bounds = array<i64: 1000, 128>}, {pipeline_mode = #tpu.pipeline_mode<synchronous>, transform_indices = @transform_1, window_bounds = array<i64: 128, 256>}, {pipeline_mode = #tpu.pipeline_mode<synchronous>, transform_indices = @transform_2, window_bounds = array<i64: 128, 256>}, {pipeline_mode = #tpu.pipeline_mode<synchronous>, transform_indices = @transform_3, window_bounds = array<i64: 1, 256>}, {transform_indices = @transform_4, window_bounds = array<i64: 1000, 256>}]} {
    %get3A = arith.constant 0 : index
    %get3A_0 = arith.constant 0 : index
    %get3A_1 = vector.load %arg1[%get3A, %get3A_0] : memref<1000x128xi32, #tpu.memory_space<vmem>>, vector<1000x128xi32>
    %shift_left3A = arith.constant 16 : i32
    %shift_left3A_2 = vector.broadcast %shift_left3A : i32 to vector<1000x128xi32>
    %shift_left3A_3 = arith.shli %get3A_1, %shift_left3A_2 : vector<1000x128xi32>
    %bitcast_convert_type3A = tpu.bitcast %shift_left3A_3 : vector<1000x128xi32> -> vector<1000x128xf32>
    %and3A = arith.constant -65536 : i32
    %and3A_4 = vector.broadcast %and3A : i32 to vector<1000x128xi32>
    %and3A_5 = arith.andi %get3A_1, %and3A_4 : vector<1000x128xi32>
    %bitcast_convert_type3A_6 = tpu.bitcast %and3A_5 : vector<1000x128xi32> -> vector<1000x128xf32>
    %gt3A = arith.constant -1.000000e+29 : f32
    %gt3A_7 = vector.broadcast %gt3A : f32 to vector<1000x128xf32>
    %gt3A_8 = arith.cmpf ogt, %bitcast_convert_type3A, %gt3A_7 : vector<1000x128xf32>
    %jit3A = arith.constant 0.000000e+00 : f32
    %broadcast_in_dim3A = vector.broadcast %jit3A : f32 to vector<1000x128xf32>
    %select_n3A = arith.select %gt3A_8, %bitcast_convert_type3A, %broadcast_in_dim3A : vector<1000x128xi1>, vector<1000x128xf32>
    %convert_element_type3A = arith.truncf %select_n3A : vector<1000x128xf32> to vector<1000x128xbf16>
    %gt3A_9 = arith.constant -1.000000e+29 : f32
    %gt3A_10 = vector.broadcast %gt3A_9 : f32 to vector<1000x128xf32>
    %gt3A_11 = arith.cmpf ogt, %bitcast_convert_type3A_6, %gt3A_10 : vector<1000x128xf32>
    %jit3A_12 = arith.constant 0.000000e+00 : f32
    %broadcast_in_dim3A_13 = vector.broadcast %jit3A_12 : f32 to vector<1000x128xf32>
    %select_n3A_14 = arith.select %gt3A_11, %bitcast_convert_type3A_6, %broadcast_in_dim3A_13 : vector<1000x128xi1>, vector<1000x128xf32>
    %convert_element_type3A_15 = arith.truncf %select_n3A_14 : vector<1000x128xf32> to vector<1000x128xbf16>
    %get3A_16 = arith.constant 0 : index
    %get3A_17 = arith.constant 0 : index
    %get3A_18 = vector.load %arg2[%get3A_16, %get3A_17] : memref<128x256xbf16, #tpu.memory_space<vmem>>, vector<128x256xbf16>
    %dot_general3A = arith.constant dense<0.000000e+00> : vector<1000x256xf32>
    %dot_general3A_19 = tpu.matmul %convert_element_type3A, %get3A_18, %dot_general3A {dimension_numbers = #tpu.dot_dimension_numbers<[1], [0], [0], [1], [0, 0, 1, 1], [], []>, transpose_lhs_hint = false} : vector<1000x128xbf16>, vector<128x256xbf16>, vector<1000x256xf32> -> vector<1000x256xf32>
    %get3A_20 = arith.constant 0 : index
    %get3A_21 = arith.constant 0 : index
    %get3A_22 = vector.load %arg3[%get3A_20, %get3A_21] : memref<128x256xbf16, #tpu.memory_space<vmem>>, vector<128x256xbf16>
    %dot_general3A_23 = arith.constant dense<0.000000e+00> : vector<1000x256xf32>
    %dot_general3A_24 = tpu.matmul %convert_element_type3A_15, %get3A_22, %dot_general3A_23 {dimension_numbers = #tpu.dot_dimension_numbers<[1], [0], [0], [1], [0, 0, 1, 1], [], []>, transpose_lhs_hint = false} : vector<1000x128xbf16>, vector<128x256xbf16>, vector<1000x256xf32> -> vector<1000x256xf32>
    %add3A = arith.addf %dot_general3A_19, %dot_general3A_24 : vector<1000x256xf32>
    %get3A_25 = arith.constant 0 : index
    %get3A_26 = arith.constant 0 : index
    %get3A_27 = vector.load %arg4[%get3A_25, %get3A_26] : memref<1x256xf32, #tpu.memory_space<vmem>>, vector<1x256xf32>
    %add3A_28 = vector.broadcast %get3A_27 : vector<1x256xf32> to vector<1000x256xf32>
    %add3A_29 = arith.addf %add3A, %add3A_28 : vector<1000x256xf32>
    %max3A = arith.constant 0.000000e+00 : f32
    %max3A_30 = vector.broadcast %max3A : f32 to vector<1000x256xf32>
    %max3A_31 = arith.maximumf %add3A_29, %max3A_30 : vector<1000x256xf32>
    %swap3A = arith.constant 0 : index
    %swap3A_32 = arith.constant 0 : index
    %swap3A_33 = vector.load %arg5[%swap3A, %swap3A_32] : memref<1000x256xf32, #tpu.memory_space<vmem>>, vector<1000x256xf32>
    tpu.vector_store %arg5[%swap3A, %swap3A_32], %max3A_31 {strides = array<i32>} : memref<1000x256xf32, #tpu.memory_space<vmem>>, vector<1000x256xf32>,
    return
  }
  func.func @transform_0(%arg0: i32) -> (i32, i32) {
    %c0_i32 = arith.constant 0 : i32
    %c0_i32_0 = arith.constant 0 : i32
    return %arg0, %c0_i32 : i32, i32
  }
  func.func @transform_1(%arg0: i32) -> (i32, i32) {
    %c0_i32 = arith.constant 0 : i32
    %c0_i32_0 = arith.constant 0 : i32
    %c0_i32_1 = arith.constant 0 : i32
    return %c0_i32, %c0_i32_0 : i32, i32
  }
  func.func @transform_2(%arg0: i32) -> (i32, i32) {
    %c0_i32 = arith.constant 0 : i32
    %c0_i32_0 = arith.constant 0 : i32
    %c0_i32_1 = arith.constant 0 : i32
    return %c0_i32, %c0_i32_0 : i32, i32
  }
  func.func @transform_3(%arg0: i32) -> (i32, i32) {
    %c0_i32 = arith.constant 0 : i32
    %c0_i32_0 = arith.constant 0 : i32
    %c0_i32_1 = arith.constant 0 : i32
    return %c0_i32, %c0_i32_0 : i32, i32
  }
  func.func @transform_4(%arg0: i32) -> (i32, i32) {
    %c0_i32 = arith.constant 0 : i32
    %c0_i32_0 = arith.constant 0 : i32
    return %arg0, %c0_i32 : i32, i32
  }
}

</mosaic_0001>

<sc_bundles>
// kernel: kernel.10.cloned.1.call-start
scs
__scs_entry_jumppad:
0x0: {  	(pc) =	sbr.rel $0x88, $3  }
0x1: {  	(tag) =	ssettag $0x0;
	lr =	simm.s32 $0x1  }
0x2: {  	[smem:$0x3F96] =	sst lr;
	_ =	strace $0xD0000000  }
0x3: {  	_ = 	snop  }
0x4: {  	_ = 	snop  }
0x5: {  	_ = 	snop  }
0x6: {  	_ = 	snop  }
0x7: {  	_ = 	snop  }
__scs_overlays_trampoline_lowered:
0x8: {  	[smem:$0x3FA5] =	sst s0  }
0x9: {  	[smem:$0x3FA6] =	sst s1  }
0xa: {  	[smem:$0x3FA7] =	sst s2  }
0xb: {  	[smem:$0x3FA8] =	sst s3  }
0xc: {  	[smem:$0x3FA9] =	sst s4  }
0xd: {  	[smem:$0x3FAA] =	sst s5  }
0xe: {  	[smem:$0x3FAB] =	sst s6  }
0xf: {  	[smem:$0x3FAC] =	sst s7  }
0x10: {  	[smem:$0x3FAD] =	sst s8  }
0x11: {  	[smem:$0x3FAE] =	sst s9;
	s0 =	simm.s32 @!p0 $0x0  }
0x12: {  	s1 =	sld [smem:$0x3F94];
	s0 =	simm.s32 @p0 $0x1  }
0x13: {  	[smem:$0x3FAF] =	sst s0;
	s0 =	simm.s32 @!p1 $0x0  }
0x14: {  	s2 =	sld [smem:$0x3F93];
	s0 =	simm.s32 @p1 $0x1  }
0x15: {  	[smem:$0x3FB0] =	sst s0;
	s0 =	simm.s32 @!p2 $0x0  }
0x16: {  	s3 =	sld [smem:$0x3FDB];
	s0 =	simm.s32 @p2 $0x1  }
0x17: {  	s4 =	simm.s32 $0x1BF5;
	[smem:$0x3FB2] =	sst s0  }
0x18: {  	s0 =	sld [smem:$0x3F95];
	_ =	swait.ge [sflag:s4], $0x0  }
0x19: {  	s7 =	sld [smem:$0x3F96]  }
0x1a: {  	s8 =	sadd.s32 $0xFFFFE003, lr  }
0x1b: {  	s9 =	sadd.s32 $0xFFFFFEF7, lr;
	s5 =	simm.s32 $0xFFFFFFFF;
	p2 =	slt.u32 s8, $0xFFFFF086  }
0x1c: {  	p1 =	slt.u32 s9, $0xF7A;
	s5 =	simm.s32 @!p2 $0x0  }
0x1d: {  	s5 =	simm.s32 @p1 $0x1;
	p0 =	seq.s32 s7, s2  }
0x1e: {  	s7 =	smul.u32 @!p0 $0xF7A, s2;
	p2 =	seq.s32 @!p0 s5, $0x0  }
0x1f: {  	s9 =	smul.u32 $0xF7A, s1;
	s8 =	simm.s32 @!p0 $0x1BF5;
	p2 =	por !p2, p0  }
0x20: {  	[sflag:s8] =	ssyncset.s32 @!p0 $0xFFFFF086;
	s6 =	sadd.s32 @!p0 s3, s7;
	s7 =	simm.s32 @!p0 $0x108  }
0x21: {  	s3 =	sadd.s32 s3, s9;
	s6 =	sadd.s32 @!p0 $0x88, s6;
	s7 =	simm.s32 @p2 $0x1082  }
0x22: {  	[simem:s7], [sflag:s8] =	dma.local @!p0 [hbm:s6], $0xF7A  }
0x23: {  	s9 =	sor.u32 $0xD0000000, s2;
	s6 =	simm.s32 $0x108;
	_ =	swait.ge @!p0 [sflag:s8], $0x0  }
0x24: {  	s3 =	sadd.s32 $0x88, s3;
	s6 =	simm.s32 @!p1 $0x1082;
	[sflag:s4] =	ssyncset.s32 $0xFFFFF086  }
0x25: {  	[simem:s6], [sflag:s4] =	dma.local [hbm:s3], $0xF7A  }
0x26: {  	[smem:$0x3F96] =	sst s1;
	(tag) =	ssettag s2;
	_ =	strace s9  }
0x27: {  	s1 =	sld [smem:$0x3FA6]  }
0x28: {  	s2 =	sld [smem:$0x3FA7]  }
0x29: {  	s4 =	sld [smem:$0x3FA9]  }
0x2a: {  	p0 =	seq.s32 s5, $0x0;
	s5 =	sld [smem:$0x3FAA]  }
0x2b: {  	s6 =	sld [smem:$0x3FAB]  }
0x2c: {  	s7 =	sld [smem:$0x3FAC]  }
0x2d: {  	s3 =	simm.s32 $0x108;
	s8 =	sld [smem:$0x3FAD]  }
0x2e: {  	s3 =	simm.s32 @!p0 $0x1082;
	s9 =	sld [smem:$0x3FAE]  }
0x2f: {  	lr =	sadd.s32 s0, s3;
	s0 =	sld [smem:$0x3FA5]  }
0x30: {  	s3 =	sld [smem:$0x3FA8]  }
0x31: {  	[smem:$0x3FB1] =	sst s10  }
0x32: {  	s10 =	sld [smem:$0x3FAF];
	_ =	sdelay $0x3  }
0x33: {  	p0 =	seq.s32 s10, $0x1;
	s10 =	sld [smem:$0x3FB1];
	_ =	sdelay $0x3  }
0x34: {  	[smem:$0x3FB1] =	sst s10  }
0x35: {  	s10 =	sld [smem:$0x3FB0];
	_ =	sdelay $0x3  }
0x36: {  	p1 =	seq.s32 s10, $0x1;
	s10 =	sld [smem:$0x3FB1];
	_ =	sdelay $0x3  }
0x37: {  	[smem:$0x3FB1] =	sst s10  }
0x38: {  	s10 =	sld [smem:$0x3FB2]  }
0x39: {  	_ = 	snop;
	(pc) =	sbr.ind lr, $3  }
0x3a: {  	_ = 	snop  }
0x3b: {  	_ = 	snop  }
0x3c: {  	p2 =	seq.s32 s10, $0x1;
	s10 =	sld [smem:$0x3FB1]  }
0x3d: {  	_ =	shalt  }
0x3e: {  	_ =	shalt  }
0x3f: {  	_ =	shalt  }
0x40: {  	_ =	shalt  }
0x41: {  	_ =	shalt  }
0x42: {  	_ =	shalt  }
0x43: {  	_ =	shalt  }
0x44: {  	_ =	shalt  }
0x45: {  	_ =	shalt  }
0x46: {  	_ =	shalt  }
0x47: {  	_ =	shalt  }
0x48: {  	_ =	shalt  }
0x49: {  	_ =	shalt  }
0x4a: {  	_ =	shalt  }
0x4b: {  	_ =	shalt  }
0x4c: {  	_ =	shalt  }
0x4d: {  	_ =	shalt  }
0x4e: {  	_ =	shalt  }
0x4f: {  	_ =	shalt  }
0x50: {  	_ =	shalt  }
0x51: {  	_ =	shalt  }
0x52: {  	_ =	shalt  }
0x53: {  	_ =	shalt  }
0x54: {  	_ =	shalt  }
0x55: {  	_ =	shalt  }
0x56: {  	_ =	shalt  }
0x57: {  	_ =	shalt  }
0x58: {  	_ =	shalt  }
0x59: {  	_ =	shalt  }
0x5a: {  	_ =	shalt  }
0x5b: {  	_ =	shalt  }
0x5c: {  	_ =	shalt  }
0x5d: {  	_ =	shalt  }
0x5e: {  	_ =	shalt  }
0x5f: {  	_ =	shalt  }
0x60: {  	_ =	shalt  }
0x61: {  	_ =	shalt  }
0x62: {  	_ =	shalt  }
0x63: {  	_ =	shalt  }
0x64: {  	_ =	shalt  }
0x65: {  	_ =	shalt  }
0x66: {  	_ =	shalt  }
0x67: {  	_ =	shalt  }
0x68: {  	_ =	shalt  }
0x69: {  	_ =	shalt  }
0x6a: {  	_ =	shalt  }
0x6b: {  	_ =	shalt  }
0x6c: {  	_ =	shalt  }
0x6d: {  	_ =	shalt  }
0x6e: {  	_ =	shalt  }
0x6f: {  	_ =	shalt  }
0x70: {  	_ =	shalt  }
0x71: {  	_ =	shalt  }
0x72: {  	_ =	shalt  }
0x73: {  	_ =	shalt  }
0x74: {  	_ =	shalt  }
0x75: {  	_ =	shalt  }
0x76: {  	_ =	shalt  }
0x77: {  	_ =	shalt  }
0x78: {  	_ =	shalt  }
0x79: {  	_ =	shalt  }
0x7a: {  	_ =	shalt  }
0x7b: {  	_ =	shalt  }
0x7c: {  	_ =	shalt  }
0x7d: {  	_ =	shalt  }
0x7e: {  	_ =	shalt  }
0x7f: {  	_ =	shalt  }
0x80: {  	_ =	shalt  }
0x81: {  	_ =	shalt  }
0x82: {  	_ =	shalt  }
0x83: {  	_ =	shalt  }
0x84: {  	_ =	shalt  }
0x85: {  	_ =	shalt  }
0x86: {  	_ =	shalt  }
0x87: {  	_ =	shalt  }
.Lfunc_end0:
.L_simem_size_0:
called_computation.1_lowered:
.L_overlay_start_0:
0x88: {  	s2 =	sld [smem:$0x3FD9]  }
0x89: {  	s3 =	sld [smem:$0x3FFE];
	_ =	sdelay $0x1  }
0x8a: {  	s1 =	srdreg.scid  }
0x8b: {  	s0 =	sand.u32 $0x1, s1  }
0x8c: {  	s17 =	sshll.u32 s0, $0xA;
	s2 =	sadd.s32 s3, s2  }
0x8d: {  	s2 =	sadd.s32 s2, s17  }
0x8e: {  	[smem:$0x3FBD] =	sst s2  }
0x8f: {  	_ = 	snop  }
0x90: {  	s2 =	sld [smem:$0x3FD0];
	(tm) =	ssettm $0x1  }
0x91: {  	s18 =	sld [smem:$0x3FFB];
	_ =	sdelay $0x3  }
0x92: {  	_ =	strace s18  }
0x93: {  	s3 =	sld [smem:$0x3FFC];
	_ =	sdelay $0x3  }
0x94: {  	_ =	strace s3  }
0x95: {  	s3 =	sld [smem:$0x3FFD];
	_ =	sdelay $0x3  }
0x96: {  	_ =	strace s3  }
0x97: {  	_ =	strace $0x8FFFFFFF  }
0x98: {  	s19 =	sld [smem:$0x3FDB];
	_ =	sdelay $0x1  }
0x99: {  	s4 =	simm.s32 $_scs_section_size  }
0x9a: {  	s5 =	simm.s32 $_size__tile_overlayer_lowered;
	s6 =	simm.s32 $_tile_overlayer_lowered  }
0x9b: {  	s22 =	simm.s32 $0x1BFF;
	s21 =	sshll.u32 s6, $0x1;
	s3 =	sadd.s32 s4, s19  }
0x9c: {  	s7 =	simm.s32 $0x0;
	s20 =	sshll.u32 s5, $0x1;
	s5 =	sadd.s32 s21, s3  }
0x9d: {  	[timem:s7], [sflag:s22] =	dma.local [hbm:s5], s20  }
0x9e: {  	_ =	swait.ge [sflag:s22], s20  }
0x9f: {  	s4 =	ssub.s32 $0x0, s20;
	[sflag:s22] =	ssyncset.done $0x0  }
0xa0: {  	[sflag:s22] =	ssyncadd.s32 s4;
	_ =	sdelay $0x1  }
0xa1: {  	s23 =	simm.s32 $0x1B8B  }
0xa2: {  	_ =	swait.ge [sflag:s23], $0x1  }
0xa3: {  	[sflag:s23] =	ssyncset.done $0x0  }
0xa4: {  	s25 =	simm.s32 $0x1B8E;
	s24 =	sld [smem:$0x3FFE];
	[sflag:s23] =	ssyncadd.s32 $0xFFFFFFFF  }
0xa5: {  	s26 =	simm.s32 $execute0_lowered;
	[smem:$0x3FD2] =	sst s25  }
0xa6: {  	s5 =	sshll.u32 s26, $0x1;
	_ =	strace $0x80000049;
	[dreg:$0x1] =	wrdreg $0xFFFFFFFF  }
0xa7: {  	s28 =	simm.s32 $_size_execute0_lowered;
	s3 =	sadd.s32 s3, s5;
	[dreg:$0x0] =	wrdreg $0x0  }
0xa8: {  	s5 =	sshll.u32 s28, $0x1;
	[dreg:$0x2] =	wrdreg s3  }
0xa9: {  	[dreg:$0x3] =	wrdreg s5  }
0xaa: {  	[dreg:$0x4] =	wrdreg $0xC0  }
0xab: {  	_ =	task [dreg:s7], $0x5FFFF  }
0xac: {  	[dreg:$0x1] =	wrdreg $0xFFFFFFFF  }
0xad: {  	[dreg:$0x0] =	wrdreg $0x60  }
0xae: {  	[dreg:$0x2] =	wrdreg s24  }
0xaf: {  	[dreg:$0x3] =	wrdreg s2  }
0xb0: {  	[dreg:$0x4] =	wrdreg $0x9  }
0xb1: {  	_ =	task.clear_ibuf [dreg:s7], $0x5FFFF;
	_ =	strace $0x90000049  }
0xb2: {  	s29 =	simm.s32 $0x9;
	_ =	strace $0x8000004B  }
0xb3: {  	_ =	swait.ge [sflag:s29], $0x1  }
0xb4: {  	[sflag:s29] =	ssyncadd.s32 $0xFFFFFFFF  }
0xb5: {  	_ =	strace $0x9000004B  }
0xb6: {  	_ =	sfence  }
0xb7: {  	s30 =	sld [smem:$0x0];
	_ =	sdelay $0x2  }
0xb8: {  	s31 =	sshll.u32 s1, $0xD;
	s1 =	sshrl.u32 s1, $0x2  }
0xb9: {  	s3 =	sand.u32 $0x4000, s31;
	s1 =	sadd.s32 s1, s30  }
0xba: {  	s0 =	sor.u32 s3, s0;
	s1 =	sshll.u32 s1, $0x11  }
0xbb: {  	s0 =	sor.u32 s1, s0  }
0xbc: {  	s0 =	sadd.s32 $0x8F2B, s0  }
0xbd: {  	[sflag:s0] =	ssyncadd.remote.s32 $0x1  }
0xbe: {  	_ =	sfence.sel $0xFFFF  }
0xbf: {  	[dreg:$0x0] =	wrdreg $0xFFFFFFFF;
	(pc) =	sbr.abs _section_cstart, $3  }
0xc0: {  	[dreg:$0x1] =	wrdreg $0xFFFFFFFF  }
0xc1: {  	_ =	task.clear_ibuf [dreg:s7], $0x2FFFF;
	_ =	strace $0x9FFFFFFF  }
0xc2: {  	(tm) =	ssettm $0x7FFFFFFF  }
0xc3: {  	_ =	shalt  }
tec
execute0_lowered:
.L_overlay_start_1:
0x0: {  	(tag) =	ssettag $0x1  }
0x1: {  	s1 =	srdreg.scid;
	s4 =	rddreg [dreg:$0x0]  }
0x2: {  	s0 =	stileid.u32;
	s5 =	rddreg [dreg:$0x1]  }
0x3: {  	s2 =	simm.s32 $0x0;
	s3 =	sand.u32 $0x1, s1;
	s31 =	sshll.u32 s0, $0x1  }
0x4: {  	s11 =	simm.s32 $0x1;
	s1 =	rddreg [dreg:$0x2];
	s6 =	sor.u32 s3, s31  }
0x5: {  	s12 =	simm.s32 $0x0;
	[smem:$0x7FF] =	sst s2;
	s7 =	smul.u32 $0x139, s6  }
.Ltmp0:
0x6: {  	s8 =	ssub.s32 $0x2, s3;
	_ =	strace $0x8000004A;
	(pc) =	sbr.rel .LBB2_1-.Ltmp0, $4  }
0x7: {  	v2 =	vlaneseq.u32;
	v3 =	vimm.s32 $0xF14AF14A;
	v4 =	vimm.s32 $0x0;
	s3 =	sadd.s32 $0xB800, s4;
	s9 =	sshrl.u32 s8, $0x1;
	s6 =	smul.u32 $0x1390, s6  }
0x8: {  	v5 =	vor.u32 $0x10, v2;
	v6 =	vor.u32 $0x20, v2;
	v7 =	vor.u32 $0x30, v2;
	s4 =	sadd.s32 $0x6800, s4;
	s8 =	ssub.s32 s8, s9;
	s9 =	simm.s32 $0xBC80  }
0x9: {  	v8 =	vor.u32 $0x40, v2;
	v9 =	vor.u32 $0x50, v2;
	v10 =	vor.u32 $0x60, v2;
	s10 =	sadd.s32 $0x139, s7;
	s5 =	sadd.s32 s5, s6;
	s6 =	smax.u32 s8, $0x1  }
0xa: {  	v11 =	vor.u32 $0x70, v2;
	v0 =	vmov s7;
	s7 =	simm.s32 $0x9D00;
	s8 =	simm.s32 $0x3;
	v1 =	vmov s10;
	s10 =	simm.s32 $0xED00  }
.LBB2_26:
0xb: {  	s12 =	sadd.s32 $0x1, s12  }
0xc: {  	p0 =	sne.s32 s12, s6  }
.Ltmp1:
0xd: {  	_ = 	snop;
	(pc) =	sbr.rel @!p0 .LBB2_27-.Ltmp1, $4  }
0xe: {  	[hbm4b:s5+s2] =	stream.linear.scatter [tilespmem:s2], [sflag:$0x3], $0x9C80, $0x38;
	[tilespmem:$0x19D80] =	vst v63  }
0xf: {  	_ =	swait.ge [sflag:s8], $0x9C80  }
0x10: {  	[sflag:s8] =	ssyncset.done $0x0  }
0x11: {  	[sflag:s8] =	ssyncadd.s32 $0xFFFF6380  }
.LBB2_1:
0x12: {  	s13 =	simm.s32 $0x40;
	s14 =	simm.s32 $0x0  }
.LBB2_2:
0x13: {  	p0 =	sne.s32 s13, $0x273C0;
	[tilespmem:s14+$0x0] =	vst v3;
	s14 =	smov.u32 s13;
	s13 =	sadd.s32 $0x40, s13  }
.Ltmp2:
0x14: {  	(pc) =	sbr.rel @p0 .LBB2_2-.Ltmp2, $2  }
0x15: {  	_ =	sdelay $0x2  }
0x16: {  	s14 =	sshra.s32 s14, $0x2  }
0x17: {  	[tilespmem:s14+$0x0] =	vst v3;
	s13 =	simm.s32 $0x0;
	s14 =	simm.s32 $0x40;
	s15 =	simm.s32 $0x0;
	v12 =	vimm.s32 $0x0  }
.LBB2_4:
0x18: {  	p0 =	sne.s32 s14, $0xC0C0;
	[tilespmem:s15+$0xBC80] =	vst v12;
	s15 =	smov.u32 s14;
	s14 =	sadd.s32 $0x40, s14  }
.Ltmp3:
0x19: {  	(pc) =	sbr.rel @p0 .LBB2_4-.Ltmp3, $2  }
0x1a: {  	_ =	sdelay $0x2  }
0x1b: {  	s15 =	sshra.s32 s15, $0x2  }
.Ltmp4:
0x1c: {  	(pc) =	sbr.rel .LBB2_6-.Ltmp4, $2  }
0x1d: {  	_ =	sdelay $0x2  }
0x1e: {  	[tilespmem:s15+$0xBC80] =	vst v12;
	s14 =	simm.s32 $0x0  }
.LBB2_25:
0x1f: {  	s14 =	sadd.s32 $0x1, s14  }
0x20: {  	p1 =	sne.s32 s14, $0x14  }
.Ltmp5:
0x21: {  	_ = 	snop;
	(pc) =	sbr.rel @!p1 .LBB2_26-.Ltmp5, $2  }
0x22: {  	_ =	sdelay $0x2  }
0x23: {  	v12 =	vpsel p0, $0x0, v12;
	s13 =	sadd.s32 $0x1F40, s13  }
.LBB2_6:
0x24: {  	s15 =	smul.u32 $0x1F40, s14;
	_ =	sdelay $0x1  }
0x25: {  	s15 =	sshrl.u32 s15, $0x3  }
0x26: {  	s16 =	simm.s32 $0x0;
	s15 =	sadd.s32 s4, s15  }
0x27: {  	[tilespmem:s7], [sflag:$0x3] =	stream.linear.gather [hbm4b:s15+s16], $0x1F40, $0x38;
	[tilespmem:$0x19D80] =	vst v63  }
0x28: {  	_ =	swait.ge [sflag:s8], $0x1F40  }
0x29: {  	[sflag:s8] =	ssyncset.done $0x0  }
0x2a: {  	s30 =	simm.s32 $0x0;
	[sflag:s8] =	ssyncadd.s32 $0xFFFFE0C0  }
0x2b: {  	v13 =	vld [tilespmem:s30+$0x9D00];
	_ =	sdelay $0x4  }
0x2c: {  	vm0 =	vge.s32 v13, v0;
	vm1 =	vlt.s32 v13, v1  }
0x2d: {  	vm0 =	vmand vm0, vm1  }
0x2e: {  	v14 =	vsel vm0, $0x1, v4  }
0x2f: {  	(xrf0) =	vadd.scan.msk.s32 $0xffff, v14;
	_ =	sdelay $0x5  }
0x30: {  	v14, _, _ =	vpop (xrf0)  }
0x31: {  	v14 =	vadd.s32 v14, v12  }
0x32: {  	v14 =	vadd.s32 $0xFFFFFFFF, v14;
	_ =	sdelay $0x3  }
0x33: {  	v16 =	vor.u32 s13, v2;
	v15 =	vmpcnt.ones.xlane vm0  }
0x34: {  	v13 =	vsub.s32 v13, v0;
	[tilespmem:v14+s9+$0x0] =	vst.idx.msk vm0, v16  }
0x35: {  	s31 =	simm.s32 $0x10;
	v12 =	vadd.s32 v12, v15;
	[tilespmem:v14+s10+$0x0] =	vst.idx.msk vm0, v13  }
0x36: {  	s15 =	simm.s32 $0x80;
	s16 =	smov.u32 s13;
	v14 =	vmov v12;
	v13 =	vld [tilespmem:s31+$0x9D00]  }
.LBB2_7:
0x37: {  	p0 =	sne.s32 s15, $0x7CC0;
	_ =	sdelay $0x3  }
0x38: {  	vm0 =	vge.s32 v13, v0;
	vm1 =	vlt.s32 v13, v1  }
0x39: {  	vm0 =	vmand vm0, vm1  }
0x3a: {  	v15 =	vsel vm0, $0x1, v4;
	v16 =	vmpcnt.ones.xlane vm0  }
0x3b: {  	(xrf0) =	vadd.scan.msk.s32 $0xffff, v15  }
0x3c: {  	v12 =	vadd.s32 v12, v16;
	_ =	sdelay $0x4  }
0x3d: {  	v15, _, _ =	vpop (xrf0)  }
0x3e: {  	v15 =	vadd.s32 v15, v14;
	v14 =	vmov v12  }
0x3f: {  	v15 =	vadd.s32 $0xFFFFFFFF, v15;
	_ =	sdelay $0x2  }
.Ltmp6:
0x40: {  	s16 =	sadd.s32 $0x10, s16;
	(pc) =	sbr.rel @p0 .LBB2_7-.Ltmp6, $4  }
0x41: {  	v16 =	vor.u32 s16, v2  }
0x42: {  	v13 =	vsub.s32 v13, v0;
	[tilespmem:v15+s9+$0x0] =	vst.idx.msk vm0, v16  }
0x43: {  	s17 =	sshra.s32 s15, $0x2;
	[tilespmem:v15+s10+$0x0] =	vst.idx.msk vm0, v13  }
0x44: {  	s15 =	sadd.s32 $0x40, s15;
	v13 =	vld [tilespmem:s17+$0x9D00]  }
0x45: {  	_ =	sdelay $0x3  }
0x46: {  	vm0 =	vge.s32 v13, v0;
	vm1 =	vlt.s32 v13, v1  }
0x47: {  	vm0 =	vmand vm0, vm1  }
0x48: {  	v15 =	vmpcnt.ones.xlane vm0;
	_ =	sdelay $0x1  }
0x49: {  	v16 =	vsel vm0, $0x1, v4;
	v12 =	vadd.s32 v12, v15  }
0x4a: {  	(xrf0) =	vadd.scan.msk.s32 $0xffff, v16;
	v15 =	vxor.u32 $0x80000000, v12  }
0x4b: {  	(xrf0) =	vmax.scan.msk.u32 $0xffff, v15;
	_ =	sdelay $0x4  }
0x4c: {  	v15, _, _ =	vpop (xrf0)  }
0x4d: {  	v63, _, _ =	vpop (xrf0)  }
0x4e: {  	(v2sf) =	vpush v63, $0xF;
	_ =	sdelay $0xe  }
0x4f: {  	s18 =	spop (v2sf)  }
0x50: {  	s15 =	sxor.u32 $0x80000000, s18  }
0x51: {  	p1 =	seq.s32 s14, $0x13;
	p0 =	sgt.s32 s15, $0xFFF  }
0x52: {  	p0 =	por p1, p0  }
0x53: {  	s17 =	sadd.s32 @p0 $0x8000007F, s18  }
0x54: {  	s19 =	sand.u32 @p0 $0x7F, s17  }
0x55: {  	p1 =	slt.s32 @p0 s17, $0x1;
	p2 =	sne.s32 @p0 s19, $0x0  }
0x56: {  	v14 =	vadd.s32 v15, v14;
	s19 =	sshra.s32 @p0 s17, $0x1F;
	p1 =	por @p0 !p1, !p2  }
0x57: {  	v14 =	vadd.s32 $0xFFFFFFFF, v14;
	s19 =	sshrl.u32 @p0 s19, $0x19;
	p1 =	por @p0 !p1, !p1  }
0x58: {  	s17 =	sadd.s32 @p0 s19, s17;
	s19 =	simm.s32 @p0 $0x1;
	p1 =	por !p1, !p0  }
0x59: {  	s17 =	sshra.s32 @p0 s17, $0x7;
	s19 =	simm.s32 @p1 $0x0  }
0x5a: {  	s20 =	sadd.s32 $0x10, s16;
	s16 =	ssub.s32 @p0 s17, s19  }
0x5b: {  	v15 =	vor.u32 s20, v2;
	p1 =	slt.s32 @p0 s16, $0x1  }
0x5c: {  	v13 =	vsub.s32 v13, v0;
	[tilespmem:v14+s9+$0x0] =	vst.idx.msk vm0, v15;
	p1 =	por p1, !p0  }
0x5d: {  	[tilespmem:v14+s10+$0x0] =	vst.idx.msk vm0, v13;
	s17 =	simm.s32 @!p1 $0x80;
	s19 =	simm.s32 @!p1 $0xBC80;
	s20 =	simm.s32 @!p1 $0x11D80  }
0x5e: {  	[tilespmem:s20], [sflag:$0x1] =	stream.indirect.gather @!p1 [hbm4b:s3+s17], $0x80, s19, s17, $0xb8;
	[tilespmem:$0x19D80] =	vst v63  }
0x5f: {  	s17 =	sadd.s32 @p0 $0x1, s16  }
0x60: {  	s19 =	sand.u32 @p0 $0x1, s17  }
0x61: {  	p1 =	slt.s32 @p0 s16, $0x0;
	p2 =	seq.s32 @p0 s19, $0x1  }
0x62: {  	p1 =	por @p0 !p1, !p2  }
0x63: {  	s19 =	sshrl.u32 @p0 s17, $0x1F;
	p1 =	por @p0 !p1, !p1  }
0x64: {  	s20 =	simm.s32 @p0 $0x1;
	s17 =	sadd.s32 @p0 s19, s17;
	p1 =	por !p1, !p0  }
0x65: {  	s17 =	sshra.s32 @p0 s17, $0x1;
	s20 =	simm.s32 @p1 $0x0  }
0x66: {  	s17 =	ssub.s32 @p0 s17, s20  }
0x67: {  	p1 =	slt.s32 @p0 s17, $0x1  }
0x68: {  	p1 =	por !p0, p1  }
.Ltmp7:
0x69: {  	_ = 	snop;
	(pc) =	sbr.rel @p1 .LBB2_25-.Ltmp7, $1  }
0x6a: {  	_ =	sdelay $0x3  }
.Ltmp8:
0x6b: {  	(pc) =	sbr.rel .LBB2_10-.Ltmp8, $3  }
0x6c: {  	_ =	sdelay $0x1  }
0x6d: {  	s18 =	sadd.s32 $0x7FFFFF80, s18;
	s19 =	simm.s32 $0x0  }
0x6e: {  	s20 =	simm.s32 $0x80;
	s21 =	smov.u32 s15;
	s22 =	simm.s32 $0x0  }
.LBB2_19:
0x6f: {  	s25 =	smov.u32 s23;
	s24 =	smov.u32 s20  }
.LBB2_23:
0x70: {  	_ =	sdelay $0x3  }
0x71: {  	[tilespmem:v13+s2+$0x0] =	vst.idx.msk @p1 $0xffff, v15  }
0x72: {  	v13 =	vld.idx.msk [tilespmem:v14+s10+$0x0], $0xffff;
	_ =	sdelay $0x4  }
0x73: {  	p2 =	slt.s32 s24, s15;
	v13 =	vshll.u32 v13, $0x7  }
0x74: {  	v13 =	vpsel !p2, $0x9C80, v13  }
0x75: {  	v14 =	vor.u32 v2, v13;
	_ =	sdelay $0x1  }
0x76: {  	s24 =	sadd.s32 @p1 $0x80, s25  }
0x77: {  	s23 =	smov.u32 @p1 s24  }
0x78: {  	v16 =	vld [tilespmem:s23+$0xFFFFFFC0]  }
0x79: {  	v15 =	vld.idx.msk [tilespmem:v14+s2+$0x0], $0xffff;
	_ =	sdelay $0x1  }
0x7a: {  	v17 =	vor.u32 v5, v13;
	_ =	sdelay $0x2  }
0x7b: {  	v15 =	vmax.bf16 v15, v16  }
0x7c: {  	[tilespmem:v14+s2+$0x0] =	vst.idx.msk $0xffff, v15  }
0x7d: {  	v14 =	vld.idx.msk [tilespmem:v17+s2+$0x0], $0xffff  }
0x7e: {  	v15 =	vld [tilespmem:s23+$0xFFFFFFD0];
	_ =	sdelay $0x1  }
0x7f: {  	v59 =	vor.u32 v6, v13;
	_ =	sdelay $0x2  }
0x80: {  	v14 =	vmax.bf16 v14, v15  }
0x81: {  	[tilespmem:v17+s2+$0x0] =	vst.idx.msk $0xffff, v14  }
0x82: {  	v14 =	vld.idx.msk [tilespmem:v59+s2+$0x0], $0xffff  }
0x83: {  	v15 =	vld [tilespmem:s23+$0xFFFFFFE0];
	_ =	sdelay $0x1  }
0x84: {  	v60 =	vor.u32 v7, v13;
	_ =	sdelay $0x2  }
0x85: {  	v14 =	vmax.bf16 v14, v15  }
0x86: {  	[tilespmem:v59+s2+$0x0] =	vst.idx.msk $0xffff, v14  }
0x87: {  	v14 =	vld.idx.msk [tilespmem:v60+s2+$0x0], $0xffff  }
0x88: {  	v15 =	vld [tilespmem:s23+$0xFFFFFFF0];
	_ =	sdelay $0x1  }
0x89: {  	v61 =	vor.u32 v8, v13;
	_ =	sdelay $0x2  }
0x8a: {  	v14 =	vmax.bf16 v14, v15  }
0x8b: {  	[tilespmem:v60+s2+$0x0] =	vst.idx.msk $0xffff, v14  }
0x8c: {  	v14 =	vld.idx.msk [tilespmem:v61+s2+$0x0], $0xffff  }
0x8d: {  	v15 =	vld [tilespmem:s23+$0x0];
	_ =	sdelay $0x1  }
0x8e: {  	v62 =	vor.u32 v9, v13;
	_ =	sdelay $0x2  }
0x8f: {  	v14 =	vmax.bf16 v14, v15  }
0x90: {  	[tilespmem:v61+s2+$0x0] =	vst.idx.msk $0xffff, v14  }
0x91: {  	v14 =	vld.idx.msk [tilespmem:v62+s2+$0x0], $0xffff  }
0x92: {  	v15 =	vld [tilespmem:s23+$0x10];
	_ =	sdelay $0x1  }
0x93: {  	v63 =	vor.u32 v10, v13;
	_ =	sdelay $0x2  }
0x94: {  	v14 =	vmax.bf16 v14, v15  }
0x95: {  	[tilespmem:v62+s2+$0x0] =	vst.idx.msk $0xffff, v14  }
0x96: {  	v14 =	vld.idx.msk [tilespmem:v63+s2+$0x0], $0xffff  }
0x97: {  	v15 =	vld [tilespmem:s23+$0x20];
	_ =	sdelay $0x1  }
0x98: {  	v13 =	vor.u32 v11, v13;
	_ =	sdelay $0x2  }
0x99: {  	v14 =	vmax.bf16 v14, v15  }
0x9a: {  	[tilespmem:v63+s2+$0x0] =	vst.idx.msk $0xffff, v14  }
0x9b: {  	v14 =	vld.idx.msk [tilespmem:v13+s2+$0x0], $0xffff  }
0x9c: {  	v15 =	vld [tilespmem:s23+$0x30];
	_ =	sdelay $0x4  }
0x9d: {  	v14 =	vmax.bf16 v14, v15  }
0x9e: {  	[tilespmem:v13+s2+$0x0] =	vst.idx.msk $0xffff, v14  }
.LBB2_24:
0x9f: {  	s22 =	sadd.s32 $0x1, s22  }
0xa0: {  	p1 =	sne.s32 s22, s17  }
.Ltmp9:
0xa1: {  	_ = 	snop;
	(pc) =	sbr.rel @!p1 .LBB2_25-.Ltmp9, $3  }
0xa2: {  	_ =	sdelay $0x1  }
0xa3: {  	s21 =	sadd.s32 $0xFFFFFF00, s21  }
0xa4: {  	s18 =	sadd.s32 $0xFFFFFF00, s18;
	s19 =	sadd.s32 $0x100, s19;
	s20 =	sadd.s32 $0x100, s20  }
.LBB2_10:
0xa5: {  	s23 =	sshllo.u32 s22, $0x1  }
0xa6: {  	p1 =	sge.s32 s23, s16  }
0xa7: {  	s24 =	sshll.u32 @!p1 s23, $0x9  }
0xa8: {  	s31 =	sshll.u32 s22, $0x8;
	s24 =	sshra.s32 @!p1 s24, $0x2  }
0xa9: {  	s25 =	simm.s32 @!p1 $0x80;
	s26 =	simm.s32 @!p1 $0x15D80;
	s24 =	sadd.s32 @!p1 $0xBC80, s24  }
0xaa: {  	[tilespmem:s26], [sflag:$0x2] =	stream.indirect.gather @!p1 [hbm4b:s3+s25], $0x80, s24, s25, $0xb8;
	[tilespmem:$0x19D80] =	vst v63  }
0xab: {  	s24 =	ssub.s32 s15, s31  }
0xac: {  	p2 =	slt.s32 s24, $0x1  }
.Ltmp10:
0xad: {  	_ = 	snop;
	(pc) =	sbr.rel @p2 .LBB2_17-.Ltmp10, $4  }
0xae: {  	_ = 	snop  }
0xaf: {  	_ =	swait.ge [sflag:s11], $0x4000  }
0xb0: {  	[sflag:s11] =	ssyncset.done $0x0  }
0xb1: {  	[sflag:s11] =	ssyncadd.s32 $0xFFFFC000  }
0xb2: {  	p2 =	sgt.s32 s21, $0x1;
	s24 =	smov.u32 s21  }
0xb3: {  	s24 =	simm.s32 @!p2 $0x1  }
0xb4: {  	s25 =	smin.u32 s24, $0x80  }
0xb5: {  	p3 =	sne.s32 s25, $0x1  }
.Ltmp11:
0xb6: {  	_ = 	snop;
	(pc) =	sbr.rel @!p3 .LBB2_12-.Ltmp11, $2  }
0xb7: {  	_ =	sdelay $0x2  }
0xb8: {  	v14 =	vmov s19;
	p2 =	por $0x0, $0x0;
	s24 =	simm.s32 $0x11DC0;
	s26 =	sadd.s32 $0xFFFFFFFF, s25  }
0xb9: {  	_ =	sdelay $0x3  }
0xba: {  	v13 =	vld.idx.msk [tilespmem:v14+s10+$0x0], $0xffff;
	_ =	sdelay $0x4  }
0xbb: {  	p2 =	slt.s32 s19, s15;
	v13 =	vshll.u32 v13, $0x7  }
0xbc: {  	v13 =	vpsel !p2, $0x9C80, v13  }
0xbd: {  	v14 =	vor.u32 v2, v13;
	_ =	sdelay $0x3  }
0xbe: {  	v16 =	vld [tilespmem:s24+$0xFFFFFFC0]  }
0xbf: {  	v15 =	vld.idx.msk [tilespmem:v14+s2+$0x0], $0xffff;
	_ =	sdelay $0x1  }
0xc0: {  	v17 =	vor.u32 v5, v13;
	_ =	sdelay $0x2  }
0xc1: {  	v15 =	vmax.bf16 v15, v16  }
0xc2: {  	[tilespmem:v14+s2+$0x0] =	vst.idx.msk $0xffff, v15  }
0xc3: {  	v14 =	vld.idx.msk [tilespmem:v17+s2+$0x0], $0xffff  }
0xc4: {  	v15 =	vld [tilespmem:s24+$0xFFFFFFD0];
	_ =	sdelay $0x1  }
0xc5: {  	v16 =	vor.u32 v6, v13;
	_ =	sdelay $0x2  }
0xc6: {  	v14 =	vmax.bf16 v14, v15  }
0xc7: {  	[tilespmem:v17+s2+$0x0] =	vst.idx.msk $0xffff, v14  }
0xc8: {  	v14 =	vld.idx.msk [tilespmem:v16+s2+$0x0], $0xffff  }
0xc9: {  	v15 =	vld [tilespmem:s24+$0xFFFFFFE0];
	_ =	sdelay $0x1  }
0xca: {  	v17 =	vor.u32 v7, v13;
	_ =	sdelay $0x2  }
0xcb: {  	v14 =	vmax.bf16 v14, v15  }
0xcc: {  	[tilespmem:v16+s2+$0x0] =	vst.idx.msk $0xffff, v14  }
0xcd: {  	v14 =	vld.idx.msk [tilespmem:v17+s2+$0x0], $0xffff  }
0xce: {  	v15 =	vld [tilespmem:s24+$0xFFFFFFF0];
	_ =	sdelay $0x1  }
0xcf: {  	v16 =	vor.u32 v8, v13;
	_ =	sdelay $0x2  }
0xd0: {  	v14 =	vmax.bf16 v14, v15  }
0xd1: {  	[tilespmem:v17+s2+$0x0] =	vst.idx.msk $0xffff, v14  }
0xd2: {  	v14 =	vld.idx.msk [tilespmem:v16+s2+$0x0], $0xffff  }
0xd3: {  	v15 =	vld [tilespmem:s24+$0x0];
	_ =	sdelay $0x1  }
0xd4: {  	v17 =	vor.u32 v9, v13;
	_ =	sdelay $0x2  }
0xd5: {  	v14 =	vmax.bf16 v14, v15  }
0xd6: {  	[tilespmem:v16+s2+$0x0] =	vst.idx.msk $0xffff, v14  }
0xd7: {  	v14 =	vld.idx.msk [tilespmem:v17+s2+$0x0], $0xffff  }
0xd8: {  	v15 =	vld [tilespmem:s24+$0x10];
	_ =	sdelay $0x1  }
0xd9: {  	v16 =	vor.u32 v10, v13;
	_ =	sdelay $0x2  }
0xda: {  	v14 =	vmax.bf16 v14, v15  }
0xdb: {  	[tilespmem:v17+s2+$0x0] =	vst.idx.msk $0xffff, v14  }
0xdc: {  	v14 =	vld.idx.msk [tilespmem:v16+s2+$0x0], $0xffff  }
0xdd: {  	v15 =	vld [tilespmem:s24+$0x20];
	_ =	sdelay $0x1  }
0xde: {  	v13 =	vor.u32 v11, v13;
	_ =	sdelay $0x2  }
0xdf: {  	v14 =	vmax.bf16 v14, v15  }
0xe0: {  	[tilespmem:v16+s2+$0x0] =	vst.idx.msk $0xffff, v14  }
0xe1: {  	v15 =	vld.idx.msk [tilespmem:v13+s2+$0x0], $0xffff  }
0xe2: {  	p3 =	sne.s32 s26, $0x1;
	v16 =	vld [tilespmem:s24+$0x30]  }
.Ltmp12:
0xe3: {  	s25 =	sadd.s32 $0x1, s19;
	(pc) =	sbr.rel @!p3 .LBB2_14-.Ltmp12, $2  }
0xe4: {  	v14 =	vmov s25;
	_ =	sdelay $0x2  }
0xe5: {  	s28 =	sadd.s32 $0xFFFFFFFF, s26;
	s26 =	simm.s32 $0x11DC0;
	p2 =	por $0x1, $0x1;
	v15 =	vmax.bf16 v15, v16  }
.LBB2_15:
0xe6: {  	p3 =	sne.s32 s28, $0x1;
	s28 =	sadd.s32 $0xFFFFFFFF, s28;
	[tilespmem:v13+s2+$0x0] =	vst.idx.msk $0xffff, v15;
	s26 =	sadd.s32 $0x80, s26  }
0xe7: {  	v13 =	vld.idx.msk [tilespmem:v14+s10+$0x0], $0xffff;
	_ =	sdelay $0x5  }
0xe8: {  	p4 =	slt.s32 s25, s15;
	v13 =	vshll.u32 v13, $0x7  }
0xe9: {  	v13 =	vpsel !p4, $0x9C80, v13  }
0xea: {  	v14 =	vor.u32 v2, v13;
	_ =	sdelay $0x4  }
0xeb: {  	v15 =	vld.idx.msk [tilespmem:v14+s2+$0x0], $0xffff  }
0xec: {  	v16 =	vld [tilespmem:s26+$0xFFFFFFC0];
	_ =	sdelay $0x1  }
0xed: {  	v17 =	vor.u32 v5, v13;
	_ =	sdelay $0x2  }
0xee: {  	v15 =	vmax.bf16 v15, v16  }
0xef: {  	[tilespmem:v14+s2+$0x0] =	vst.idx.msk $0xffff, v15  }
0xf0: {  	v14 =	vld.idx.msk [tilespmem:v17+s2+$0x0], $0xffff  }
0xf1: {  	v15 =	vld [tilespmem:s26+$0xFFFFFFD0];
	_ =	sdelay $0x1  }
0xf2: {  	v16 =	vor.u32 v6, v13;
	_ =	sdelay $0x2  }
0xf3: {  	v14 =	vmax.bf16 v14, v15  }
0xf4: {  	[tilespmem:v17+s2+$0x0] =	vst.idx.msk $0xffff, v14  }
0xf5: {  	v14 =	vld.idx.msk [tilespmem:v16+s2+$0x0], $0xffff  }
0xf6: {  	v15 =	vld [tilespmem:s26+$0xFFFFFFE0];
	_ =	sdelay $0x1  }
0xf7: {  	v17 =	vor.u32 v7, v13;
	_ =	sdelay $0x2  }
0xf8: {  	v14 =	vmax.bf16 v14, v15  }
0xf9: {  	[tilespmem:v16+s2+$0x0] =	vst.idx.msk $0xffff, v14  }
0xfa: {  	v14 =	vld.idx.msk [tilespmem:v17+s2+$0x0], $0xffff  }
0xfb: {  	v15 =	vld [tilespmem:s26+$0xFFFFFFF0];
	_ =	sdelay $0x1  }
0xfc: {  	v16 =	vor.u32 v8, v13;
	_ =	sdelay $0x2  }
0xfd: {  	v14 =	vmax.bf16 v14, v15  }
0xfe: {  	[tilespmem:v17+s2+$0x0] =	vst.idx.msk $0xffff, v14  }
0xff: {  	v14 =	vld.idx.msk [tilespmem:v16+s2+$0x0], $0xffff  }
0x100: {  	v15 =	vld [tilespmem:s26+$0x0];
	_ =	sdelay $0x1  }
0x101: {  	v17 =	vor.u32 v9, v13;
	_ =	sdelay $0x2  }
0x102: {  	v14 =	vmax.bf16 v14, v15  }
0x103: {  	[tilespmem:v16+s2+$0x0] =	vst.idx.msk $0xffff, v14  }
0x104: {  	v14 =	vld.idx.msk [tilespmem:v17+s2+$0x0], $0xffff  }
0x105: {  	v15 =	vld [tilespmem:s26+$0x10];
	_ =	sdelay $0x1  }
0x106: {  	v16 =	vor.u32 v10, v13;
	_ =	sdelay $0x2  }
0x107: {  	v14 =	vmax.bf16 v14, v15  }
0x108: {  	[tilespmem:v17+s2+$0x0] =	vst.idx.msk $0xffff, v14  }
0x109: {  	v14 =	vld.idx.msk [tilespmem:v16+s2+$0x0], $0xffff  }
0x10a: {  	v15 =	vld [tilespmem:s26+$0x20];
	_ =	sdelay $0x1  }
0x10b: {  	v13 =	vor.u32 v11, v13;
	_ =	sdelay $0x2  }
0x10c: {  	v14 =	vmax.bf16 v14, v15  }
0x10d: {  	[tilespmem:v16+s2+$0x0] =	vst.idx.msk $0xffff, v14  }
0x10e: {  	v15 =	vld.idx.msk [tilespmem:v13+s2+$0x0], $0xffff  }
0x10f: {  	v16 =	vld [tilespmem:s26+$0x30]  }
.Ltmp13:
0x110: {  	s25 =	sadd.s32 $0x1, s25;
	(pc) =	sbr.rel @p3 .LBB2_15-.Ltmp13, $2  }
0x111: {  	v14 =	vmov s25;
	_ =	sdelay $0x2  }
0x112: {  	v15 =	vmax.bf16 v15, v16  }
.LBB2_16:
0x113: {  	_ =	sdelay $0x3  }
0x114: {  	[tilespmem:v13+s2+$0x0] =	vst.idx.msk @p2 $0xffff, v15  }
0x115: {  	v13 =	vld.idx.msk [tilespmem:v14+s10+$0x0], $0xffff;
	_ =	sdelay $0x4  }
0x116: {  	p3 =	slt.s32 s25, s15;
	v13 =	vshll.u32 v13, $0x7  }
0x117: {  	v13 =	vpsel !p3, $0x9C80, v13  }
0x118: {  	v14 =	vor.u32 v2, v13;
	_ =	sdelay $0x1  }
0x119: {  	s25 =	sadd.s32 @p2 $0x80, s26  }
0x11a: {  	s24 =	smov.u32 @p2 s25  }
0x11b: {  	v16 =	vld [tilespmem:s24+$0xFFFFFFC0]  }
0x11c: {  	v15 =	vld.idx.msk [tilespmem:v14+s2+$0x0], $0xffff;
	_ =	sdelay $0x1  }
0x11d: {  	v17 =	vor.u32 v5, v13;
	_ =	sdelay $0x2  }
0x11e: {  	v15 =	vmax.bf16 v15, v16  }
0x11f: {  	[tilespmem:v14+s2+$0x0] =	vst.idx.msk $0xffff, v15  }
0x120: {  	v14 =	vld.idx.msk [tilespmem:v17+s2+$0x0], $0xffff  }
0x121: {  	v15 =	vld [tilespmem:s24+$0xFFFFFFD0];
	_ =	sdelay $0x1  }
0x122: {  	v59 =	vor.u32 v6, v13;
	_ =	sdelay $0x2  }
0x123: {  	v14 =	vmax.bf16 v14, v15  }
0x124: {  	[tilespmem:v17+s2+$0x0] =	vst.idx.msk $0xffff, v14  }
0x125: {  	v14 =	vld.idx.msk [tilespmem:v59+s2+$0x0], $0xffff  }
0x126: {  	v15 =	vld [tilespmem:s24+$0xFFFFFFE0];
	_ =	sdelay $0x1  }
0x127: {  	v60 =	vor.u32 v7, v13;
	_ =	sdelay $0x2  }
0x128: {  	v14 =	vmax.bf16 v14, v15  }
0x129: {  	[tilespmem:v59+s2+$0x0] =	vst.idx.msk $0xffff, v14  }
0x12a: {  	v14 =	vld.idx.msk [tilespmem:v60+s2+$0x0], $0xffff  }
0x12b: {  	v15 =	vld [tilespmem:s24+$0xFFFFFFF0];
	_ =	sdelay $0x1  }
0x12c: {  	v61 =	vor.u32 v8, v13;
	_ =	sdelay $0x2  }
0x12d: {  	v14 =	vmax.bf16 v14, v15  }
0x12e: {  	[tilespmem:v60+s2+$0x0] =	vst.idx.msk $0xffff, v14  }
0x12f: {  	v14 =	vld.idx.msk [tilespmem:v61+s2+$0x0], $0xffff  }
0x130: {  	v15 =	vld [tilespmem:s24+$0x0];
	_ =	sdelay $0x1  }
0x131: {  	v62 =	vor.u32 v9, v13;
	_ =	sdelay $0x2  }
0x132: {  	v14 =	vmax.bf16 v14, v15  }
0x133: {  	[tilespmem:v61+s2+$0x0] =	vst.idx.msk $0xffff, v14  }
0x134: {  	v14 =	vld.idx.msk [tilespmem:v62+s2+$0x0], $0xffff  }
0x135: {  	v15 =	vld [tilespmem:s24+$0x10];
	_ =	sdelay $0x1  }
0x136: {  	v63 =	vor.u32 v10, v13;
	_ =	sdelay $0x2  }
0x137: {  	v14 =	vmax.bf16 v14, v15  }
0x138: {  	[tilespmem:v62+s2+$0x0] =	vst.idx.msk $0xffff, v14  }
0x139: {  	v14 =	vld.idx.msk [tilespmem:v63+s2+$0x0], $0xffff  }
0x13a: {  	v15 =	vld [tilespmem:s24+$0x20];
	_ =	sdelay $0x1  }
0x13b: {  	v13 =	vor.u32 v11, v13;
	_ =	sdelay $0x2  }
0x13c: {  	v14 =	vmax.bf16 v14, v15  }
0x13d: {  	[tilespmem:v63+s2+$0x0] =	vst.idx.msk $0xffff, v14  }
0x13e: {  	v14 =	vld.idx.msk [tilespmem:v13+s2+$0x0], $0xffff  }
0x13f: {  	v15 =	vld [tilespmem:s24+$0x30];
	_ =	sdelay $0x4  }
0x140: {  	v14 =	vmax.bf16 v14, v15  }
0x141: {  	[tilespmem:v13+s2+$0x0] =	vst.idx.msk $0xffff, v14  }
.LBB2_17:
0x142: {  	s24 =	sshll.u32 s22, $0x1  }
0x143: {  	s24 =	sadd.s32 @!p1 $0x2, s24  }
0x144: {  	p2 =	sge.s32 @!p1 s24, s16  }
0x145: {  	p2 =	por p2, p1  }
0x146: {  	s23 =	sshll.u32 @!p1 s23, $0x7;
	s24 =	sshll.u32 @!p2 s24, $0x9  }
0x147: {  	s23 =	ssub.s32 @!p1 s15, s23;
	s24 =	sshra.s32 @!p2 s24, $0x2  }
0x148: {  	s25 =	simm.s32 @!p2 $0x80;
	s26 =	simm.s32 @!p2 $0x11D80;
	s24 =	sadd.s32 @!p2 $0xBC80, s24  }
0x149: {  	[tilespmem:s26], [sflag:$0x1] =	stream.indirect.gather @!p2 [hbm4b:s3+s25], $0x80, s24, s25, $0xb8;
	[tilespmem:$0x19D80] =	vst v63  }
0x14a: {  	p2 =	slt.s32 @!p1 s23, $0x1  }
0x14b: {  	p2 =	por p1, p2  }
.Ltmp14:
0x14c: {  	_ = 	snop;
	(pc) =	sbr.rel @p2 .LBB2_24-.Ltmp14, $4  }
0x14d: {  	s24 =	simm.s32 @!p1 $0x2  }
0x14e: {  	_ =	swait.ge @!p1 [sflag:s24], $0x4000  }
0x14f: {  	[sflag:s24] =	ssyncset.done @!p1 $0x0  }
0x150: {  	[sflag:s24] =	ssyncadd.s32 @!p1 $0xFFFFC000  }
0x151: {  	p2 =	sgt.s32 s18, $0x1;
	s23 =	smov.u32 s18  }
0x152: {  	s23 =	simm.s32 @!p2 $0x1  }
0x153: {  	s24 =	smin.u32 s23, $0x80  }
0x154: {  	p2 =	sne.s32 s24, $0x1  }
.Ltmp15:
0x155: {  	_ = 	snop;
	(pc) =	sbr.rel @!p2 .LBB2_19-.Ltmp15, $2  }
0x156: {  	_ =	sdelay $0x2  }
0x157: {  	v14 =	vmov s20;
	s23 =	simm.s32 @!p1 $0x15DC0;
	p1 =	por $0x0, $0x0;
	s25 =	sadd.s32 $0xFFFFFFFF, s24  }
0x158: {  	_ =	sdelay $0x3  }
0x159: {  	v13 =	vld.idx.msk [tilespmem:v14+s10+$0x0], $0xffff;
	_ =	sdelay $0x4  }
0x15a: {  	p1 =	slt.s32 s20, s15;
	v13 =	vshll.u32 v13, $0x7  }
0x15b: {  	v13 =	vpsel !p1, $0x9C80, v13  }
0x15c: {  	v14 =	vor.u32 v2, v13;
	_ =	sdelay $0x3  }
0x15d: {  	v16 =	vld [tilespmem:s23+$0xFFFFFFC0]  }
0x15e: {  	v15 =	vld.idx.msk [tilespmem:v14+s2+$0x0], $0xffff;
	_ =	sdelay $0x1  }
0x15f: {  	v17 =	vor.u32 v5, v13;
	_ =	sdelay $0x2  }
0x160: {  	v15 =	vmax.bf16 v15, v16  }
0x161: {  	[tilespmem:v14+s2+$0x0] =	vst.idx.msk $0xffff, v15  }
0x162: {  	v14 =	vld.idx.msk [tilespmem:v17+s2+$0x0], $0xffff  }
0x163: {  	v15 =	vld [tilespmem:s23+$0xFFFFFFD0];
	_ =	sdelay $0x1  }
0x164: {  	v16 =	vor.u32 v6, v13;
	_ =	sdelay $0x2  }
0x165: {  	v14 =	vmax.bf16 v14, v15  }
0x166: {  	[tilespmem:v17+s2+$0x0] =	vst.idx.msk $0xffff, v14  }
0x167: {  	v14 =	vld.idx.msk [tilespmem:v16+s2+$0x0], $0xffff  }
0x168: {  	v15 =	vld [tilespmem:s23+$0xFFFFFFE0];
	_ =	sdelay $0x1  }
0x169: {  	v17 =	vor.u32 v7, v13;
	_ =	sdelay $0x2  }
0x16a: {  	v14 =	vmax.bf16 v14, v15  }
0x16b: {  	[tilespmem:v16+s2+$0x0] =	vst.idx.msk $0xffff, v14  }
0x16c: {  	v14 =	vld.idx.msk [tilespmem:v17+s2+$0x0], $0xffff  }
0x16d: {  	v15 =	vld [tilespmem:s23+$0xFFFFFFF0];
	_ =	sdelay $0x1  }
0x16e: {  	v16 =	vor.u32 v8, v13;
	_ =	sdelay $0x2  }
0x16f: {  	v14 =	vmax.bf16 v14, v15  }
0x170: {  	[tilespmem:v17+s2+$0x0] =	vst.idx.msk $0xffff, v14  }
0x171: {  	v14 =	vld.idx.msk [tilespmem:v16+s2+$0x0], $0xffff  }
0x172: {  	v15 =	vld [tilespmem:s23+$0x0];
	_ =	sdelay $0x1  }
0x173: {  	v17 =	vor.u32 v9, v13;
	_ =	sdelay $0x2  }
0x174: {  	v14 =	vmax.bf16 v14, v15  }
0x175: {  	[tilespmem:v16+s2+$0x0] =	vst.idx.msk $0xffff, v14  }
0x176: {  	v14 =	vld.idx.msk [tilespmem:v17+s2+$0x0], $0xffff  }
0x177: {  	v15 =	vld [tilespmem:s23+$0x10];
	_ =	sdelay $0x1  }
0x178: {  	v16 =	vor.u32 v10, v13;
	_ =	sdelay $0x2  }
0x179: {  	v14 =	vmax.bf16 v14, v15  }
0x17a: {  	[tilespmem:v17+s2+$0x0] =	vst.idx.msk $0xffff, v14  }
0x17b: {  	v14 =	vld.idx.msk [tilespmem:v16+s2+$0x0], $0xffff  }
0x17c: {  	v15 =	vld [tilespmem:s23+$0x20];
	_ =	sdelay $0x1  }
0x17d: {  	v13 =	vor.u32 v11, v13;
	_ =	sdelay $0x2  }
0x17e: {  	v14 =	vmax.bf16 v14, v15  }
0x17f: {  	[tilespmem:v16+s2+$0x0] =	vst.idx.msk $0xffff, v14  }
0x180: {  	v15 =	vld.idx.msk [tilespmem:v13+s2+$0x0], $0xffff  }
0x181: {  	p2 =	sne.s32 s25, $0x1;
	v16 =	vld [tilespmem:s23+$0x30]  }
.Ltmp16:
0x182: {  	s24 =	sadd.s32 $0x1, s20;
	(pc) =	sbr.rel @!p2 .LBB2_21-.Ltmp16, $2  }
0x183: {  	v14 =	vmov s24;
	_ =	sdelay $0x2  }
0x184: {  	s26 =	sadd.s32 $0xFFFFFFFF, s25;
	s25 =	smov.u32 s23;
	p1 =	por $0x1, $0x1;
	v15 =	vmax.bf16 v15, v16  }
.LBB2_22:
0x185: {  	p2 =	sne.s32 s26, $0x1;
	s26 =	sadd.s32 $0xFFFFFFFF, s26;
	[tilespmem:v13+s2+$0x0] =	vst.idx.msk $0xffff, v15;
	s25 =	sadd.s32 $0x80, s25  }
0x186: {  	v13 =	vld.idx.msk [tilespmem:v14+s10+$0x0], $0xffff;
	_ =	sdelay $0x5  }
0x187: {  	p3 =	slt.s32 s24, s15;
	v13 =	vshll.u32 v13, $0x7  }
0x188: {  	v13 =	vpsel !p3, $0x9C80, v13  }
0x189: {  	v14 =	vor.u32 v2, v13;
	_ =	sdelay $0x4  }
0x18a: {  	v15 =	vld.idx.msk [tilespmem:v14+s2+$0x0], $0xffff  }
0x18b: {  	v16 =	vld [tilespmem:s25+$0xFFFFFFC0];
	_ =	sdelay $0x1  }
0x18c: {  	v17 =	vor.u32 v5, v13;
	_ =	sdelay $0x2  }
0x18d: {  	v15 =	vmax.bf16 v15, v16  }
0x18e: {  	[tilespmem:v14+s2+$0x0] =	vst.idx.msk $0xffff, v15  }
0x18f: {  	v14 =	vld.idx.msk [tilespmem:v17+s2+$0x0], $0xffff  }
0x190: {  	v15 =	vld [tilespmem:s25+$0xFFFFFFD0];
	_ =	sdelay $0x1  }
0x191: {  	v16 =	vor.u32 v6, v13;
	_ =	sdelay $0x2  }
0x192: {  	v14 =	vmax.bf16 v14, v15  }
0x193: {  	[tilespmem:v17+s2+$0x0] =	vst.idx.msk $0xffff, v14  }
0x194: {  	v14 =	vld.idx.msk [tilespmem:v16+s2+$0x0], $0xffff  }
0x195: {  	v15 =	vld [tilespmem:s25+$0xFFFFFFE0];
	_ =	sdelay $0x1  }
0x196: {  	v17 =	vor.u32 v7, v13;
	_ =	sdelay $0x2  }
0x197: {  	v14 =	vmax.bf16 v14, v15  }
0x198: {  	[tilespmem:v16+s2+$0x0] =	vst.idx.msk $0xffff, v14  }
0x199: {  	v14 =	vld.idx.msk [tilespmem:v17+s2+$0x0], $0xffff  }
0x19a: {  	v15 =	vld [tilespmem:s25+$0xFFFFFFF0];
	_ =	sdelay $0x1  }
0x19b: {  	v16 =	vor.u32 v8, v13;
	_ =	sdelay $0x2  }
0x19c: {  	v14 =	vmax.bf16 v14, v15  }
0x19d: {  	[tilespmem:v17+s2+$0x0] =	vst.idx.msk $0xffff, v14  }
0x19e: {  	v14 =	vld.idx.msk [tilespmem:v16+s2+$0x0], $0xffff  }
0x19f: {  	v15 =	vld [tilespmem:s25+$0x0];
	_ =	sdelay $0x1  }
0x1a0: {  	v17 =	vor.u32 v9, v13;
	_ =	sdelay $0x2  }
0x1a1: {  	v14 =	vmax.bf16 v14, v15  }
0x1a2: {  	[tilespmem:v16+s2+$0x0] =	vst.idx.msk $0xffff, v14  }
0x1a3: {  	v14 =	vld.idx.msk [tilespmem:v17+s2+$0x0], $0xffff  }
0x1a4: {  	v15 =	vld [tilespmem:s25+$0x10];
	_ =	sdelay $0x1  }
0x1a5: {  	v16 =	vor.u32 v10, v13;
	_ =	sdelay $0x2  }
0x1a6: {  	v14 =	vmax.bf16 v14, v15  }
0x1a7: {  	[tilespmem:v17+s2+$0x0] =	vst.idx.msk $0xffff, v14  }
0x1a8: {  	v14 =	vld.idx.msk [tilespmem:v16+s2+$0x0], $0xffff  }
0x1a9: {  	v15 =	vld [tilespmem:s25+$0x20];
	_ =	sdelay $0x1  }
0x1aa: {  	v13 =	vor.u32 v11, v13;
	_ =	sdelay $0x2  }
0x1ab: {  	v14 =	vmax.bf16 v14, v15  }
0x1ac: {  	[tilespmem:v16+s2+$0x0] =	vst.idx.msk $0xffff, v14  }
0x1ad: {  	v15 =	vld.idx.msk [tilespmem:v13+s2+$0x0], $0xffff  }
0x1ae: {  	v16 =	vld [tilespmem:s25+$0x30]  }
.Ltmp17:
0x1af: {  	s24 =	sadd.s32 $0x1, s24;
	(pc) =	sbr.rel @p2 .LBB2_22-.Ltmp17, $2  }
0x1b0: {  	v14 =	vmov s24;
	_ =	sdelay $0x2  }
0x1b1: {  	v15 =	vmax.bf16 v15, v16  }
.Ltmp18:
0x1b2: {  	_ = 	snop;
	(pc) =	sbr.rel .LBB2_23-.Ltmp18, $1  }
0x1b3: {  	_ =	sdelay $0x3  }
.LBB2_12:
.Ltmp19:
0x1b4: {  	(pc) =	sbr.rel .LBB2_16-.Ltmp19, $2  }
0x1b5: {  	_ =	sdelay $0x2  }
0x1b6: {  	s26 =	simm.s32 $0x11DC0;
	s25 =	smov.u32 s19  }
.LBB2_14:
.Ltmp20:
0x1b7: {  	(pc) =	sbr.rel .LBB2_16-.Ltmp20, $2  }
0x1b8: {  	_ =	sdelay $0x2  }
0x1b9: {  	s26 =	simm.s32 $0x11DC0  }
.LBB2_21:
.Ltmp21:
0x1ba: {  	(pc) =	sbr.rel .LBB2_23-.Ltmp21, $2  }
0x1bb: {  	_ =	sdelay $0x2  }
0x1bc: {  	s25 =	smov.u32 s23  }
.LBB2_27:
0x1bd: {  	_ =	sfence.sel $0x180000  }
0x1be: {  	[bflag:$0x0] =	sbarrier.arrive $0xFFFF  }
0x1bf: {  	p0 =	sne.s32 s0, $0x0;
	_ =	strace $0x9000004A  }
0x1c0: {  	s0 =	sadd.s32 @!p0 $0x100000, s1;
	[bflag:$0x2] =	sbarrier.arrive $0xFFFF  }
0x1c1: {  	[sflag:s0] =	ssyncadd.tile.s32 @!p0 $0x1;
	_ =	shalt  }
.Lfunc_end2:
_tile_overlayer_lowered:
.L_overlay_start_2:
0x1c2: {  	(tag) =	ssettag $0x2  }
0x1c3: {  	s0 =	rddreg [dreg:$0x0];
	s2 =	stileid.u32  }
0x1c4: {  	s1 =	rddreg [dreg:$0x1];
	p0 =	sne.s32 s2, $0x0  }
0x1c5: {  	s3 =	rddreg [dreg:$0x2];
	[bflag:$0x3] =	sbarrier.arrive $0xFFFF;
	s2 =	simm.s32 @!p0 $0x1C03  }
0x1c6: {  	[timem:s3], [sflag:s2] =	dma.local @!p0 [hbm:s0], s1  }
0x1c7: {  	s0 =	simm.s32 @!p0 $0x3  }
0x1c8: {  	_ =	swait.ge @!p0 [sflag:s0], s1  }
0x1c9: {  	s1 =	ssub.s32 @!p0 $0x0, s1;
	[sflag:s0] =	ssyncset.done @!p0 $0x0  }
0x1ca: {  	[sflag:s0] =	ssyncadd.s32 @!p0 s1  }
0x1cb: {  	[bflag:$0x3] =	sbarrier.arrive $0xFFFF  }
0x1cc: {  	_ =	shalt  }

// kernel: kernel.7.cloned.1.call-start
scs
__scs_entry_jumppad:
0x0: {  	(pc) =	sbr.rel $0x88, $3  }
0x1: {  	(tag) =	ssettag $0x0;
	lr =	simm.s32 $0x1  }
0x2: {  	[smem:$0x3F96] =	sst lr;
	_ =	strace $0xD0000000  }
0x3: {  	_ = 	snop  }
0x4: {  	_ = 	snop  }
0x5: {  	_ = 	snop  }
0x6: {  	_ = 	snop  }
0x7: {  	_ = 	snop  }
__scs_overlays_trampoline_lowered:
0x8: {  	[smem:$0x3FA5] =	sst s0  }
0x9: {  	[smem:$0x3FA6] =	sst s1  }
0xa: {  	[smem:$0x3FA7] =	sst s2  }
0xb: {  	[smem:$0x3FA8] =	sst s3  }
0xc: {  	[smem:$0x3FA9] =	sst s4  }
0xd: {  	[smem:$0x3FAA] =	sst s5  }
0xe: {  	[smem:$0x3FAB] =	sst s6  }
0xf: {  	[smem:$0x3FAC] =	sst s7  }
0x10: {  	[smem:$0x3FAD] =	sst s8  }
0x11: {  	[smem:$0x3FAE] =	sst s9;
	s0 =	simm.s32 @!p0 $0x0  }
0x12: {  	s1 =	sld [smem:$0x3F94];
	s0 =	simm.s32 @p0 $0x1  }
0x13: {  	[smem:$0x3FAF] =	sst s0;
	s0 =	simm.s32 @!p1 $0x0  }
0x14: {  	s2 =	sld [smem:$0x3F93];
	s0 =	simm.s32 @p1 $0x1  }
0x15: {  	[smem:$0x3FB0] =	sst s0;
	s0 =	simm.s32 @!p2 $0x0  }
0x16: {  	s3 =	sld [smem:$0x3FDB];
	s0 =	simm.s32 @p2 $0x1  }
0x17: {  	s4 =	simm.s32 $0x1BF5;
	[smem:$0x3FB2] =	sst s0  }
0x18: {  	s0 =	sld [smem:$0x3F95];
	_ =	swait.ge [sflag:s4], $0x0  }
0x19: {  	s7 =	sld [smem:$0x3F96]  }
0x1a: {  	s8 =	sadd.s32 $0xFFFFE003, lr  }
0x1b: {  	s9 =	sadd.s32 $0xFFFFFEF7, lr;
	s5 =	simm.s32 $0xFFFFFFFF;
	p2 =	slt.u32 s8, $0xFFFFF086  }
0x1c: {  	p1 =	slt.u32 s9, $0xF7A;
	s5 =	simm.s32 @!p2 $0x0  }
0x1d: {  	s5 =	simm.s32 @p1 $0x1;
	p0 =	seq.s32 s7, s2  }
0x1e: {  	s7 =	smul.u32 @!p0 $0xF7A, s2;
	p2 =	seq.s32 @!p0 s5, $0x0  }
0x1f: {  	s9 =	smul.u32 $0xF7A, s1;
	s8 =	simm.s32 @!p0 $0x1BF5;
	p2 =	por !p2, p0  }
0x20: {  	[sflag:s8] =	ssyncset.s32 @!p0 $0xFFFFF086;
	s6 =	sadd.s32 @!p0 s3, s7;
	s7 =	simm.s32 @!p0 $0x108  }
0x21: {  	s3 =	sadd.s32 s3, s9;
	s6 =	sadd.s32 @!p0 $0x88, s6;
	s7 =	simm.s32 @p2 $0x1082  }
0x22: {  	[simem:s7], [sflag:s8] =	dma.local @!p0 [hbm:s6], $0xF7A  }
0x23: {  	s9 =	sor.u32 $0xD0000000, s2;
	s6 =	simm.s32 $0x108;
	_ =	swait.ge @!p0 [sflag:s8], $0x0  }
0x24: {  	s3 =	sadd.s32 $0x88, s3;
	s6 =	simm.s32 @!p1 $0x1082;
	[sflag:s4] =	ssyncset.s32 $0xFFFFF086  }
0x25: {  	[simem:s6], [sflag:s4] =	dma.local [hbm:s3], $0xF7A  }
0x26: {  	[smem:$0x3F96] =	sst s1;
	(tag) =	ssettag s2;
	_ =	strace s9  }
0x27: {  	s1 =	sld [smem:$0x3FA6]  }
0x28: {  	s2 =	sld [smem:$0x3FA7]  }
0x29: {  	s4 =	sld [smem:$0x3FA9]  }
0x2a: {  	p0 =	seq.s32 s5, $0x0;
	s5 =	sld [smem:$0x3FAA]  }
0x2b: {  	s6 =	sld [smem:$0x3FAB]  }
0x2c: {  	s7 =	sld [smem:$0x3FAC]  }
0x2d: {  	s3 =	simm.s32 $0x108;
	s8 =	sld [smem:$0x3FAD]  }
0x2e: {  	s3 =	simm.s32 @!p0 $0x1082;
	s9 =	sld [smem:$0x3FAE]  }
0x2f: {  	lr =	sadd.s32 s0, s3;
	s0 =	sld [smem:$0x3FA5]  }
0x30: {  	s3 =	sld [smem:$0x3FA8]  }
0x31: {  	[smem:$0x3FB1] =	sst s10  }
0x32: {  	s10 =	sld [smem:$0x3FAF];
	_ =	sdelay $0x3  }
0x33: {  	p0 =	seq.s32 s10, $0x1;
	s10 =	sld [smem:$0x3FB1];
	_ =	sdelay $0x3  }
0x34: {  	[smem:$0x3FB1] =	sst s10  }
0x35: {  	s10 =	sld [smem:$0x3FB0];
	_ =	sdelay $0x3  }
0x36: {  	p1 =	seq.s32 s10, $0x1;
	s10 =	sld [smem:$0x3FB1];
	_ =	sdelay $0x3  }
0x37: {  	[smem:$0x3FB1] =	sst s10  }
0x38: {  	s10 =	sld [smem:$0x3FB2]  }
0x39: {  	_ = 	snop;
	(pc) =	sbr.ind lr, $3  }
0x3a: {  	_ = 	snop  }
0x3b: {  	_ = 	snop  }
0x3c: {  	p2 =	seq.s32 s10, $0x1;
	s10 =	sld [smem:$0x3FB1]  }
0x3d: {  	_ =	shalt  }
0x3e: {  	_ =	shalt  }
0x3f: {  	_ =	shalt  }
0x40: {  	_ =	shalt  }
0x41: {  	_ =	shalt  }
0x42: {  	_ =	shalt  }
0x43: {  	_ =	shalt  }
0x44: {  	_ =	shalt  }
0x45: {  	_ =	shalt  }
0x46: {  	_ =	shalt  }
0x47: {  	_ =	shalt  }
0x48: {  	_ =	shalt  }
0x49: {  	_ =	shalt  }
0x4a: {  	_ =	shalt  }
0x4b: {  	_ =	shalt  }
0x4c: {  	_ =	shalt  }
0x4d: {  	_ =	shalt  }
0x4e: {  	_ =	shalt  }
0x4f: {  	_ =	shalt  }
0x50: {  	_ =	shalt  }
0x51: {  	_ =	shalt  }
0x52: {  	_ =	shalt  }
0x53: {  	_ =	shalt  }
0x54: {  	_ =	shalt  }
0x55: {  	_ =	shalt  }
0x56: {  	_ =	shalt  }
0x57: {  	_ =	shalt  }
0x58: {  	_ =	shalt  }
0x59: {  	_ =	shalt  }
0x5a: {  	_ =	shalt  }
0x5b: {  	_ =	shalt  }
0x5c: {  	_ =	shalt  }
0x5d: {  	_ =	shalt  }
0x5e: {  	_ =	shalt  }
0x5f: {  	_ =	shalt  }
0x60: {  	_ =	shalt  }
0x61: {  	_ =	shalt  }
0x62: {  	_ =	shalt  }
0x63: {  	_ =	shalt  }
0x64: {  	_ =	shalt  }
0x65: {  	_ =	shalt  }
0x66: {  	_ =	shalt  }
0x67: {  	_ =	shalt  }
0x68: {  	_ =	shalt  }
0x69: {  	_ =	shalt  }
0x6a: {  	_ =	shalt  }
0x6b: {  	_ =	shalt  }
0x6c: {  	_ =	shalt  }
0x6d: {  	_ =	shalt  }
0x6e: {  	_ =	shalt  }
0x6f: {  	_ =	shalt  }
0x70: {  	_ =	shalt  }
0x71: {  	_ =	shalt  }
0x72: {  	_ =	shalt  }
0x73: {  	_ =	shalt  }
0x74: {  	_ =	shalt  }
0x75: {  	_ =	shalt  }
0x76: {  	_ =	shalt  }
0x77: {  	_ =	shalt  }
0x78: {  	_ =	shalt  }
0x79: {  	_ =	shalt  }
0x7a: {  	_ =	shalt  }
0x7b: {  	_ =	shalt  }
0x7c: {  	_ =	shalt  }
0x7d: {  	_ =	shalt  }
0x7e: {  	_ =	shalt  }
0x7f: {  	_ =	shalt  }
0x80: {  	_ =	shalt  }
0x81: {  	_ =	shalt  }
0x82: {  	_ =	shalt  }
0x83: {  	_ =	shalt  }
0x84: {  	_ =	shalt  }
0x85: {  	_ =	shalt  }
0x86: {  	_ =	shalt  }
0x87: {  	_ =	shalt  }
.Lfunc_end0:
.L_simem_size_0:
called_computation_lowered:
.L_overlay_start_0:
0x88: {  	s2 =	sld [smem:$0x3FD9]  }
0x89: {  	s3 =	sld [smem:$0x3FFE];
	_ =	sdelay $0x1  }
0x8a: {  	s1 =	srdreg.scid  }
0x8b: {  	s0 =	sand.u32 $0x1, s1  }
0x8c: {  	s17 =	sshll.u32 s0, $0xA;
	s2 =	sadd.s32 s3, s2  }
0x8d: {  	s2 =	sadd.s32 s2, s17  }
0x8e: {  	[smem:$0x3FBD] =	sst s2  }
0x8f: {  	_ = 	snop  }
0x90: {  	s2 =	sld [smem:$0x3FD0];
	(tm) =	ssettm $0x1  }
0x91: {  	s18 =	sld [smem:$0x3FFB];
	_ =	sdelay $0x3  }
0x92: {  	_ =	strace s18  }
0x93: {  	s3 =	sld [smem:$0x3FFC];
	_ =	sdelay $0x3  }
0x94: {  	_ =	strace s3  }
0x95: {  	s3 =	sld [smem:$0x3FFD];
	_ =	sdelay $0x3  }
0x96: {  	_ =	strace s3  }
0x97: {  	_ =	strace $0x8FFFFFFF  }
0x98: {  	s19 =	sld [smem:$0x3FDB];
	_ =	sdelay $0x1  }
0x99: {  	s4 =	simm.s32 $_scs_section_size  }
0x9a: {  	s5 =	simm.s32 $_size__tile_overlayer_lowered;
	s6 =	simm.s32 $_tile_overlayer_lowered  }
0x9b: {  	s22 =	simm.s32 $0x1BFF;
	s21 =	sshll.u32 s6, $0x1;
	s3 =	sadd.s32 s4, s19  }
0x9c: {  	s7 =	simm.s32 $0x0;
	s20 =	sshll.u32 s5, $0x1;
	s5 =	sadd.s32 s21, s3  }
0x9d: {  	[timem:s7], [sflag:s22] =	dma.local [hbm:s5], s20  }
0x9e: {  	_ =	swait.ge [sflag:s22], s20  }
0x9f: {  	s4 =	ssub.s32 $0x0, s20;
	[sflag:s22] =	ssyncset.done $0x0  }
0xa0: {  	[sflag:s22] =	ssyncadd.s32 s4;
	_ =	sdelay $0x1  }
0xa1: {  	s23 =	simm.s32 $0x1B8B  }
0xa2: {  	_ =	swait.ge [sflag:s23], $0x1  }
0xa3: {  	[sflag:s23] =	ssyncset.done $0x0  }
0xa4: {  	s25 =	simm.s32 $0x1B8E;
	s24 =	sld [smem:$0x3FFE];
	[sflag:s23] =	ssyncadd.s32 $0xFFFFFFFF  }
0xa5: {  	s26 =	simm.s32 $execute0_lowered;
	[smem:$0x3FD2] =	sst s25  }
0xa6: {  	s5 =	sshll.u32 s26, $0x1;
	_ =	strace $0x80000046;
	[dreg:$0x1] =	wrdreg $0xFFFFFFFF  }
0xa7: {  	s28 =	simm.s32 $_size_execute0_lowered;
	s3 =	sadd.s32 s3, s5;
	[dreg:$0x0] =	wrdreg $0x0  }
0xa8: {  	s5 =	sshll.u32 s28, $0x1;
	[dreg:$0x2] =	wrdreg s3  }
0xa9: {  	[dreg:$0x3] =	wrdreg s5  }
0xaa: {  	[dreg:$0x4] =	wrdreg $0xC0  }
0xab: {  	_ =	task [dreg:s7], $0x5FFFF  }
0xac: {  	[dreg:$0x1] =	wrdreg $0xFFFFFFFF  }
0xad: {  	[dreg:$0x0] =	wrdreg $0x60  }
0xae: {  	[dreg:$0x2] =	wrdreg s2  }
0xaf: {  	[dreg:$0x3] =	wrdreg s24  }
0xb0: {  	[dreg:$0x4] =	wrdreg $0x9  }
0xb1: {  	_ =	task.clear_ibuf [dreg:s7], $0x5FFFF;
	_ =	strace $0x90000046  }
0xb2: {  	s29 =	simm.s32 $0x9;
	_ =	strace $0x80000048  }
0xb3: {  	_ =	swait.ge [sflag:s29], $0x1  }
0xb4: {  	[sflag:s29] =	ssyncadd.s32 $0xFFFFFFFF  }
0xb5: {  	_ =	strace $0x90000048  }
0xb6: {  	_ =	sfence  }
0xb7: {  	s30 =	sld [smem:$0x0];
	_ =	sdelay $0x2  }
0xb8: {  	s31 =	sshll.u32 s1, $0xD;
	s1 =	sshrl.u32 s1, $0x2  }
0xb9: {  	s3 =	sand.u32 $0x4000, s31;
	s1 =	sadd.s32 s1, s30  }
0xba: {  	s0 =	sor.u32 s3, s0;
	s1 =	sshll.u32 s1, $0x11  }
0xbb: {  	s0 =	sor.u32 s1, s0  }
0xbc: {  	s0 =	sadd.s32 $0x8F2B, s0  }
0xbd: {  	[sflag:s0] =	ssyncadd.remote.s32 $0x1  }
0xbe: {  	_ =	sfence.sel $0xFFFF  }
0xbf: {  	[dreg:$0x0] =	wrdreg $0xFFFFFFFF;
	(pc) =	sbr.abs _section_cstart, $3  }
0xc0: {  	[dreg:$0x1] =	wrdreg $0xFFFFFFFF  }
0xc1: {  	_ =	task.clear_ibuf [dreg:s7], $0x2FFFF;
	_ =	strace $0x9FFFFFFF  }
0xc2: {  	(tm) =	ssettm $0x7FFFFFFF  }
0xc3: {  	_ =	shalt  }
tec
execute0_lowered:
.L_overlay_start_1:
0x0: {  	(tag) =	ssettag $0x1  }
0x1: {  	s1 =	srdreg.scid;
	s0 =	stileid.u32  }
0x2: {  	s28 =	sand.u32 $0x1, s1;
	s30 =	sshll.u32 s0, $0x1  }
0x3: {  	s8 =	sor.u32 s28, s30  }
0x4: {  	s2 =	rddreg [dreg:$0x0];
	s16 =	smul.u32 $0x1388, s8  }
0x5: {  	s19 =	rddreg [dreg:$0x1];
	s3 =	simm.s32 $0x0  }
0x6: {  	[smem:$0x7FF] =	sst s3;
	s15 =	sadd.s32 $0x1800, s19;
	s17 =	sshrl.u32 s16, $0x3  }
0x7: {  	s4 =	simm.s32 $0x2;
	_ =	strace $0x80000047;
	s5 =	sadd.s32 s15, s17  }
0x8: {  	[tilespmem:s3], [sflag:$0x2] =	stream.linear.gather [hbm4b:s5+s3], $0x3E8, $0x38;
	[tilespmem:$0xFDE8] =	vst v63  }
0x9: {  	_ =	swait.ge [sflag:s4], $0x3E8  }
0xa: {  	[sflag:s4] =	ssyncset.done $0x0  }
0xb: {  	s6 =	simm.s32 $0x3E8;
	s7 =	simm.s32 $0x1;
	[sflag:s4] =	ssyncadd.s32 $0xFFFFFC18  }
0xc: {  	[tilespmem:s6], [sflag:$0x1] =	stream.indirect.gather [hbm4b:s2+s6], $0x40, s3, s6, $0xb8;
	[tilespmem:$0xFDE8] =	vst v63  }
0xd: {  	s20 =	smul.u32 $0x9C40, s8;
	_ =	swait.ge [sflag:s7], $0xFA00  }
0xe: {  	s18 =	sadd.s32 $0x157A00, s19;
	[sflag:s7] =	ssyncset.done $0x0  }
0xf: {  	s8 =	sadd.s32 s18, s20;
	[sflag:s7] =	ssyncadd.s32 $0xFFFF0600  }
0x10: {  	[hbm4b:s8+s3] =	stream.linear.scatter [tilespmem:s6], [sflag:$0x2], $0xFA00, $0x38;
	[tilespmem:$0xFDE8] =	vst v63  }
0x11: {  	s10 =	sadd.s32 $0x3E8, s16;
	_ =	swait.ge [sflag:s4], $0xFA00  }
0x12: {  	s21 =	sshrl.u32 s10, $0x3;
	[sflag:s4] =	ssyncset.done $0x0  }
0x13: {  	s9 =	sadd.s32 s15, s21;
	[sflag:s4] =	ssyncadd.s32 $0xFFFF0600  }
0x14: {  	[tilespmem:s3], [sflag:$0x2] =	stream.linear.gather [hbm4b:s9+s3], $0x3E8, $0x38;
	[tilespmem:$0xFDE8] =	vst v63  }
0x15: {  	_ =	swait.ge [sflag:s4], $0x3E8  }
0x16: {  	[sflag:s4] =	ssyncset.done $0x0  }
0x17: {  	[sflag:s4] =	ssyncadd.s32 $0xFFFFFC18  }
0x18: {  	[tilespmem:s6], [sflag:$0x1] =	stream.indirect.gather [hbm4b:s2+s6], $0x40, s3, s6, $0xb8;
	[tilespmem:$0xFDE8] =	vst v63  }
0x19: {  	_ =	swait.ge [sflag:s7], $0xFA00  }
0x1a: {  	s22 =	sshll.u32 s10, $0x3;
	[sflag:s7] =	ssyncset.done $0x0  }
0x1b: {  	s10 =	sadd.s32 s18, s22;
	[sflag:s7] =	ssyncadd.s32 $0xFFFF0600  }
0x1c: {  	[hbm4b:s10+s3] =	stream.linear.scatter [tilespmem:s6], [sflag:$0x2], $0xFA00, $0x38;
	[tilespmem:$0xFDE8] =	vst v63  }
0x1d: {  	s12 =	sadd.s32 $0x7D0, s16;
	_ =	swait.ge [sflag:s4], $0xFA00  }
0x1e: {  	s23 =	sshrl.u32 s12, $0x3;
	[sflag:s4] =	ssyncset.done $0x0  }
0x1f: {  	s11 =	sadd.s32 s15, s23;
	[sflag:s4] =	ssyncadd.s32 $0xFFFF0600  }
0x20: {  	[tilespmem:s3], [sflag:$0x2] =	stream.linear.gather [hbm4b:s11+s3], $0x3E8, $0x38;
	[tilespmem:$0xFDE8] =	vst v63  }
0x21: {  	_ =	swait.ge [sflag:s4], $0x3E8  }
0x22: {  	[sflag:s4] =	ssyncset.done $0x0  }
0x23: {  	[sflag:s4] =	ssyncadd.s32 $0xFFFFFC18  }
0x24: {  	[tilespmem:s6], [sflag:$0x1] =	stream.indirect.gather [hbm4b:s2+s6], $0x40, s3, s6, $0xb8;
	[tilespmem:$0xFDE8] =	vst v63  }
0x25: {  	_ =	swait.ge [sflag:s7], $0xFA00  }
0x26: {  	s24 =	sshll.u32 s12, $0x3;
	[sflag:s7] =	ssyncset.done $0x0  }
0x27: {  	s12 =	sadd.s32 s18, s24;
	[sflag:s7] =	ssyncadd.s32 $0xFFFF0600  }
0x28: {  	[hbm4b:s12+s3] =	stream.linear.scatter [tilespmem:s6], [sflag:$0x2], $0xFA00, $0x38;
	[tilespmem:$0xFDE8] =	vst v63  }
0x29: {  	s14 =	sadd.s32 $0xBB8, s16;
	_ =	swait.ge [sflag:s4], $0xFA00  }
0x2a: {  	s25 =	sshrl.u32 s14, $0x3;
	[sflag:s4] =	ssyncset.done $0x0  }
0x2b: {  	s13 =	sadd.s32 s15, s25;
	[sflag:s4] =	ssyncadd.s32 $0xFFFF0600  }
0x2c: {  	[tilespmem:s3], [sflag:$0x2] =	stream.linear.gather [hbm4b:s13+s3], $0x3E8, $0x38;
	[tilespmem:$0xFDE8] =	vst v63  }
0x2d: {  	_ =	swait.ge [sflag:s4], $0x3E8  }
0x2e: {  	[sflag:s4] =	ssyncset.done $0x0  }
0x2f: {  	[sflag:s4] =	ssyncadd.s32 $0xFFFFFC18  }
0x30: {  	[tilespmem:s6], [sflag:$0x1] =	stream.indirect.gather [hbm4b:s2+s6], $0x40, s3, s6, $0xb8;
	[tilespmem:$0xFDE8] =	vst v63  }
0x31: {  	_ =	swait.ge [sflag:s7], $0xFA00  }
0x32: {  	s26 =	sshll.u32 s14, $0x3;
	[sflag:s7] =	ssyncset.done $0x0  }
0x33: {  	s14 =	sadd.s32 s18, s26;
	[sflag:s7] =	ssyncadd.s32 $0xFFFF0600  }
0x34: {  	[hbm4b:s14+s3] =	stream.linear.scatter [tilespmem:s6], [sflag:$0x2], $0xFA00, $0x38;
	[tilespmem:$0xFDE8] =	vst v63  }
0x35: {  	s16 =	sadd.s32 $0xFA0, s16;
	_ =	swait.ge [sflag:s4], $0xFA00  }
0x36: {  	s30 =	sshrl.u32 s16, $0x3;
	[sflag:s4] =	ssyncset.done $0x0  }
0x37: {  	s15 =	sadd.s32 s15, s30;
	[sflag:s4] =	ssyncadd.s32 $0xFFFF0600  }
0x38: {  	[tilespmem:s3], [sflag:$0x2] =	stream.linear.gather [hbm4b:s15+s3], $0x3E8, $0x38;
	[tilespmem:$0xFDE8] =	vst v63  }
0x39: {  	_ =	swait.ge [sflag:s4], $0x3E8  }
0x3a: {  	[sflag:s4] =	ssyncset.done $0x0  }
0x3b: {  	[sflag:s4] =	ssyncadd.s32 $0xFFFFFC18  }
0x3c: {  	[tilespmem:s6], [sflag:$0x1] =	stream.indirect.gather [hbm4b:s2+s6], $0x40, s3, s6, $0xb8;
	[tilespmem:$0xFDE8] =	vst v63  }
0x3d: {  	_ =	swait.ge [sflag:s7], $0xFA00  }
0x3e: {  	s29 =	sshll.u32 s16, $0x3;
	[sflag:s7] =	ssyncset.done $0x0  }
0x3f: {  	s16 =	sadd.s32 s18, s29;
	[sflag:s7] =	ssyncadd.s32 $0xFFFF0600  }
0x40: {  	[hbm4b:s16+s3] =	stream.linear.scatter [tilespmem:s6], [sflag:$0x2], $0xFA00, $0x38;
	[tilespmem:$0xFDE8] =	vst v63  }
0x41: {  	_ =	swait.ge [sflag:s4], $0xFA00  }
0x42: {  	s31 =	sadd.s32 $0x6800, s19;
	[sflag:s4] =	ssyncset.done $0x0  }
0x43: {  	s17 =	sadd.s32 s31, s17;
	[sflag:s4] =	ssyncadd.s32 $0xFFFF0600  }
0x44: {  	[tilespmem:s3], [sflag:$0x2] =	stream.linear.gather [hbm4b:s17+s3], $0x3E8, $0x38;
	[tilespmem:$0xFDE8] =	vst v63  }
0x45: {  	_ =	swait.ge [sflag:s4], $0x3E8  }
0x46: {  	[sflag:s4] =	ssyncset.done $0x0  }
0x47: {  	s18 =	sadd.s32 $0xB800, s19;
	[sflag:s4] =	ssyncadd.s32 $0xFFFFFC18  }
0x48: {  	[tilespmem:s6], [sflag:$0x1] =	stream.indirect.gather [hbm4b:s18+s6], $0x40, s3, s6, $0xb8;
	[tilespmem:$0xFDE8] =	vst v63  }
0x49: {  	_ =	swait.ge [sflag:s7], $0xFA00  }
0x4a: {  	s1 =	sadd.s32 $0x1F200, s19;
	[sflag:s7] =	ssyncset.done $0x0  }
0x4b: {  	s19 =	sadd.s32 s1, s20;
	[sflag:s7] =	ssyncadd.s32 $0xFFFF0600  }
0x4c: {  	[hbm4b:s19+s3] =	stream.linear.scatter [tilespmem:s6], [sflag:$0x2], $0xFA00, $0x38;
	[tilespmem:$0xFDE8] =	vst v63  }
0x4d: {  	_ =	swait.ge [sflag:s4], $0xFA00  }
0x4e: {  	[sflag:s4] =	ssyncset.done $0x0  }
0x4f: {  	s20 =	sadd.s32 s31, s21;
	[sflag:s4] =	ssyncadd.s32 $0xFFFF0600  }
0x50: {  	[tilespmem:s3], [sflag:$0x2] =	stream.linear.gather [hbm4b:s20+s3], $0x3E8, $0x38;
	[tilespmem:$0xFDE8] =	vst v63  }
0x51: {  	_ =	swait.ge [sflag:s4], $0x3E8  }
0x52: {  	[sflag:s4] =	ssyncset.done $0x0  }
0x53: {  	[sflag:s4] =	ssyncadd.s32 $0xFFFFFC18  }
0x54: {  	[tilespmem:s6], [sflag:$0x1] =	stream.indirect.gather [hbm4b:s18+s6], $0x40, s3, s6, $0xb8;
	[tilespmem:$0xFDE8] =	vst v63  }
0x55: {  	_ =	swait.ge [sflag:s7], $0xFA00  }
0x56: {  	[sflag:s7] =	ssyncset.done $0x0  }
0x57: {  	s21 =	sadd.s32 s1, s22;
	[sflag:s7] =	ssyncadd.s32 $0xFFFF0600  }
0x58: {  	[hbm4b:s21+s3] =	stream.linear.scatter [tilespmem:s6], [sflag:$0x2], $0xFA00, $0x38;
	[tilespmem:$0xFDE8] =	vst v63  }
0x59: {  	_ =	swait.ge [sflag:s4], $0xFA00  }
0x5a: {  	[sflag:s4] =	ssyncset.done $0x0  }
0x5b: {  	s22 =	sadd.s32 s31, s23;
	[sflag:s4] =	ssyncadd.s32 $0xFFFF0600  }
0x5c: {  	[tilespmem:s3], [sflag:$0x2] =	stream.linear.gather [hbm4b:s22+s3], $0x3E8, $0x38;
	[tilespmem:$0xFDE8] =	vst v63  }
0x5d: {  	_ =	swait.ge [sflag:s4], $0x3E8  }
0x5e: {  	[sflag:s4] =	ssyncset.done $0x0  }
0x5f: {  	[sflag:s4] =	ssyncadd.s32 $0xFFFFFC18  }
0x60: {  	[tilespmem:s6], [sflag:$0x1] =	stream.indirect.gather [hbm4b:s18+s6], $0x40, s3, s6, $0xb8;
	[tilespmem:$0xFDE8] =	vst v63  }
0x61: {  	_ =	swait.ge [sflag:s7], $0xFA00  }
0x62: {  	[sflag:s7] =	ssyncset.done $0x0  }
0x63: {  	s23 =	sadd.s32 s1, s24;
	[sflag:s7] =	ssyncadd.s32 $0xFFFF0600  }
0x64: {  	[hbm4b:s23+s3] =	stream.linear.scatter [tilespmem:s6], [sflag:$0x2], $0xFA00, $0x38;
	[tilespmem:$0xFDE8] =	vst v63  }
0x65: {  	_ =	swait.ge [sflag:s4], $0xFA00  }
0x66: {  	[sflag:s4] =	ssyncset.done $0x0  }
0x67: {  	s24 =	sadd.s32 s31, s25;
	[sflag:s4] =	ssyncadd.s32 $0xFFFF0600  }
0x68: {  	[tilespmem:s3], [sflag:$0x2] =	stream.linear.gather [hbm4b:s24+s3], $0x3E8, $0x38;
	[tilespmem:$0xFDE8] =	vst v63  }
0x69: {  	_ =	swait.ge [sflag:s4], $0x3E8  }
0x6a: {  	[sflag:s4] =	ssyncset.done $0x0  }
0x6b: {  	[sflag:s4] =	ssyncadd.s32 $0xFFFFFC18  }
0x6c: {  	[tilespmem:s6], [sflag:$0x1] =	stream.indirect.gather [hbm4b:s18+s6], $0x40, s3, s6, $0xb8;
	[tilespmem:$0xFDE8] =	vst v63  }
0x6d: {  	_ =	swait.ge [sflag:s7], $0xFA00  }
0x6e: {  	[sflag:s7] =	ssyncset.done $0x0  }
0x6f: {  	s25 =	sadd.s32 s1, s26;
	[sflag:s7] =	ssyncadd.s32 $0xFFFF0600  }
0x70: {  	[hbm4b:s25+s3] =	stream.linear.scatter [tilespmem:s6], [sflag:$0x2], $0xFA00, $0x38;
	[tilespmem:$0xFDE8] =	vst v63  }
0x71: {  	_ =	swait.ge [sflag:s4], $0xFA00  }
0x72: {  	[sflag:s4] =	ssyncset.done $0x0  }
0x73: {  	s28 =	ssub.s32 $0x2, s28;
	s26 =	sadd.s32 s31, s30;
	[sflag:s4] =	ssyncadd.s32 $0xFFFF0600  }
0x74: {  	[tilespmem:s3], [sflag:$0x2] =	stream.linear.gather [hbm4b:s26+s3], $0x3E8, $0x38;
	[tilespmem:$0xFDE8] =	vst v63  }
0x75: {  	s31 =	sshrl.u32 s28, $0x1;
	_ =	swait.ge [sflag:s4], $0x3E8  }
0x76: {  	s30 =	ssub.s32 s28, s31;
	[sflag:s4] =	ssyncset.done $0x0  }
0x77: {  	s31 =	smax.u32 s30, $0x1;
	[sflag:s4] =	ssyncadd.s32 $0xFFFFFC18  }
0x78: {  	[tilespmem:s6], [sflag:$0x1] =	stream.indirect.gather [hbm4b:s18+s6], $0x40, s3, s6, $0xb8;
	[tilespmem:$0xFDE8] =	vst v63  }
0x79: {  	p0 =	sne.s32 s31, $0x1;
	_ =	swait.ge [sflag:s7], $0xFA00  }
.Ltmp0:
0x7a: {  	[sflag:s7] =	ssyncset.done $0x0;
	(pc) =	sbr.rel @!p0 .LBB2_2-.Ltmp0, $4  }
0x7b: {  	s28 =	sadd.s32 s1, s29;
	[sflag:s7] =	ssyncadd.s32 $0xFFFF0600  }
0x7c: {  	[hbm4b:s28+s3] =	stream.linear.scatter [tilespmem:s6], [sflag:$0x2], $0xFA00, $0x38;
	[tilespmem:$0xFDE8] =	vst v63  }
0x7d: {  	_ =	swait.ge [sflag:s4], $0xFA00  }
0x7e: {  	s29 =	sadd.s32 $0xFFFFFFFF, s31;
	[sflag:s4] =	ssyncset.done $0x0  }
.LBB2_1:
0x7f: {  	p0 =	sne.s32 s29, $0x1;
	s29 =	sadd.s32 $0xFFFFFFFF, s29;
	[sflag:s4] =	ssyncadd.s32 $0xFFFF0600  }
0x80: {  	[tilespmem:s3], [sflag:$0x2] =	stream.linear.gather [hbm4b:s5+s3], $0x3E8, $0x38;
	[tilespmem:$0xFDE8] =	vst v63  }
0x81: {  	_ =	swait.ge [sflag:s4], $0x3E8  }
0x82: {  	[sflag:s4] =	ssyncset.done $0x0  }
0x83: {  	[sflag:s4] =	ssyncadd.s32 $0xFFFFFC18  }
0x84: {  	[tilespmem:s6], [sflag:$0x1] =	stream.indirect.gather [hbm4b:s2+s6], $0x40, s3, s6, $0xb8;
	[tilespmem:$0xFDE8] =	vst v63  }
0x85: {  	_ =	swait.ge [sflag:s7], $0xFA00  }
0x86: {  	[sflag:s7] =	ssyncset.done $0x0  }
0x87: {  	[sflag:s7] =	ssyncadd.s32 $0xFFFF0600  }
0x88: {  	[hbm4b:s8+s3] =	stream.linear.scatter [tilespmem:s6], [sflag:$0x2], $0xFA00, $0x38;
	[tilespmem:$0xFDE8] =	vst v63  }
0x89: {  	_ =	swait.ge [sflag:s4], $0xFA00  }
0x8a: {  	[sflag:s4] =	ssyncset.done $0x0  }
0x8b: {  	[sflag:s4] =	ssyncadd.s32 $0xFFFF0600  }
0x8c: {  	[tilespmem:s3], [sflag:$0x2] =	stream.linear.gather [hbm4b:s9+s3], $0x3E8, $0x38;
	[tilespmem:$0xFDE8] =	vst v63  }
0x8d: {  	_ =	swait.ge [sflag:s4], $0x3E8  }
0x8e: {  	[sflag:s4] =	ssyncset.done $0x0  }
0x8f: {  	[sflag:s4] =	ssyncadd.s32 $0xFFFFFC18  }
0x90: {  	[tilespmem:s6], [sflag:$0x1] =	stream.indirect.gather [hbm4b:s2+s6], $0x40, s3, s6, $0xb8;
	[tilespmem:$0xFDE8] =	vst v63  }
0x91: {  	_ =	swait.ge [sflag:s7], $0xFA00  }
0x92: {  	[sflag:s7] =	ssyncset.done $0x0  }
0x93: {  	[sflag:s7] =	ssyncadd.s32 $0xFFFF0600  }
0x94: {  	[hbm4b:s10+s3] =	stream.linear.scatter [tilespmem:s6], [sflag:$0x2], $0xFA00, $0x38;
	[tilespmem:$0xFDE8] =	vst v63  }
0x95: {  	_ =	swait.ge [sflag:s4], $0xFA00  }
0x96: {  	[sflag:s4] =	ssyncset.done $0x0  }
0x97: {  	[sflag:s4] =	ssyncadd.s32 $0xFFFF0600  }
0x98: {  	[tilespmem:s3], [sflag:$0x2] =	stream.linear.gather [hbm4b:s11+s3], $0x3E8, $0x38;
	[tilespmem:$0xFDE8] =	vst v63  }
0x99: {  	_ =	swait.ge [sflag:s4], $0x3E8  }
0x9a: {  	[sflag:s4] =	ssyncset.done $0x0  }
0x9b: {  	[sflag:s4] =	ssyncadd.s32 $0xFFFFFC18  }
0x9c: {  	[tilespmem:s6], [sflag:$0x1] =	stream.indirect.gather [hbm4b:s2+s6], $0x40, s3, s6, $0xb8;
	[tilespmem:$0xFDE8] =	vst v63  }
0x9d: {  	_ =	swait.ge [sflag:s7], $0xFA00  }
0x9e: {  	[sflag:s7] =	ssyncset.done $0x0  }
0x9f: {  	[sflag:s7] =	ssyncadd.s32 $0xFFFF0600  }
0xa0: {  	[hbm4b:s12+s3] =	stream.linear.scatter [tilespmem:s6], [sflag:$0x2], $0xFA00, $0x38;
	[tilespmem:$0xFDE8] =	vst v63  }
0xa1: {  	_ =	swait.ge [sflag:s4], $0xFA00  }
0xa2: {  	[sflag:s4] =	ssyncset.done $0x0  }
0xa3: {  	[sflag:s4] =	ssyncadd.s32 $0xFFFF0600  }
0xa4: {  	[tilespmem:s3], [sflag:$0x2] =	stream.linear.gather [hbm4b:s13+s3], $0x3E8, $0x38;
	[tilespmem:$0xFDE8] =	vst v63  }
0xa5: {  	_ =	swait.ge [sflag:s4], $0x3E8  }
0xa6: {  	[sflag:s4] =	ssyncset.done $0x0  }
0xa7: {  	[sflag:s4] =	ssyncadd.s32 $0xFFFFFC18  }
0xa8: {  	[tilespmem:s6], [sflag:$0x1] =	stream.indirect.gather [hbm4b:s2+s6], $0x40, s3, s6, $0xb8;
	[tilespmem:$0xFDE8] =	vst v63  }
0xa9: {  	_ =	swait.ge [sflag:s7], $0xFA00  }
0xaa: {  	[sflag:s7] =	ssyncset.done $0x0  }
0xab: {  	[sflag:s7] =	ssyncadd.s32 $0xFFFF0600  }
0xac: {  	[hbm4b:s14+s3] =	stream.linear.scatter [tilespmem:s6], [sflag:$0x2], $0xFA00, $0x38;
	[tilespmem:$0xFDE8] =	vst v63  }
0xad: {  	_ =	swait.ge [sflag:s4], $0xFA00  }
0xae: {  	[sflag:s4] =	ssyncset.done $0x0  }
0xaf: {  	[sflag:s4] =	ssyncadd.s32 $0xFFFF0600  }
0xb0: {  	[tilespmem:s3], [sflag:$0x2] =	stream.linear.gather [hbm4b:s15+s3], $0x3E8, $0x38;
	[tilespmem:$0xFDE8] =	vst v63  }
0xb1: {  	_ =	swait.ge [sflag:s4], $0x3E8  }
0xb2: {  	[sflag:s4] =	ssyncset.done $0x0  }
0xb3: {  	[sflag:s4] =	ssyncadd.s32 $0xFFFFFC18  }
0xb4: {  	[tilespmem:s6], [sflag:$0x1] =	stream.indirect.gather [hbm4b:s2+s6], $0x40, s3, s6, $0xb8;
	[tilespmem:$0xFDE8] =	vst v63  }
0xb5: {  	_ =	swait.ge [sflag:s7], $0xFA00  }
0xb6: {  	[sflag:s7] =	ssyncset.done $0x0  }
0xb7: {  	[sflag:s7] =	ssyncadd.s32 $0xFFFF0600  }
0xb8: {  	[hbm4b:s16+s3] =	stream.linear.scatter [tilespmem:s6], [sflag:$0x2], $0xFA00, $0x38;
	[tilespmem:$0xFDE8] =	vst v63  }
0xb9: {  	_ =	swait.ge [sflag:s4], $0xFA00  }
0xba: {  	[sflag:s4] =	ssyncset.done $0x0  }
0xbb: {  	[sflag:s4] =	ssyncadd.s32 $0xFFFF0600  }
0xbc: {  	[tilespmem:s3], [sflag:$0x2] =	stream.linear.gather [hbm4b:s17+s3], $0x3E8, $0x38;
	[tilespmem:$0xFDE8] =	vst v63  }
0xbd: {  	_ =	swait.ge [sflag:s4], $0x3E8  }
0xbe: {  	[sflag:s4] =	ssyncset.done $0x0  }
0xbf: {  	[sflag:s4] =	ssyncadd.s32 $0xFFFFFC18  }
0xc0: {  	[tilespmem:s6], [sflag:$0x1] =	stream.indirect.gather [hbm4b:s18+s6], $0x40, s3, s6, $0xb8;
	[tilespmem:$0xFDE8] =	vst v63  }
0xc1: {  	_ =	swait.ge [sflag:s7], $0xFA00  }
0xc2: {  	[sflag:s7] =	ssyncset.done $0x0  }
0xc3: {  	[sflag:s7] =	ssyncadd.s32 $0xFFFF0600  }
0xc4: {  	[hbm4b:s19+s3] =	stream.linear.scatter [tilespmem:s6], [sflag:$0x2], $0xFA00, $0x38;
	[tilespmem:$0xFDE8] =	vst v63  }
0xc5: {  	_ =	swait.ge [sflag:s4], $0xFA00  }
0xc6: {  	[sflag:s4] =	ssyncset.done $0x0  }
0xc7: {  	[sflag:s4] =	ssyncadd.s32 $0xFFFF0600  }
0xc8: {  	[tilespmem:s3], [sflag:$0x2] =	stream.linear.gather [hbm4b:s20+s3], $0x3E8, $0x38;
	[tilespmem:$0xFDE8] =	vst v63  }
0xc9: {  	_ =	swait.ge [sflag:s4], $0x3E8  }
0xca: {  	[sflag:s4] =	ssyncset.done $0x0  }
0xcb: {  	[sflag:s4] =	ssyncadd.s32 $0xFFFFFC18  }
0xcc: {  	[tilespmem:s6], [sflag:$0x1] =	stream.indirect.gather [hbm4b:s18+s6], $0x40, s3, s6, $0xb8;
	[tilespmem:$0xFDE8] =	vst v63  }
0xcd: {  	_ =	swait.ge [sflag:s7], $0xFA00  }
0xce: {  	[sflag:s7] =	ssyncset.done $0x0  }
0xcf: {  	[sflag:s7] =	ssyncadd.s32 $0xFFFF0600  }
0xd0: {  	[hbm4b:s21+s3] =	stream.linear.scatter [tilespmem:s6], [sflag:$0x2], $0xFA00, $0x38;
	[tilespmem:$0xFDE8] =	vst v63  }
0xd1: {  	_ =	swait.ge [sflag:s4], $0xFA00  }
0xd2: {  	[sflag:s4] =	ssyncset.done $0x0  }
0xd3: {  	[sflag:s4] =	ssyncadd.s32 $0xFFFF0600  }
0xd4: {  	[tilespmem:s3], [sflag:$0x2] =	stream.linear.gather [hbm4b:s22+s3], $0x3E8, $0x38;
	[tilespmem:$0xFDE8] =	vst v63  }
0xd5: {  	_ =	swait.ge [sflag:s4], $0x3E8  }
0xd6: {  	[sflag:s4] =	ssyncset.done $0x0  }
0xd7: {  	[sflag:s4] =	ssyncadd.s32 $0xFFFFFC18  }
0xd8: {  	[tilespmem:s6], [sflag:$0x1] =	stream.indirect.gather [hbm4b:s18+s6], $0x40, s3, s6, $0xb8;
	[tilespmem:$0xFDE8] =	vst v63  }
0xd9: {  	_ =	swait.ge [sflag:s7], $0xFA00  }
0xda: {  	[sflag:s7] =	ssyncset.done $0x0  }
0xdb: {  	[sflag:s7] =	ssyncadd.s32 $0xFFFF0600  }
0xdc: {  	[hbm4b:s23+s3] =	stream.linear.scatter [tilespmem:s6], [sflag:$0x2], $0xFA00, $0x38;
	[tilespmem:$0xFDE8] =	vst v63  }
0xdd: {  	_ =	swait.ge [sflag:s4], $0xFA00  }
0xde: {  	[sflag:s4] =	ssyncset.done $0x0  }
0xdf: {  	[sflag:s4] =	ssyncadd.s32 $0xFFFF0600  }
0xe0: {  	[tilespmem:s3], [sflag:$0x2] =	stream.linear.gather [hbm4b:s24+s3], $0x3E8, $0x38;
	[tilespmem:$0xFDE8] =	vst v63  }
0xe1: {  	_ =	swait.ge [sflag:s4], $0x3E8  }
0xe2: {  	[sflag:s4] =	ssyncset.done $0x0  }
0xe3: {  	[sflag:s4] =	ssyncadd.s32 $0xFFFFFC18  }
0xe4: {  	[tilespmem:s6], [sflag:$0x1] =	stream.indirect.gather [hbm4b:s18+s6], $0x40, s3, s6, $0xb8;
	[tilespmem:$0xFDE8] =	vst v63  }
0xe5: {  	_ =	swait.ge [sflag:s7], $0xFA00  }
0xe6: {  	[sflag:s7] =	ssyncset.done $0x0  }
0xe7: {  	[sflag:s7] =	ssyncadd.s32 $0xFFFF0600  }
0xe8: {  	[hbm4b:s25+s3] =	stream.linear.scatter [tilespmem:s6], [sflag:$0x2], $0xFA00, $0x38;
	[tilespmem:$0xFDE8] =	vst v63  }
0xe9: {  	_ =	swait.ge [sflag:s4], $0xFA00  }
0xea: {  	[sflag:s4] =	ssyncset.done $0x0  }
0xeb: {  	[sflag:s4] =	ssyncadd.s32 $0xFFFF0600  }
0xec: {  	[tilespmem:s3], [sflag:$0x2] =	stream.linear.gather [hbm4b:s26+s3], $0x3E8, $0x38;
	[tilespmem:$0xFDE8] =	vst v63  }
0xed: {  	_ =	swait.ge [sflag:s4], $0x3E8  }
0xee: {  	[sflag:s4] =	ssyncset.done $0x0  }
0xef: {  	[sflag:s4] =	ssyncadd.s32 $0xFFFFFC18  }
0xf0: {  	[tilespmem:s6], [sflag:$0x1] =	stream.indirect.gather [hbm4b:s18+s6], $0x40, s3, s6, $0xb8;
	[tilespmem:$0xFDE8] =	vst v63  }
0xf1: {  	_ =	swait.ge [sflag:s7], $0xFA00  }
.Ltmp1:
0xf2: {  	[sflag:s7] =	ssyncset.done $0x0;
	(pc) =	sbr.rel @p0 .LBB2_1-.Ltmp1, $4  }
0xf3: {  	[sflag:s7] =	ssyncadd.s32 $0xFFFF0600  }
0xf4: {  	[hbm4b:s28+s3] =	stream.linear.scatter [tilespmem:s6], [sflag:$0x2], $0xFA00, $0x38;
	[tilespmem:$0xFDE8] =	vst v63  }
0xf5: {  	_ =	swait.ge [sflag:s4], $0xFA00  }
0xf6: {  	[sflag:s4] =	ssyncset.done $0x0  }
.LBB2_2:
0xf7: {  	[sflag:s4] =	ssyncadd.s32 $0xFFFF0600  }
0xf8: {  	_ =	sfence.sel $0x180000  }
0xf9: {  	[bflag:$0x0] =	sbarrier.arrive $0xFFFF  }
0xfa: {  	_ =	strace $0x90000047  }
0xfb: {  	[bflag:$0x2] =	sbarrier.arrive $0xFFFF  }
0xfc: {  	p0 =	sne.s32 s0, $0x0;
	s0 =	rddreg [dreg:$0x2]  }
0xfd: {  	s0 =	sadd.s32 @!p0 $0x100000, s0  }
0xfe: {  	[sflag:s0] =	ssyncadd.tile.s32 @!p0 $0x1;
	_ =	shalt  }
.Lfunc_end2:
_tile_overlayer_lowered:
.L_overlay_start_2:
0xff: {  	(tag) =	ssettag $0x2  }
0x100: {  	s0 =	rddreg [dreg:$0x0];
	s2 =	stileid.u32  }
0x101: {  	s1 =	rddreg [dreg:$0x1];
	p0 =	sne.s32 s2, $0x0  }
0x102: {  	s3 =	rddreg [dreg:$0x2];
	[bflag:$0x3] =	sbarrier.arrive $0xFFFF;
	s2 =	simm.s32 @!p0 $0x1C02  }
0x103: {  	[timem:s3], [sflag:s2] =	dma.local @!p0 [hbm:s0], s1  }
0x104: {  	s0 =	simm.s32 @!p0 $0x2  }
0x105: {  	_ =	swait.ge @!p0 [sflag:s0], s1  }
0x106: {  	s1 =	ssub.s32 @!p0 $0x0, s1;
	[sflag:s0] =	ssyncset.done @!p0 $0x0  }
0x107: {  	[sflag:s0] =	ssyncadd.s32 @!p0 s1  }
0x108: {  	[bflag:$0x3] =	sbarrier.arrive $0xFFFF  }
0x109: {  	_ =	shalt  }

</sc_bundles>
